<compile_context>
chip_gen: v7x
topology: tpu7x:2x2x1
jax: 0.10.2.dev20260603
libtpu: 0.0.44.dev20260713+nightly
codegen_flags: <defaults>
</compile_context>

<pallas_src>
import functools

import jax
import jax.numpy as jnp
from jax import lax
from jax.experimental import pallas as pl
from jax.experimental.pallas import tpu as pltpu
from jax.experimental.pallas import tpu_sc as plsc

B = 4096
SEQ = 200
D = 128
LANES = 16
DCHUNKS = D // LANES
S0 = 104
S1 = SEQ - S0

NC = 2
NS = 16
NW = NC * NS
RPW = B // NW
NBUF = 3
UNROLL = 4


def _build():
    mesh = plsc.VectorSubcoreMesh(core_axis_name="c", subcore_axis_name="s")

    @functools.partial(
        pl.kernel,
        mesh=mesh,
        out_type=jax.ShapeDtypeStruct((B, D), jnp.float32),
        scratch_types=[
            pltpu.VMEM((RPW * SEQ,), jnp.int32),
            pltpu.VMEM((SEQ, D), jnp.float32),
            pltpu.VMEM((SEQ, D), jnp.float32),
            pltpu.VMEM((SEQ, D), jnp.float32),
            pltpu.VMEM((RPW, D), jnp.float32),
            pltpu.SemaphoreType.DMA,
            pltpu.SemaphoreType.DMA,
            pltpu.SemaphoreType.DMA,
        ],
    )
    def k(x_hbm, table_hbm, out_hbm, idx_v, buf0, buf1, buf2, out_v,
          sem0, sem1, sem2):
        cid = lax.axis_index("c")
        sid = lax.axis_index("s")
        wid = sid * NC + cid
        base = wid * RPW

        pltpu.sync_copy(x_hbm.at[pl.ds(base * SEQ, RPW * SEQ)], idx_v)

        bufs = (buf0, buf1, buf2)
        sems = (sem0, sem1, sem2)

        def start(r, j):
            pltpu.async_copy(
                table_hbm.at[idx_v.at[pl.ds(r * SEQ, S0)]],
                bufs[j].at[pl.ds(0, S0)],
                sems[j],
            )
            pltpu.async_copy(
                table_hbm.at[idx_v.at[pl.ds(r * SEQ + S0, S1)]],
                bufs[j].at[pl.ds(S0, S1)],
                sems[j],
            )

        def wait(j):
            pltpu.make_async_copy(
                table_hbm.at[pl.ds(0, SEQ)], bufs[j], sems[j]
            ).wait()

        def reduce_row(r, j):
            buf = bufs[j]

            def body(i, accs):
                return tuple(
                    accs[d] + buf[i, pl.ds(d * LANES, LANES)]
                    for d in range(DCHUNKS)
                )

            accs = lax.fori_loop(
                0, SEQ, body,
                tuple(jnp.zeros((LANES,), jnp.float32) for _ in range(DCHUNKS)),
                unroll=UNROLL,
            )
            for d in range(DCHUNKS):
                out_v[r, pl.ds(d * LANES, LANES)] = accs[d] * (1.0 / SEQ)

        for j in range(NBUF):
            start(j, j)

        n_main = (RPW - NBUF) // NBUF
        def outer(i, carry):
            for j in range(NBUF):
                r = NBUF * i + j
                wait(j)
                reduce_row(r, j)
                start(r + NBUF, j)
            return carry

        lax.fori_loop(0, n_main, outer, 0)

        for r in range(NBUF * n_main, RPW):
            j = r % NBUF
            wait(j)
            reduce_row(r, j)
            if r + NBUF < RPW:
                start(r + NBUF, j)

        pltpu.sync_copy(out_v, out_hbm.at[pl.ds(base, RPW)])

    return k


_pooled_lookup = _build()


def kernel(x, table):
    return _pooled_lookup(x.astype(jnp.int32).reshape(-1), table)

# --- scband reference (transcript-rebuilt; emitter-appended) ---
"""Pipeline reference for scband-triplet-embedding-model-17248588661460 (READ-ONLY COPY).

The authoritative reference and input builder live on the scoring server;
editing this copy changes nothing except your own understanding.
"""

import jax, jax.numpy as jnp
import numpy as np

NUM_EMBEDDINGS = 100000
EMBEDDING_DIM = 128
BATCH = 4096
SEQ = 200

def setup_inputs(seed: int = 0) -> dict:
    key = jax.random.key(seed)
    k1, k2 = jax.random.split(key)
    x = jax.random.randint(k1, (BATCH, SEQ), 0, NUM_EMBEDDINGS, dtype=jnp.int64 if jax.config.jax_enable_x64 else jnp.int32)
    table = jax.random.normal(k2, (NUM_EMBEDDINGS, EMBEDDING_DIM), dtype=jnp.float32)
    return {"x": x, "table": table}

def reference(x, table):
    # nn.Embedding lookup: [B, L] -> [B, L, D]
    emb = jnp.take(table, x, axis=0)
    # permute(0,2,1) -> [B, D, L]; AdaptiveAvgPool1d(1) -> mean over L; squeeze -> [B, D]
    out = jnp.mean(emb, axis=1)
    return out

if __name__ == "__main__":
    import jax
    _d = setup_inputs()
    print(jax.jit(kernel)(*tuple(_d.values())))

</pallas_src>

<mosaic_0001>
#map = affine_map<(d0, d1) -> (0)>
#map1 = affine_map<(d0, d1) -> (0, 0)>
module attributes {stable_mosaic.version = 14 : i64} {
  func.func @k(%arg0: i32, %arg1: i32, %arg2: memref<819200xi32, #tpu.memory_space<hbm>>, %arg3: memref<100000x128xf32, #tpu.memory_space<hbm>>, %arg4: memref<4096x128xf32, #tpu.memory_space<hbm>>, %arg5: memref<25600xi32, #tpu.memory_space<vmem>>, %arg6: memref<200x128xf32, #tpu.memory_space<vmem>>, %arg7: memref<200x128xf32, #tpu.memory_space<vmem>>, %arg8: memref<200x128xf32, #tpu.memory_space<vmem>>, %arg9: memref<128x128xf32, #tpu.memory_space<vmem>>, %arg10: memref<!tpu.dma_semaphore, #tpu.memory_space<semaphore_mem>>, %arg11: memref<!tpu.dma_semaphore, #tpu.memory_space<semaphore_mem>>, %arg12: memref<!tpu.dma_semaphore, #tpu.memory_space<semaphore_mem>>) attributes {dimension_semantics = [#tpu.dimension_semantics<core_parallel>, #tpu.dimension_semantics<subcore_parallel>], iteration_bounds = array<i64: 2, 16>, scalar_prefetch = 0 : i64, scratch_operands = 8 : i64, tpu.core_type = #tpu.core_type<sc_vector_subcore>, window_params = [{transform_indices = #map}, {transform_indices = #map1}, {transform_indices = #map1}]} {
    %mul3A = arith.constant 2 : i32
    %mul3A_0 = arith.muli %arg1, %mul3A : i32
    %add3A = arith.addi %mul3A_0, %arg0 : i32
    %mul3A_1 = arith.constant 128 : i32
    %mul3A_2 = arith.muli %add3A, %mul3A_1 : i32
    %mul3A_3 = arith.constant 200 : i32
    %mul3A_4 = arith.muli %mul3A_2, %mul3A_3 : i32
    "tpu.region"() ({
      %run_scoped3A = tpu.sem_alloc : memref<!tpu.dma_semaphore, #tpu.memory_space<semaphore_mem>>
      %dma_start3A_586 = tpu.memref_slice %arg2[%mul3A_4] : memref<819200xi32, #tpu.memory_space<hbm>> -> memref<25600xi32, #tpu.memory_space<hbm>>
      %dma_start3A_587 = tpu.memref_slice %arg2[%mul3A_4] : memref<819200xi32, #tpu.memory_space<hbm>> -> memref<25600xi32, #tpu.memory_space<hbm>>
      tpu.enqueue_dma source(%dma_start3A_587 : memref<25600xi32, #tpu.memory_space<hbm>>) target(%arg5 : memref<25600xi32, #tpu.memory_space<vmem>>) target_semaphore(%run_scoped3A : memref<!tpu.dma_semaphore, #tpu.memory_space<semaphore_mem>>)
      %dma_wait3A_588 = tpu.memref_slice %arg2[%mul3A_4] : memref<819200xi32, #tpu.memory_space<hbm>> -> memref<25600xi32, #tpu.memory_space<hbm>>
      %dma_wait3A_589 = tpu.memref_slice %arg2[%mul3A_4] : memref<819200xi32, #tpu.memory_space<hbm>> -> memref<25600xi32, #tpu.memory_space<hbm>>
      tpu.wait_dma2 semaphore(%run_scoped3A : memref<!tpu.dma_semaphore, #tpu.memory_space<semaphore_mem>>) src(%dma_wait3A_589 : memref<25600xi32, #tpu.memory_space<hbm>>) dst(%arg5 : memref<25600xi32, #tpu.memory_space<vmem>>)
      tpu.yield
    }) : () -> ()
    %dma_start3A = arith.constant 0 : i32
    %dma_start3A_5 = arith.constant 0 : i32
    %dma_start3A_6 = tpu.memref_slice %arg6[%dma_start3A, %dma_start3A_5] : memref<200x128xf32, #tpu.memory_space<vmem>> -> memref<104x128xf32, #tpu.memory_space<vmem>>
    %dma_start3A_7 = arith.constant 0 : i32
    %dma_start3A_8 = tpu.memref_slice %arg5[%dma_start3A_7] : memref<25600xi32, #tpu.memory_space<vmem>> -> memref<104xi32, #tpu.memory_space<vmem>>
    %dma_start3A_9 = arith.constant 0 : i32
    %dma_start3A_10 = arith.constant 0 : i32
    %dma_start3A_11 = tpu.memref_slice %arg3[%dma_start3A_9, %dma_start3A_10] : memref<100000x128xf32, #tpu.memory_space<hbm>> -> memref<100000x128xf32, #tpu.memory_space<hbm>>
    tpu.enqueue_indirect_dma source(%dma_start3A_11 : memref<100000x128xf32, #tpu.memory_space<hbm>>) target(%dma_start3A_6 : memref<104x128xf32, #tpu.memory_space<vmem>>) offsets(%dma_start3A_8 : memref<104xi32, #tpu.memory_space<vmem>>) semaphore(%arg10 : memref<!tpu.dma_semaphore, #tpu.memory_space<semaphore_mem>>)
    %dma_start3A_12 = arith.constant 104 : i32
    %dma_start3A_13 = arith.constant 0 : i32
    %dma_start3A_14 = tpu.memref_slice %arg6[%dma_start3A_12, %dma_start3A_13] : memref<200x128xf32, #tpu.memory_space<vmem>> -> memref<96x128xf32, #tpu.memory_space<vmem>>
    %dma_start3A_15 = arith.constant 104 : i32
    %dma_start3A_16 = tpu.memref_slice %arg5[%dma_start3A_15] : memref<25600xi32, #tpu.memory_space<vmem>> -> memref<96xi32, #tpu.memory_space<vmem>>
    %dma_start3A_17 = arith.constant 0 : i32
    %dma_start3A_18 = arith.constant 0 : i32
    %dma_start3A_19 = tpu.memref_slice %arg3[%dma_start3A_17, %dma_start3A_18] : memref<100000x128xf32, #tpu.memory_space<hbm>> -> memref<100000x128xf32, #tpu.memory_space<hbm>>
    tpu.enqueue_indirect_dma source(%dma_start3A_19 : memref<100000x128xf32, #tpu.memory_space<hbm>>) target(%dma_start3A_14 : memref<96x128xf32, #tpu.memory_space<vmem>>) offsets(%dma_start3A_16 : memref<96xi32, #tpu.memory_space<vmem>>) semaphore(%arg10 : memref<!tpu.dma_semaphore, #tpu.memory_space<semaphore_mem>>)
    %dma_start3A_20 = arith.constant 0 : i32
    %dma_start3A_21 = arith.constant 0 : i32
    %dma_start3A_22 = tpu.memref_slice %arg7[%dma_start3A_20, %dma_start3A_21] : memref<200x128xf32, #tpu.memory_space<vmem>> -> memref<104x128xf32, #tpu.memory_space<vmem>>
    %dma_start3A_23 = arith.constant 200 : i32
    %dma_start3A_24 = tpu.memref_slice %arg5[%dma_start3A_23] : memref<25600xi32, #tpu.memory_space<vmem>> -> memref<104xi32, #tpu.memory_space<vmem>>
    %dma_start3A_25 = arith.constant 0 : i32
    %dma_start3A_26 = arith.constant 0 : i32
    %dma_start3A_27 = tpu.memref_slice %arg3[%dma_start3A_25, %dma_start3A_26] : memref<100000x128xf32, #tpu.memory_space<hbm>> -> memref<100000x128xf32, #tpu.memory_space<hbm>>
    tpu.enqueue_indirect_dma source(%dma_start3A_27 : memref<100000x128xf32, #tpu.memory_space<hbm>>) target(%dma_start3A_22 : memref<104x128xf32, #tpu.memory_space<vmem>>) offsets(%dma_start3A_24 : memref<104xi32, #tpu.memory_space<vmem>>) semaphore(%arg11 : memref<!tpu.dma_semaphore, #tpu.memory_space<semaphore_mem>>)
    %dma_start3A_28 = arith.constant 104 : i32
    %dma_start3A_29 = arith.constant 0 : i32
    %dma_start3A_30 = tpu.memref_slice %arg7[%dma_start3A_28, %dma_start3A_29] : memref<200x128xf32, #tpu.memory_space<vmem>> -> memref<96x128xf32, #tpu.memory_space<vmem>>
    %dma_start3A_31 = arith.constant 304 : i32
    %dma_start3A_32 = tpu.memref_slice %arg5[%dma_start3A_31] : memref<25600xi32, #tpu.memory_space<vmem>> -> memref<96xi32, #tpu.memory_space<vmem>>
    %dma_start3A_33 = arith.constant 0 : i32
    %dma_start3A_34 = arith.constant 0 : i32
    %dma_start3A_35 = tpu.memref_slice %arg3[%dma_start3A_33, %dma_start3A_34] : memref<100000x128xf32, #tpu.memory_space<hbm>> -> memref<100000x128xf32, #tpu.memory_space<hbm>>
    tpu.enqueue_indirect_dma source(%dma_start3A_35 : memref<100000x128xf32, #tpu.memory_space<hbm>>) target(%dma_start3A_30 : memref<96x128xf32, #tpu.memory_space<vmem>>) offsets(%dma_start3A_32 : memref<96xi32, #tpu.memory_space<vmem>>) semaphore(%arg11 : memref<!tpu.dma_semaphore, #tpu.memory_space<semaphore_mem>>)
    %dma_start3A_36 = arith.constant 0 : i32
    %dma_start3A_37 = arith.constant 0 : i32
    %dma_start3A_38 = tpu.memref_slice %arg8[%dma_start3A_36, %dma_start3A_37] : memref<200x128xf32, #tpu.memory_space<vmem>> -> memref<104x128xf32, #tpu.memory_space<vmem>>
    %dma_start3A_39 = arith.constant 400 : i32
    %dma_start3A_40 = tpu.memref_slice %arg5[%dma_start3A_39] : memref<25600xi32, #tpu.memory_space<vmem>> -> memref<104xi32, #tpu.memory_space<vmem>>
    %dma_start3A_41 = arith.constant 0 : i32
    %dma_start3A_42 = arith.constant 0 : i32
    %dma_start3A_43 = tpu.memref_slice %arg3[%dma_start3A_41, %dma_start3A_42] : memref<100000x128xf32, #tpu.memory_space<hbm>> -> memref<100000x128xf32, #tpu.memory_space<hbm>>
    tpu.enqueue_indirect_dma source(%dma_start3A_43 : memref<100000x128xf32, #tpu.memory_space<hbm>>) target(%dma_start3A_38 : memref<104x128xf32, #tpu.memory_space<vmem>>) offsets(%dma_start3A_40 : memref<104xi32, #tpu.memory_space<vmem>>) semaphore(%arg12 : memref<!tpu.dma_semaphore, #tpu.memory_space<semaphore_mem>>)
    %dma_start3A_44 = arith.constant 104 : i32
    %dma_start3A_45 = arith.constant 0 : i32
    %dma_start3A_46 = tpu.memref_slice %arg8[%dma_start3A_44, %dma_start3A_45] : memref<200x128xf32, #tpu.memory_space<vmem>> -> memref<96x128xf32, #tpu.memory_space<vmem>>
    %dma_start3A_47 = arith.constant 504 : i32
    %dma_start3A_48 = tpu.memref_slice %arg5[%dma_start3A_47] : memref<25600xi32, #tpu.memory_space<vmem>> -> memref<96xi32, #tpu.memory_space<vmem>>
    %dma_start3A_49 = arith.constant 0 : i32
    %dma_start3A_50 = arith.constant 0 : i32
    %dma_start3A_51 = tpu.memref_slice %arg3[%dma_start3A_49, %dma_start3A_50] : memref<100000x128xf32, #tpu.memory_space<hbm>> -> memref<100000x128xf32, #tpu.memory_space<hbm>>
    tpu.enqueue_indirect_dma source(%dma_start3A_51 : memref<100000x128xf32, #tpu.memory_space<hbm>>) target(%dma_start3A_46 : memref<96x128xf32, #tpu.memory_space<vmem>>) offsets(%dma_start3A_48 : memref<96xi32, #tpu.memory_space<vmem>>) semaphore(%arg12 : memref<!tpu.dma_semaphore, #tpu.memory_space<semaphore_mem>>)
    %scan3A = arith.constant 0 : i32
    %scan3A_52 = arith.constant 0 : i32
    %scan3A_53 = arith.constant 41 : i32
    %scan3A_54 = arith.addi %scan3A_52, %scan3A_53 : i32
    %scan3A_55 = arith.constant 1 : i32
    scf.for %scan3A_586 = %scan3A_52 to %scan3A_54 step %scan3A_55  : i32 {
      %mul3A_587 = arith.constant 3 : i32
      %mul3A_588 = arith.muli %mul3A_587, %scan3A_586 : i32
      %add3A_589 = arith.constant 0 : i32
      %add3A_590 = arith.addi %mul3A_588, %add3A_589 : i32
      %dma_wait3A_591 = arith.constant 0 : i32
      %dma_wait3A_592 = arith.constant 0 : i32
      %dma_wait3A_593 = tpu.memref_slice %arg3[%dma_wait3A_591, %dma_wait3A_592] : memref<100000x128xf32, #tpu.memory_space<hbm>> -> memref<200x128xf32, #tpu.memory_space<hbm>>
      %dma_wait3A_594 = arith.constant 0 : i32
      %dma_wait3A_595 = arith.constant 0 : i32
      %dma_wait3A_596 = tpu.memref_slice %arg3[%dma_wait3A_594, %dma_wait3A_595] : memref<100000x128xf32, #tpu.memory_space<hbm>> -> memref<200x128xf32, #tpu.memory_space<hbm>>
      tpu.wait_dma2 semaphore(%arg10 : memref<!tpu.dma_semaphore, #tpu.memory_space<semaphore_mem>>) src(%dma_wait3A_596 : memref<200x128xf32, #tpu.memory_space<hbm>>) dst(%arg6 : memref<200x128xf32, #tpu.memory_space<vmem>>)
      %broadcast_in_dim3A_597 = arith.constant 0.000000e+00 : f32
      %broadcast_in_dim3A_598 = vector.broadcast %broadcast_in_dim3A_597 : f32 to vector<16xf32>
      %broadcast_in_dim3A_599 = arith.constant 0.000000e+00 : f32
      %broadcast_in_dim3A_600 = vector.broadcast %broadcast_in_dim3A_599 : f32 to vector<16xf32>
      %broadcast_in_dim3A_601 = arith.constant 0.000000e+00 : f32
      %broadcast_in_dim3A_602 = vector.broadcast %broadcast_in_dim3A_601 : f32 to vector<16xf32>
      %broadcast_in_dim3A_603 = arith.constant 0.000000e+00 : f32
      %broadcast_in_dim3A_604 = vector.broadcast %broadcast_in_dim3A_603 : f32 to vector<16xf32>
      %broadcast_in_dim3A_605 = arith.constant 0.000000e+00 : f32
      %broadcast_in_dim3A_606 = vector.broadcast %broadcast_in_dim3A_605 : f32 to vector<16xf32>
      %broadcast_in_dim3A_607 = arith.constant 0.000000e+00 : f32
      %broadcast_in_dim3A_608 = vector.broadcast %broadcast_in_dim3A_607 : f32 to vector<16xf32>
      %broadcast_in_dim3A_609 = arith.constant 0.000000e+00 : f32
      %broadcast_in_dim3A_610 = vector.broadcast %broadcast_in_dim3A_609 : f32 to vector<16xf32>
      %broadcast_in_dim3A_611 = arith.constant 0.000000e+00 : f32
      %broadcast_in_dim3A_612 = vector.broadcast %broadcast_in_dim3A_611 : f32 to vector<16xf32>
      %scan3A_613 = arith.constant 0 : i32
      %scan3A_614 = arith.constant 200 : i32
      %scan3A_615 = arith.addi %scan3A_613, %scan3A_614 : i32
      %scan3A_616 = arith.constant 4 : i32
      %scan3A_617:8 = scf.for %scan3A_941 = %scan3A_613 to %scan3A_615 step %scan3A_616 iter_args(%scan3A_942 = %broadcast_in_dim3A_598, %scan3A_943 = %broadcast_in_dim3A_600, %scan3A_944 = %broadcast_in_dim3A_602, %scan3A_945 = %broadcast_in_dim3A_604, %scan3A_946 = %broadcast_in_dim3A_606, %scan3A_947 = %broadcast_in_dim3A_608, %scan3A_948 = %broadcast_in_dim3A_610, %scan3A_949 = %broadcast_in_dim3A_612) -> (vector<16xf32>, vector<16xf32>, vector<16xf32>, vector<16xf32>, vector<16xf32>, vector<16xf32>, vector<16xf32>, vector<16xf32>)  : i32 {
        %get3A = arith.index_cast %scan3A_941 : i32 to index
        %get3A_950 = arith.constant 0 : index
        %get3A_951 = tpu.vector_load %arg6[%get3A, %get3A_950] {strides = array<i32>} : memref<200x128xf32, #tpu.memory_space<vmem>>, vector<1x16xf32>,
        %get3A_952 = vector.shape_cast %get3A_951 : vector<1x16xf32> to vector<16xf32>
        %add3A_953 = arith.addf %scan3A_942, %get3A_952 : vector<16xf32>
        %get3A_954 = arith.index_cast %scan3A_941 : i32 to index
        %get3A_955 = arith.constant 16 : index
        %get3A_956 = tpu.vector_load %arg6[%get3A_954, %get3A_955] {strides = array<i32>} : memref<200x128xf32, #tpu.memory_space<vmem>>, vector<1x16xf32>,
        %get3A_957 = vector.shape_cast %get3A_956 : vector<1x16xf32> to vector<16xf32>
        %add3A_958 = arith.addf %scan3A_943, %get3A_957 : vector<16xf32>
        %get3A_959 = arith.index_cast %scan3A_941 : i32 to index
        %get3A_960 = arith.constant 32 : index
        %get3A_961 = tpu.vector_load %arg6[%get3A_959, %get3A_960] {strides = array<i32>} : memref<200x128xf32, #tpu.memory_space<vmem>>, vector<1x16xf32>,
        %get3A_962 = vector.shape_cast %get3A_961 : vector<1x16xf32> to vector<16xf32>
        %add3A_963 = arith.addf %scan3A_944, %get3A_962 : vector<16xf32>
        %get3A_964 = arith.index_cast %scan3A_941 : i32 to index
        %get3A_965 = arith.constant 48 : index
        %get3A_966 = tpu.vector_load %arg6[%get3A_964, %get3A_965] {strides = array<i32>} : memref<200x128xf32, #tpu.memory_space<vmem>>, vector<1x16xf32>,
        %get3A_967 = vector.shape_cast %get3A_966 : vector<1x16xf32> to vector<16xf32>
        %add3A_968 = arith.addf %scan3A_945, %get3A_967 : vector<16xf32>
        %get3A_969 = arith.index_cast %scan3A_941 : i32 to index
        %get3A_970 = arith.constant 64 : index
        %get3A_971 = tpu.vector_load %arg6[%get3A_969, %get3A_970] {strides = array<i32>} : memref<200x128xf32, #tpu.memory_space<vmem>>, vector<1x16xf32>,
        %get3A_972 = vector.shape_cast %get3A_971 : vector<1x16xf32> to vector<16xf32>
        %add3A_973 = arith.addf %scan3A_946, %get3A_972 : vector<16xf32>
        %get3A_974 = arith.index_cast %scan3A_941 : i32 to index
        %get3A_975 = arith.constant 80 : index
        %get3A_976 = tpu.vector_load %arg6[%get3A_974, %get3A_975] {strides = array<i32>} : memref<200x128xf32, #tpu.memory_space<vmem>>, vector<1x16xf32>,
        %get3A_977 = vector.shape_cast %get3A_976 : vector<1x16xf32> to vector<16xf32>
        %add3A_978 = arith.addf %scan3A_947, %get3A_977 : vector<16xf32>
        %get3A_979 = arith.index_cast %scan3A_941 : i32 to index
        %get3A_980 = arith.constant 96 : index
        %get3A_981 = tpu.vector_load %arg6[%get3A_979, %get3A_980] {strides = array<i32>} : memref<200x128xf32, #tpu.memory_space<vmem>>, vector<1x16xf32>,
        %get3A_982 = vector.shape_cast %get3A_981 : vector<1x16xf32> to vector<16xf32>
        %add3A_983 = arith.addf %scan3A_948, %get3A_982 : vector<16xf32>
        %get3A_984 = arith.index_cast %scan3A_941 : i32 to index
        %get3A_985 = arith.constant 112 : index
        %get3A_986 = tpu.vector_load %arg6[%get3A_984, %get3A_985] {strides = array<i32>} : memref<200x128xf32, #tpu.memory_space<vmem>>, vector<1x16xf32>,
        %get3A_987 = vector.shape_cast %get3A_986 : vector<1x16xf32> to vector<16xf32>
        %add3A_988 = arith.addf %scan3A_949, %get3A_987 : vector<16xf32>
        %scan3A_989 = arith.constant 1 : i32
        %scan3A_990 = arith.addi %scan3A_941, %scan3A_989 : i32
        %get3A_991 = arith.index_cast %scan3A_990 : i32 to index
        %get3A_992 = arith.constant 0 : index
        %get3A_993 = tpu.vector_load %arg6[%get3A_991, %get3A_992] {strides = array<i32>} : memref<200x128xf32, #tpu.memory_space<vmem>>, vector<1x16xf32>,
        %get3A_994 = vector.shape_cast %get3A_993 : vector<1x16xf32> to vector<16xf32>
        %add3A_995 = arith.addf %add3A_953, %get3A_994 : vector<16xf32>
        %get3A_996 = arith.index_cast %scan3A_990 : i32 to index
        %get3A_997 = arith.constant 16 : index
        %get3A_998 = tpu.vector_load %arg6[%get3A_996, %get3A_997] {strides = array<i32>} : memref<200x128xf32, #tpu.memory_space<vmem>>, vector<1x16xf32>,
        %get3A_999 = vector.shape_cast %get3A_998 : vector<1x16xf32> to vector<16xf32>
        %add3A_1000 = arith.addf %add3A_958, %get3A_999 : vector<16xf32>
        %get3A_1001 = arith.index_cast %scan3A_990 : i32 to index
        %get3A_1002 = arith.constant 32 : index
        %get3A_1003 = tpu.vector_load %arg6[%get3A_1001, %get3A_1002] {strides = array<i32>} : memref<200x128xf32, #tpu.memory_space<vmem>>, vector<1x16xf32>,
        %get3A_1004 = vector.shape_cast %get3A_1003 : vector<1x16xf32> to vector<16xf32>
        %add3A_1005 = arith.addf %add3A_963, %get3A_1004 : vector<16xf32>
        %get3A_1006 = arith.index_cast %scan3A_990 : i32 to index
        %get3A_1007 = arith.constant 48 : index
        %get3A_1008 = tpu.vector_load %arg6[%get3A_1006, %get3A_1007] {strides = array<i32>} : memref<200x128xf32, #tpu.memory_space<vmem>>, vector<1x16xf32>,
        %get3A_1009 = vector.shape_cast %get3A_1008 : vector<1x16xf32> to vector<16xf32>
        %add3A_1010 = arith.addf %add3A_968, %get3A_1009 : vector<16xf32>
        %get3A_1011 = arith.index_cast %scan3A_990 : i32 to index
        %get3A_1012 = arith.constant 64 : index
        %get3A_1013 = tpu.vector_load %arg6[%get3A_1011, %get3A_1012] {strides = array<i32>} : memref<200x128xf32, #tpu.memory_space<vmem>>, vector<1x16xf32>,
        %get3A_1014 = vector.shape_cast %get3A_1013 : vector<1x16xf32> to vector<16xf32>
        %add3A_1015 = arith.addf %add3A_973, %get3A_1014 : vector<16xf32>
        %get3A_1016 = arith.index_cast %scan3A_990 : i32 to index
        %get3A_1017 = arith.constant 80 : index
        %get3A_1018 = tpu.vector_load %arg6[%get3A_1016, %get3A_1017] {strides = array<i32>} : memref<200x128xf32, #tpu.memory_space<vmem>>, vector<1x16xf32>,
        %get3A_1019 = vector.shape_cast %get3A_1018 : vector<1x16xf32> to vector<16xf32>
        %add3A_1020 = arith.addf %add3A_978, %get3A_1019 : vector<16xf32>
        %get3A_1021 = arith.index_cast %scan3A_990 : i32 to index
        %get3A_1022 = arith.constant 96 : index
        %get3A_1023 = tpu.vector_load %arg6[%get3A_1021, %get3A_1022] {strides = array<i32>} : memref<200x128xf32, #tpu.memory_space<vmem>>, vector<1x16xf32>,
        %get3A_1024 = vector.shape_cast %get3A_1023 : vector<1x16xf32> to vector<16xf32>
        %add3A_1025 = arith.addf %add3A_983, %get3A_1024 : vector<16xf32>
        %get3A_1026 = arith.index_cast %scan3A_990 : i32 to index
        %get3A_1027 = arith.constant 112 : index
        %get3A_1028 = tpu.vector_load %arg6[%get3A_1026, %get3A_1027] {strides = array<i32>} : memref<200x128xf32, #tpu.memory_space<vmem>>, vector<1x16xf32>,
        %get3A_1029 = vector.shape_cast %get3A_1028 : vector<1x16xf32> to vector<16xf32>
        %add3A_1030 = arith.addf %add3A_988, %get3A_1029 : vector<16xf32>
        %scan3A_1031 = arith.constant 2 : i32
        %scan3A_1032 = arith.addi %scan3A_941, %scan3A_1031 : i32
        %get3A_1033 = arith.index_cast %scan3A_1032 : i32 to index
        %get3A_1034 = arith.constant 0 : index
        %get3A_1035 = tpu.vector_load %arg6[%get3A_1033, %get3A_1034] {strides = array<i32>} : memref<200x128xf32, #tpu.memory_space<vmem>>, vector<1x16xf32>,
        %get3A_1036 = vector.shape_cast %get3A_1035 : vector<1x16xf32> to vector<16xf32>
        %add3A_1037 = arith.addf %add3A_995, %get3A_1036 : vector<16xf32>
        %get3A_1038 = arith.index_cast %scan3A_1032 : i32 to index
        %get3A_1039 = arith.constant 16 : index
        %get3A_1040 = tpu.vector_load %arg6[%get3A_1038, %get3A_1039] {strides = array<i32>} : memref<200x128xf32, #tpu.memory_space<vmem>>, vector<1x16xf32>,
        %get3A_1041 = vector.shape_cast %get3A_1040 : vector<1x16xf32> to vector<16xf32>
        %add3A_1042 = arith.addf %add3A_1000, %get3A_1041 : vector<16xf32>
        %get3A_1043 = arith.index_cast %scan3A_1032 : i32 to index
        %get3A_1044 = arith.constant 32 : index
        %get3A_1045 = tpu.vector_load %arg6[%get3A_1043, %get3A_1044] {strides = array<i32>} : memref<200x128xf32, #tpu.memory_space<vmem>>, vector<1x16xf32>,
        %get3A_1046 = vector.shape_cast %get3A_1045 : vector<1x16xf32> to vector<16xf32>
        %add3A_1047 = arith.addf %add3A_1005, %get3A_1046 : vector<16xf32>
        %get3A_1048 = arith.index_cast %scan3A_1032 : i32 to index
        %get3A_1049 = arith.constant 48 : index
        %get3A_1050 = tpu.vector_load %arg6[%get3A_1048, %get3A_1049] {strides = array<i32>} : memref<200x128xf32, #tpu.memory_space<vmem>>, vector<1x16xf32>,
        %get3A_1051 = vector.shape_cast %get3A_1050 : vector<1x16xf32> to vector<16xf32>
        %add3A_1052 = arith.addf %add3A_1010, %get3A_1051 : vector<16xf32>
        %get3A_1053 = arith.index_cast %scan3A_1032 : i32 to index
        %get3A_1054 = arith.constant 64 : index
        %get3A_1055 = tpu.vector_load %arg6[%get3A_1053, %get3A_1054] {strides = array<i32>} : memref<200x128xf32, #tpu.memory_space<vmem>>, vector<1x16xf32>,
        %get3A_1056 = vector.shape_cast %get3A_1055 : vector<1x16xf32> to vector<16xf32>
        %add3A_1057 = arith.addf %add3A_1015, %get3A_1056 : vector<16xf32>
        %get3A_1058 = arith.index_cast %scan3A_1032 : i32 to index
        %get3A_1059 = arith.constant 80 : index
        %get3A_1060 = tpu.vector_load %arg6[%get3A_1058, %get3A_1059] {strides = array<i32>} : memref<200x128xf32, #tpu.memory_space<vmem>>, vector<1x16xf32>,
        %get3A_1061 = vector.shape_cast %get3A_1060 : vector<1x16xf32> to vector<16xf32>
        %add3A_1062 = arith.addf %add3A_1020, %get3A_1061 : vector<16xf32>
        %get3A_1063 = arith.index_cast %scan3A_1032 : i32 to index
        %get3A_1064 = arith.constant 96 : index
        %get3A_1065 = tpu.vector_load %arg6[%get3A_1063, %get3A_1064] {strides = array<i32>} : memref<200x128xf32, #tpu.memory_space<vmem>>, vector<1x16xf32>,
        %get3A_1066 = vector.shape_cast %get3A_1065 : vector<1x16xf32> to vector<16xf32>
        %add3A_1067 = arith.addf %add3A_1025, %get3A_1066 : vector<16xf32>
        %get3A_1068 = arith.index_cast %scan3A_1032 : i32 to index
        %get3A_1069 = arith.constant 112 : index
        %get3A_1070 = tpu.vector_load %arg6[%get3A_1068, %get3A_1069] {strides = array<i32>} : memref<200x128xf32, #tpu.memory_space<vmem>>, vector<1x16xf32>,
        %get3A_1071 = vector.shape_cast %get3A_1070 : vector<1x16xf32> to vector<16xf32>
        %add3A_1072 = arith.addf %add3A_1030, %get3A_1071 : vector<16xf32>
        %scan3A_1073 = arith.constant 3 : i32
        %scan3A_1074 = arith.addi %scan3A_941, %scan3A_1073 : i32
        %get3A_1075 = arith.index_cast %scan3A_1074 : i32 to index
        %get3A_1076 = arith.constant 0 : index
        %get3A_1077 = tpu.vector_load %arg6[%get3A_1075, %get3A_1076] {strides = array<i32>} : memref<200x128xf32, #tpu.memory_space<vmem>>, vector<1x16xf32>,
        %get3A_1078 = vector.shape_cast %get3A_1077 : vector<1x16xf32> to vector<16xf32>
        %add3A_1079 = arith.addf %add3A_1037, %get3A_1078 : vector<16xf32>
        %get3A_1080 = arith.index_cast %scan3A_1074 : i32 to index
        %get3A_1081 = arith.constant 16 : index
        %get3A_1082 = tpu.vector_load %arg6[%get3A_1080, %get3A_1081] {strides = array<i32>} : memref<200x128xf32, #tpu.memory_space<vmem>>, vector<1x16xf32>,
        %get3A_1083 = vector.shape_cast %get3A_1082 : vector<1x16xf32> to vector<16xf32>
        %add3A_1084 = arith.addf %add3A_1042, %get3A_1083 : vector<16xf32>
        %get3A_1085 = arith.index_cast %scan3A_1074 : i32 to index
        %get3A_1086 = arith.constant 32 : index
        %get3A_1087 = tpu.vector_load %arg6[%get3A_1085, %get3A_1086] {strides = array<i32>} : memref<200x128xf32, #tpu.memory_space<vmem>>, vector<1x16xf32>,
        %get3A_1088 = vector.shape_cast %get3A_1087 : vector<1x16xf32> to vector<16xf32>
        %add3A_1089 = arith.addf %add3A_1047, %get3A_1088 : vector<16xf32>
        %get3A_1090 = arith.index_cast %scan3A_1074 : i32 to index
        %get3A_1091 = arith.constant 48 : index
        %get3A_1092 = tpu.vector_load %arg6[%get3A_1090, %get3A_1091] {strides = array<i32>} : memref<200x128xf32, #tpu.memory_space<vmem>>, vector<1x16xf32>,
        %get3A_1093 = vector.shape_cast %get3A_1092 : vector<1x16xf32> to vector<16xf32>
        %add3A_1094 = arith.addf %add3A_1052, %get3A_1093 : vector<16xf32>
        %get3A_1095 = arith.index_cast %scan3A_1074 : i32 to index
        %get3A_1096 = arith.constant 64 : index
        %get3A_1097 = tpu.vector_load %arg6[%get3A_1095, %get3A_1096] {strides = array<i32>} : memref<200x128xf32, #tpu.memory_space<vmem>>, vector<1x16xf32>,
        %get3A_1098 = vector.shape_cast %get3A_1097 : vector<1x16xf32> to vector<16xf32>
        %add3A_1099 = arith.addf %add3A_1057, %get3A_1098 : vector<16xf32>
        %get3A_1100 = arith.index_cast %scan3A_1074 : i32 to index
        %get3A_1101 = arith.constant 80 : index
        %get3A_1102 = tpu.vector_load %arg6[%get3A_1100, %get3A_1101] {strides = array<i32>} : memref<200x128xf32, #tpu.memory_space<vmem>>, vector<1x16xf32>,
        %get3A_1103 = vector.shape_cast %get3A_1102 : vector<1x16xf32> to vector<16xf32>
        %add3A_1104 = arith.addf %add3A_1062, %get3A_1103 : vector<16xf32>
        %get3A_1105 = arith.index_cast %scan3A_1074 : i32 to index
        %get3A_1106 = arith.constant 96 : index
        %get3A_1107 = tpu.vector_load %arg6[%get3A_1105, %get3A_1106] {strides = array<i32>} : memref<200x128xf32, #tpu.memory_space<vmem>>, vector<1x16xf32>,
        %get3A_1108 = vector.shape_cast %get3A_1107 : vector<1x16xf32> to vector<16xf32>
        %add3A_1109 = arith.addf %add3A_1067, %get3A_1108 : vector<16xf32>
        %get3A_1110 = arith.index_cast %scan3A_1074 : i32 to index
        %get3A_1111 = arith.constant 112 : index
        %get3A_1112 = tpu.vector_load %arg6[%get3A_1110, %get3A_1111] {strides = array<i32>} : memref<200x128xf32, #tpu.memory_space<vmem>>, vector<1x16xf32>,
        %get3A_1113 = vector.shape_cast %get3A_1112 : vector<1x16xf32> to vector<16xf32>
        %add3A_1114 = arith.addf %add3A_1072, %get3A_1113 : vector<16xf32>
        scf.yield %add3A_1079, %add3A_1084, %add3A_1089, %add3A_1094, %add3A_1099, %add3A_1104, %add3A_1109, %add3A_1114 : vector<16xf32>, vector<16xf32>, vector<16xf32>, vector<16xf32>, vector<16xf32>, vector<16xf32>, vector<16xf32>, vector<16xf32>
      }
      %scan3A_618 = arith.constant 200 : i32
      %mul3A_619 = arith.constant 5.000000e-03 : f32
      %mul3A_620 = vector.broadcast %mul3A_619 : f32 to vector<16xf32>
      %mul3A_621 = arith.mulf %scan3A_617#0, %mul3A_620 : vector<16xf32>
      %swap3A_622 = arith.index_cast %add3A_590 : i32 to index
      %swap3A_623 = arith.constant 0 : index
      %swap3A_624 = tpu.vector_load %arg9[%swap3A_622, %swap3A_623] {strides = array<i32>} : memref<128x128xf32, #tpu.memory_space<vmem>>, vector<1x16xf32>,
      %swap3A_625 = vector.shape_cast %swap3A_624 : vector<1x16xf32> to vector<16xf32>
      %swap3A_626 = vector.shape_cast %mul3A_621 : vector<16xf32> to vector<1x16xf32>
      tpu.vector_store %arg9[%swap3A_622, %swap3A_623], %swap3A_626 {strides = array<i32>} : memref<128x128xf32, #tpu.memory_space<vmem>>, vector<1x16xf32>,
      %mul3A_627 = arith.constant 5.000000e-03 : f32
      %mul3A_628 = vector.broadcast %mul3A_627 : f32 to vector<16xf32>
      %mul3A_629 = arith.mulf %scan3A_617#1, %mul3A_628 : vector<16xf32>
      %swap3A_630 = arith.index_cast %add3A_590 : i32 to index
      %swap3A_631 = arith.constant 16 : index
      %swap3A_632 = tpu.vector_load %arg9[%swap3A_630, %swap3A_631] {strides = array<i32>} : memref<128x128xf32, #tpu.memory_space<vmem>>, vector<1x16xf32>,
      %swap3A_633 = vector.shape_cast %swap3A_632 : vector<1x16xf32> to vector<16xf32>
      %swap3A_634 = vector.shape_cast %mul3A_629 : vector<16xf32> to vector<1x16xf32>
      tpu.vector_store %arg9[%swap3A_630, %swap3A_631], %swap3A_634 {strides = array<i32>} : memref<128x128xf32, #tpu.memory_space<vmem>>, vector<1x16xf32>,
      %mul3A_635 = arith.constant 5.000000e-03 : f32
      %mul3A_636 = vector.broadcast %mul3A_635 : f32 to vector<16xf32>
      %mul3A_637 = arith.mulf %scan3A_617#2, %mul3A_636 : vector<16xf32>
      %swap3A_638 = arith.index_cast %add3A_590 : i32 to index
      %swap3A_639 = arith.constant 32 : index
      %swap3A_640 = tpu.vector_load %arg9[%swap3A_638, %swap3A_639] {strides = array<i32>} : memref<128x128xf32, #tpu.memory_space<vmem>>, vector<1x16xf32>,
      %swap3A_641 = vector.shape_cast %swap3A_640 : vector<1x16xf32> to vector<16xf32>
      %swap3A_642 = vector.shape_cast %mul3A_637 : vector<16xf32> to vector<1x16xf32>
      tpu.vector_store %arg9[%swap3A_638, %swap3A_639], %swap3A_642 {strides = array<i32>} : memref<128x128xf32, #tpu.memory_space<vmem>>, vector<1x16xf32>,
      %mul3A_643 = arith.constant 5.000000e-03 : f32
      %mul3A_644 = vector.broadcast %mul3A_643 : f32 to vector<16xf32>
      %mul3A_645 = arith.mulf %scan3A_617#3, %mul3A_644 : vector<16xf32>
      %swap3A_646 = arith.index_cast %add3A_590 : i32 to index
      %swap3A_647 = arith.constant 48 : index
      %swap3A_648 = tpu.vector_load %arg9[%swap3A_646, %swap3A_647] {strides = array<i32>} : memref<128x128xf32, #tpu.memory_space<vmem>>, vector<1x16xf32>,
      %swap3A_649 = vector.shape_cast %swap3A_648 : vector<1x16xf32> to vector<16xf32>
      %swap3A_650 = vector.shape_cast %mul3A_645 : vector<16xf32> to vector<1x16xf32>
      tpu.vector_store %arg9[%swap3A_646, %swap3A_647], %swap3A_650 {strides = array<i32>} : memref<128x128xf32, #tpu.memory_space<vmem>>, vector<1x16xf32>,
      %mul3A_651 = arith.constant 5.000000e-03 : f32
      %mul3A_652 = vector.broadcast %mul3A_651 : f32 to vector<16xf32>
      %mul3A_653 = arith.mulf %scan3A_617#4, %mul3A_652 : vector<16xf32>
      %swap3A_654 = arith.index_cast %add3A_590 : i32 to index
      %swap3A_655 = arith.constant 64 : index
      %swap3A_656 = tpu.vector_load %arg9[%swap3A_654, %swap3A_655] {strides = array<i32>} : memref<128x128xf32, #tpu.memory_space<vmem>>, vector<1x16xf32>,
      %swap3A_657 = vector.shape_cast %swap3A_656 : vector<1x16xf32> to vector<16xf32>
      %swap3A_658 = vector.shape_cast %mul3A_653 : vector<16xf32> to vector<1x16xf32>
      tpu.vector_store %arg9[%swap3A_654, %swap3A_655], %swap3A_658 {strides = array<i32>} : memref<128x128xf32, #tpu.memory_space<vmem>>, vector<1x16xf32>,
      %mul3A_659 = arith.constant 5.000000e-03 : f32
      %mul3A_660 = vector.broadcast %mul3A_659 : f32 to vector<16xf32>
      %mul3A_661 = arith.mulf %scan3A_617#5, %mul3A_660 : vector<16xf32>
      %swap3A_662 = arith.index_cast %add3A_590 : i32 to index
      %swap3A_663 = arith.constant 80 : index
      %swap3A_664 = tpu.vector_load %arg9[%swap3A_662, %swap3A_663] {strides = array<i32>} : memref<128x128xf32, #tpu.memory_space<vmem>>, vector<1x16xf32>,
      %swap3A_665 = vector.shape_cast %swap3A_664 : vector<1x16xf32> to vector<16xf32>
      %swap3A_666 = vector.shape_cast %mul3A_661 : vector<16xf32> to vector<1x16xf32>
      tpu.vector_store %arg9[%swap3A_662, %swap3A_663], %swap3A_666 {strides = array<i32>} : memref<128x128xf32, #tpu.memory_space<vmem>>, vector<1x16xf32>,
      %mul3A_667 = arith.constant 5.000000e-03 : f32
      %mul3A_668 = vector.broadcast %mul3A_667 : f32 to vector<16xf32>
      %mul3A_669 = arith.mulf %scan3A_617#6, %mul3A_668 : vector<16xf32>
      %swap3A_670 = arith.index_cast %add3A_590 : i32 to index
      %swap3A_671 = arith.constant 96 : index
      %swap3A_672 = tpu.vector_load %arg9[%swap3A_670, %swap3A_671] {strides = array<i32>} : memref<128x128xf32, #tpu.memory_space<vmem>>, vector<1x16xf32>,
      %swap3A_673 = vector.shape_cast %swap3A_672 : vector<1x16xf32> to vector<16xf32>
      %swap3A_674 = vector.shape_cast %mul3A_669 : vector<16xf32> to vector<1x16xf32>
      tpu.vector_store %arg9[%swap3A_670, %swap3A_671], %swap3A_674 {strides = array<i32>} : memref<128x128xf32, #tpu.memory_space<vmem>>, vector<1x16xf32>,
      %mul3A_675 = arith.constant 5.000000e-03 : f32
      %mul3A_676 = vector.broadcast %mul3A_675 : f32 to vector<16xf32>
      %mul3A_677 = arith.mulf %scan3A_617#7, %mul3A_676 : vector<16xf32>
      %swap3A_678 = arith.index_cast %add3A_590 : i32 to index
      %swap3A_679 = arith.constant 112 : index
      %swap3A_680 = tpu.vector_load %arg9[%swap3A_678, %swap3A_679] {strides = array<i32>} : memref<128x128xf32, #tpu.memory_space<vmem>>, vector<1x16xf32>,
      %swap3A_681 = vector.shape_cast %swap3A_680 : vector<1x16xf32> to vector<16xf32>
      %swap3A_682 = vector.shape_cast %mul3A_677 : vector<16xf32> to vector<1x16xf32>
      tpu.vector_store %arg9[%swap3A_678, %swap3A_679], %swap3A_682 {strides = array<i32>} : memref<128x128xf32, #tpu.memory_space<vmem>>, vector<1x16xf32>,
      %add3A_683 = arith.constant 3 : i32
      %add3A_684 = arith.addi %add3A_590, %add3A_683 : i32
      %mul3A_685 = arith.constant 200 : i32
      %mul3A_686 = arith.muli %add3A_684, %mul3A_685 : i32
      %dma_start3A_687 = arith.constant 0 : i32
      %dma_start3A_688 = arith.constant 0 : i32
      %dma_start3A_689 = tpu.memref_slice %arg6[%dma_start3A_687, %dma_start3A_688] : memref<200x128xf32, #tpu.memory_space<vmem>> -> memref<104x128xf32, #tpu.memory_space<vmem>>
      %dma_start3A_690 = tpu.memref_slice %arg5[%mul3A_686] : memref<25600xi32, #tpu.memory_space<vmem>> -> memref<104xi32, #tpu.memory_space<vmem>>
      %dma_start3A_691 = arith.constant 0 : i32
      %dma_start3A_692 = arith.constant 0 : i32
      %dma_start3A_693 = tpu.memref_slice %arg3[%dma_start3A_691, %dma_start3A_692] : memref<100000x128xf32, #tpu.memory_space<hbm>> -> memref<100000x128xf32, #tpu.memory_space<hbm>>
      tpu.enqueue_indirect_dma source(%dma_start3A_693 : memref<100000x128xf32, #tpu.memory_space<hbm>>) target(%dma_start3A_689 : memref<104x128xf32, #tpu.memory_space<vmem>>) offsets(%dma_start3A_690 : memref<104xi32, #tpu.memory_space<vmem>>) semaphore(%arg10 : memref<!tpu.dma_semaphore, #tpu.memory_space<semaphore_mem>>)
      %mul3A_694 = arith.constant 200 : i32
      %mul3A_695 = arith.muli %add3A_684, %mul3A_694 : i32
      %add3A_696 = arith.constant 104 : i32
      %add3A_697 = arith.addi %mul3A_695, %add3A_696 : i32
      %dma_start3A_698 = arith.constant 104 : i32
      %dma_start3A_699 = arith.constant 0 : i32
      %dma_start3A_700 = tpu.memref_slice %arg6[%dma_start3A_698, %dma_start3A_699] : memref<200x128xf32, #tpu.memory_space<vmem>> -> memref<96x128xf32, #tpu.memory_space<vmem>>
      %dma_start3A_701 = tpu.memref_slice %arg5[%add3A_697] : memref<25600xi32, #tpu.memory_space<vmem>> -> memref<96xi32, #tpu.memory_space<vmem>>
      %dma_start3A_702 = arith.constant 0 : i32
      %dma_start3A_703 = arith.constant 0 : i32
      %dma_start3A_704 = tpu.memref_slice %arg3[%dma_start3A_702, %dma_start3A_703] : memref<100000x128xf32, #tpu.memory_space<hbm>> -> memref<100000x128xf32, #tpu.memory_space<hbm>>
      tpu.enqueue_indirect_dma source(%dma_start3A_704 : memref<100000x128xf32, #tpu.memory_space<hbm>>) target(%dma_start3A_700 : memref<96x128xf32, #tpu.memory_space<vmem>>) offsets(%dma_start3A_701 : memref<96xi32, #tpu.memory_space<vmem>>) semaphore(%arg10 : memref<!tpu.dma_semaphore, #tpu.memory_space<semaphore_mem>>)
      %mul3A_705 = arith.constant 3 : i32
      %mul3A_706 = arith.muli %mul3A_705, %scan3A_586 : i32
      %add3A_707 = arith.constant 1 : i32
      %add3A_708 = arith.addi %mul3A_706, %add3A_707 : i32
      %dma_wait3A_709 = arith.constant 0 : i32
      %dma_wait3A_710 = arith.constant 0 : i32
      %dma_wait3A_711 = tpu.memref_slice %arg3[%dma_wait3A_709, %dma_wait3A_710] : memref<100000x128xf32, #tpu.memory_space<hbm>> -> memref<200x128xf32, #tpu.memory_space<hbm>>
      %dma_wait3A_712 = arith.constant 0 : i32
      %dma_wait3A_713 = arith.constant 0 : i32
      %dma_wait3A_714 = tpu.memref_slice %arg3[%dma_wait3A_712, %dma_wait3A_713] : memref<100000x128xf32, #tpu.memory_space<hbm>> -> memref<200x128xf32, #tpu.memory_space<hbm>>
      tpu.wait_dma2 semaphore(%arg11 : memref<!tpu.dma_semaphore, #tpu.memory_space<semaphore_mem>>) src(%dma_wait3A_714 : memref<200x128xf32, #tpu.memory_space<hbm>>) dst(%arg7 : memref<200x128xf32, #tpu.memory_space<vmem>>)
      %broadcast_in_dim3A_715 = arith.constant 0.000000e+00 : f32
      %broadcast_in_dim3A_716 = vector.broadcast %broadcast_in_dim3A_715 : f32 to vector<16xf32>
      %broadcast_in_dim3A_717 = arith.constant 0.000000e+00 : f32
      %broadcast_in_dim3A_718 = vector.broadcast %broadcast_in_dim3A_717 : f32 to vector<16xf32>
      %broadcast_in_dim3A_719 = arith.constant 0.000000e+00 : f32
      %broadcast_in_dim3A_720 = vector.broadcast %broadcast_in_dim3A_719 : f32 to vector<16xf32>
      %broadcast_in_dim3A_721 = arith.constant 0.000000e+00 : f32
      %broadcast_in_dim3A_722 = vector.broadcast %broadcast_in_dim3A_721 : f32 to vector<16xf32>
      %broadcast_in_dim3A_723 = arith.constant 0.000000e+00 : f32
      %broadcast_in_dim3A_724 = vector.broadcast %broadcast_in_dim3A_723 : f32 to vector<16xf32>
      %broadcast_in_dim3A_725 = arith.constant 0.000000e+00 : f32
      %broadcast_in_dim3A_726 = vector.broadcast %broadcast_in_dim3A_725 : f32 to vector<16xf32>
      %broadcast_in_dim3A_727 = arith.constant 0.000000e+00 : f32
      %broadcast_in_dim3A_728 = vector.broadcast %broadcast_in_dim3A_727 : f32 to vector<16xf32>
      %broadcast_in_dim3A_729 = arith.constant 0.000000e+00 : f32
      %broadcast_in_dim3A_730 = vector.broadcast %broadcast_in_dim3A_729 : f32 to vector<16xf32>
      %scan3A_731 = arith.constant 0 : i32
      %scan3A_732 = arith.constant 200 : i32
      %scan3A_733 = arith.addi %scan3A_731, %scan3A_732 : i32
      %scan3A_734 = arith.constant 4 : i32
      %scan3A_735:8 = scf.for %scan3A_941 = %scan3A_731 to %scan3A_733 step %scan3A_734 iter_args(%scan3A_942 = %broadcast_in_dim3A_716, %scan3A_943 = %broadcast_in_dim3A_718, %scan3A_944 = %broadcast_in_dim3A_720, %scan3A_945 = %broadcast_in_dim3A_722, %scan3A_946 = %broadcast_in_dim3A_724, %scan3A_947 = %broadcast_in_dim3A_726, %scan3A_948 = %broadcast_in_dim3A_728, %scan3A_949 = %broadcast_in_dim3A_730) -> (vector<16xf32>, vector<16xf32>, vector<16xf32>, vector<16xf32>, vector<16xf32>, vector<16xf32>, vector<16xf32>, vector<16xf32>)  : i32 {
        %get3A = arith.index_cast %scan3A_941 : i32 to index
        %get3A_950 = arith.constant 0 : index
        %get3A_951 = tpu.vector_load %arg7[%get3A, %get3A_950] {strides = array<i32>} : memref<200x128xf32, #tpu.memory_space<vmem>>, vector<1x16xf32>,
        %get3A_952 = vector.shape_cast %get3A_951 : vector<1x16xf32> to vector<16xf32>
        %add3A_953 = arith.addf %scan3A_942, %get3A_952 : vector<16xf32>
        %get3A_954 = arith.index_cast %scan3A_941 : i32 to index
        %get3A_955 = arith.constant 16 : index
        %get3A_956 = tpu.vector_load %arg7[%get3A_954, %get3A_955] {strides = array<i32>} : memref<200x128xf32, #tpu.memory_space<vmem>>, vector<1x16xf32>,
        %get3A_957 = vector.shape_cast %get3A_956 : vector<1x16xf32> to vector<16xf32>
        %add3A_958 = arith.addf %scan3A_943, %get3A_957 : vector<16xf32>
        %get3A_959 = arith.index_cast %scan3A_941 : i32 to index
        %get3A_960 = arith.constant 32 : index
        %get3A_961 = tpu.vector_load %arg7[%get3A_959, %get3A_960] {strides = array<i32>} : memref<200x128xf32, #tpu.memory_space<vmem>>, vector<1x16xf32>,
        %get3A_962 = vector.shape_cast %get3A_961 : vector<1x16xf32> to vector<16xf32>
        %add3A_963 = arith.addf %scan3A_944, %get3A_962 : vector<16xf32>
        %get3A_964 = arith.index_cast %scan3A_941 : i32 to index
        %get3A_965 = arith.constant 48 : index
        %get3A_966 = tpu.vector_load %arg7[%get3A_964, %get3A_965] {strides = array<i32>} : memref<200x128xf32, #tpu.memory_space<vmem>>, vector<1x16xf32>,
        %get3A_967 = vector.shape_cast %get3A_966 : vector<1x16xf32> to vector<16xf32>
        %add3A_968 = arith.addf %scan3A_945, %get3A_967 : vector<16xf32>
        %get3A_969 = arith.index_cast %scan3A_941 : i32 to index
        %get3A_970 = arith.constant 64 : index
        %get3A_971 = tpu.vector_load %arg7[%get3A_969, %get3A_970] {strides = array<i32>} : memref<200x128xf32, #tpu.memory_space<vmem>>, vector<1x16xf32>,
        %get3A_972 = vector.shape_cast %get3A_971 : vector<1x16xf32> to vector<16xf32>
        %add3A_973 = arith.addf %scan3A_946, %get3A_972 : vector<16xf32>
        %get3A_974 = arith.index_cast %scan3A_941 : i32 to index
        %get3A_975 = arith.constant 80 : index
        %get3A_976 = tpu.vector_load %arg7[%get3A_974, %get3A_975] {strides = array<i32>} : memref<200x128xf32, #tpu.memory_space<vmem>>, vector<1x16xf32>,
        %get3A_977 = vector.shape_cast %get3A_976 : vector<1x16xf32> to vector<16xf32>
        %add3A_978 = arith.addf %scan3A_947, %get3A_977 : vector<16xf32>
        %get3A_979 = arith.index_cast %scan3A_941 : i32 to index
        %get3A_980 = arith.constant 96 : index
        %get3A_981 = tpu.vector_load %arg7[%get3A_979, %get3A_980] {strides = array<i32>} : memref<200x128xf32, #tpu.memory_space<vmem>>, vector<1x16xf32>,
        %get3A_982 = vector.shape_cast %get3A_981 : vector<1x16xf32> to vector<16xf32>
        %add3A_983 = arith.addf %scan3A_948, %get3A_982 : vector<16xf32>
        %get3A_984 = arith.index_cast %scan3A_941 : i32 to index
        %get3A_985 = arith.constant 112 : index
        %get3A_986 = tpu.vector_load %arg7[%get3A_984, %get3A_985] {strides = array<i32>} : memref<200x128xf32, #tpu.memory_space<vmem>>, vector<1x16xf32>,
        %get3A_987 = vector.shape_cast %get3A_986 : vector<1x16xf32> to vector<16xf32>
        %add3A_988 = arith.addf %scan3A_949, %get3A_987 : vector<16xf32>
        %scan3A_989 = arith.constant 1 : i32
        %scan3A_990 = arith.addi %scan3A_941, %scan3A_989 : i32
        %get3A_991 = arith.index_cast %scan3A_990 : i32 to index
        %get3A_992 = arith.constant 0 : index
        %get3A_993 = tpu.vector_load %arg7[%get3A_991, %get3A_992] {strides = array<i32>} : memref<200x128xf32, #tpu.memory_space<vmem>>, vector<1x16xf32>,
        %get3A_994 = vector.shape_cast %get3A_993 : vector<1x16xf32> to vector<16xf32>
        %add3A_995 = arith.addf %add3A_953, %get3A_994 : vector<16xf32>
        %get3A_996 = arith.index_cast %scan3A_990 : i32 to index
        %get3A_997 = arith.constant 16 : index
        %get3A_998 = tpu.vector_load %arg7[%get3A_996, %get3A_997] {strides = array<i32>} : memref<200x128xf32, #tpu.memory_space<vmem>>, vector<1x16xf32>,
        %get3A_999 = vector.shape_cast %get3A_998 : vector<1x16xf32> to vector<16xf32>
        %add3A_1000 = arith.addf %add3A_958, %get3A_999 : vector<16xf32>
        %get3A_1001 = arith.index_cast %scan3A_990 : i32 to index
        %get3A_1002 = arith.constant 32 : index
        %get3A_1003 = tpu.vector_load %arg7[%get3A_1001, %get3A_1002] {strides = array<i32>} : memref<200x128xf32, #tpu.memory_space<vmem>>, vector<1x16xf32>,
        %get3A_1004 = vector.shape_cast %get3A_1003 : vector<1x16xf32> to vector<16xf32>
        %add3A_1005 = arith.addf %add3A_963, %get3A_1004 : vector<16xf32>
        %get3A_1006 = arith.index_cast %scan3A_990 : i32 to index
        %get3A_1007 = arith.constant 48 : index
        %get3A_1008 = tpu.vector_load %arg7[%get3A_1006, %get3A_1007] {strides = array<i32>} : memref<200x128xf32, #tpu.memory_space<vmem>>, vector<1x16xf32>,
        %get3A_1009 = vector.shape_cast %get3A_1008 : vector<1x16xf32> to vector<16xf32>
        %add3A_1010 = arith.addf %add3A_968, %get3A_1009 : vector<16xf32>
        %get3A_1011 = arith.index_cast %scan3A_990 : i32 to index
        %get3A_1012 = arith.constant 64 : index
        %get3A_1013 = tpu.vector_load %arg7[%get3A_1011, %get3A_1012] {strides = array<i32>} : memref<200x128xf32, #tpu.memory_space<vmem>>, vector<1x16xf32>,
        %get3A_1014 = vector.shape_cast %get3A_1013 : vector<1x16xf32> to vector<16xf32>
        %add3A_1015 = arith.addf %add3A_973, %get3A_1014 : vector<16xf32>
        %get3A_1016 = arith.index_cast %scan3A_990 : i32 to index
        %get3A_1017 = arith.constant 80 : index
        %get3A_1018 = tpu.vector_load %arg7[%get3A_1016, %get3A_1017] {strides = array<i32>} : memref<200x128xf32, #tpu.memory_space<vmem>>, vector<1x16xf32>,
        %get3A_1019 = vector.shape_cast %get3A_1018 : vector<1x16xf32> to vector<16xf32>
        %add3A_1020 = arith.addf %add3A_978, %get3A_1019 : vector<16xf32>
        %get3A_1021 = arith.index_cast %scan3A_990 : i32 to index
        %get3A_1022 = arith.constant 96 : index
        %get3A_1023 = tpu.vector_load %arg7[%get3A_1021, %get3A_1022] {strides = array<i32>} : memref<200x128xf32, #tpu.memory_space<vmem>>, vector<1x16xf32>,
        %get3A_1024 = vector.shape_cast %get3A_1023 : vector<1x16xf32> to vector<16xf32>
        %add3A_1025 = arith.addf %add3A_983, %get3A_1024 : vector<16xf32>
        %get3A_1026 = arith.index_cast %scan3A_990 : i32 to index
        %get3A_1027 = arith.constant 112 : index
        %get3A_1028 = tpu.vector_load %arg7[%get3A_1026, %get3A_1027] {strides = array<i32>} : memref<200x128xf32, #tpu.memory_space<vmem>>, vector<1x16xf32>,
        %get3A_1029 = vector.shape_cast %get3A_1028 : vector<1x16xf32> to vector<16xf32>
        %add3A_1030 = arith.addf %add3A_988, %get3A_1029 : vector<16xf32>
        %scan3A_1031 = arith.constant 2 : i32
        %scan3A_1032 = arith.addi %scan3A_941, %scan3A_1031 : i32
        %get3A_1033 = arith.index_cast %scan3A_1032 : i32 to index
        %get3A_1034 = arith.constant 0 : index
        %get3A_1035 = tpu.vector_load %arg7[%get3A_1033, %get3A_1034] {strides = array<i32>} : memref<200x128xf32, #tpu.memory_space<vmem>>, vector<1x16xf32>,
        %get3A_1036 = vector.shape_cast %get3A_1035 : vector<1x16xf32> to vector<16xf32>
        %add3A_1037 = arith.addf %add3A_995, %get3A_1036 : vector<16xf32>
        %get3A_1038 = arith.index_cast %scan3A_1032 : i32 to index
        %get3A_1039 = arith.constant 16 : index
        %get3A_1040 = tpu.vector_load %arg7[%get3A_1038, %get3A_1039] {strides = array<i32>} : memref<200x128xf32, #tpu.memory_space<vmem>>, vector<1x16xf32>,
        %get3A_1041 = vector.shape_cast %get3A_1040 : vector<1x16xf32> to vector<16xf32>
        %add3A_1042 = arith.addf %add3A_1000, %get3A_1041 : vector<16xf32>
        %get3A_1043 = arith.index_cast %scan3A_1032 : i32 to index
        %get3A_1044 = arith.constant 32 : index
        %get3A_1045 = tpu.vector_load %arg7[%get3A_1043, %get3A_1044] {strides = array<i32>} : memref<200x128xf32, #tpu.memory_space<vmem>>, vector<1x16xf32>,
        %get3A_1046 = vector.shape_cast %get3A_1045 : vector<1x16xf32> to vector<16xf32>
        %add3A_1047 = arith.addf %add3A_1005, %get3A_1046 : vector<16xf32>
        %get3A_1048 = arith.index_cast %scan3A_1032 : i32 to index
        %get3A_1049 = arith.constant 48 : index
        %get3A_1050 = tpu.vector_load %arg7[%get3A_1048, %get3A_1049] {strides = array<i32>} : memref<200x128xf32, #tpu.memory_space<vmem>>, vector<1x16xf32>,
        %get3A_1051 = vector.shape_cast %get3A_1050 : vector<1x16xf32> to vector<16xf32>
        %add3A_1052 = arith.addf %add3A_1010, %get3A_1051 : vector<16xf32>
        %get3A_1053 = arith.index_cast %scan3A_1032 : i32 to index
        %get3A_1054 = arith.constant 64 : index
        %get3A_1055 = tpu.vector_load %arg7[%get3A_1053, %get3A_1054] {strides = array<i32>} : memref<200x128xf32, #tpu.memory_space<vmem>>, vector<1x16xf32>,
        %get3A_1056 = vector.shape_cast %get3A_1055 : vector<1x16xf32> to vector<16xf32>
        %add3A_1057 = arith.addf %add3A_1015, %get3A_1056 : vector<16xf32>
        %get3A_1058 = arith.index_cast %scan3A_1032 : i32 to index
        %get3A_1059 = arith.constant 80 : index
        %get3A_1060 = tpu.vector_load %arg7[%get3A_1058, %get3A_1059] {strides = array<i32>} : memref<200x128xf32, #tpu.memory_space<vmem>>, vector<1x16xf32>,
        %get3A_1061 = vector.shape_cast %get3A_1060 : vector<1x16xf32> to vector<16xf32>
        %add3A_1062 = arith.addf %add3A_1020, %get3A_1061 : vector<16xf32>
        %get3A_1063 = arith.index_cast %scan3A_1032 : i32 to index
        %get3A_1064 = arith.constant 96 : index
        %get3A_1065 = tpu.vector_load %arg7[%get3A_1063, %get3A_1064] {strides = array<i32>} : memref<200x128xf32, #tpu.memory_space<vmem>>, vector<1x16xf32>,
        %get3A_1066 = vector.shape_cast %get3A_1065 : vector<1x16xf32> to vector<16xf32>
        %add3A_1067 = arith.addf %add3A_1025, %get3A_1066 : vector<16xf32>
        %get3A_1068 = arith.index_cast %scan3A_1032 : i32 to index
        %get3A_1069 = arith.constant 112 : index
        %get3A_1070 = tpu.vector_load %arg7[%get3A_1068, %get3A_1069] {strides = array<i32>} : memref<200x128xf32, #tpu.memory_space<vmem>>, vector<1x16xf32>,
        %get3A_1071 = vector.shape_cast %get3A_1070 : vector<1x16xf32> to vector<16xf32>
        %add3A_1072 = arith.addf %add3A_1030, %get3A_1071 : vector<16xf32>
        %scan3A_1073 = arith.constant 3 : i32
        %scan3A_1074 = arith.addi %scan3A_941, %scan3A_1073 : i32
        %get3A_1075 = arith.index_cast %scan3A_1074 : i32 to index
        %get3A_1076 = arith.constant 0 : index
        %get3A_1077 = tpu.vector_load %arg7[%get3A_1075, %get3A_1076] {strides = array<i32>} : memref<200x128xf32, #tpu.memory_space<vmem>>, vector<1x16xf32>,
        %get3A_1078 = vector.shape_cast %get3A_1077 : vector<1x16xf32> to vector<16xf32>
        %add3A_1079 = arith.addf %add3A_1037, %get3A_1078 : vector<16xf32>
        %get3A_1080 = arith.index_cast %scan3A_1074 : i32 to index
        %get3A_1081 = arith.constant 16 : index
        %get3A_1082 = tpu.vector_load %arg7[%get3A_1080, %get3A_1081] {strides = array<i32>} : memref<200x128xf32, #tpu.memory_space<vmem>>, vector<1x16xf32>,
        %get3A_1083 = vector.shape_cast %get3A_1082 : vector<1x16xf32> to vector<16xf32>
        %add3A_1084 = arith.addf %add3A_1042, %get3A_1083 : vector<16xf32>
        %get3A_1085 = arith.index_cast %scan3A_1074 : i32 to index
        %get3A_1086 = arith.constant 32 : index
        %get3A_1087 = tpu.vector_load %arg7[%get3A_1085, %get3A_1086] {strides = array<i32>} : memref<200x128xf32, #tpu.memory_space<vmem>>, vector<1x16xf32>,
        %get3A_1088 = vector.shape_cast %get3A_1087 : vector<1x16xf32> to vector<16xf32>
        %add3A_1089 = arith.addf %add3A_1047, %get3A_1088 : vector<16xf32>
        %get3A_1090 = arith.index_cast %scan3A_1074 : i32 to index
        %get3A_1091 = arith.constant 48 : index
        %get3A_1092 = tpu.vector_load %arg7[%get3A_1090, %get3A_1091] {strides = array<i32>} : memref<200x128xf32, #tpu.memory_space<vmem>>, vector<1x16xf32>,
        %get3A_1093 = vector.shape_cast %get3A_1092 : vector<1x16xf32> to vector<16xf32>
        %add3A_1094 = arith.addf %add3A_1052, %get3A_1093 : vector<16xf32>
        %get3A_1095 = arith.index_cast %scan3A_1074 : i32 to index
        %get3A_1096 = arith.constant 64 : index
        %get3A_1097 = tpu.vector_load %arg7[%get3A_1095, %get3A_1096] {strides = array<i32>} : memref<200x128xf32, #tpu.memory_space<vmem>>, vector<1x16xf32>,
        %get3A_1098 = vector.shape_cast %get3A_1097 : vector<1x16xf32> to vector<16xf32>
        %add3A_1099 = arith.addf %add3A_1057, %get3A_1098 : vector<16xf32>
        %get3A_1100 = arith.index_cast %scan3A_1074 : i32 to index
        %get3A_1101 = arith.constant 80 : index
        %get3A_1102 = tpu.vector_load %arg7[%get3A_1100, %get3A_1101] {strides = array<i32>} : memref<200x128xf32, #tpu.memory_space<vmem>>, vector<1x16xf32>,
        %get3A_1103 = vector.shape_cast %get3A_1102 : vector<1x16xf32> to vector<16xf32>
        %add3A_1104 = arith.addf %add3A_1062, %get3A_1103 : vector<16xf32>
        %get3A_1105 = arith.index_cast %scan3A_1074 : i32 to index
        %get3A_1106 = arith.constant 96 : index
        %get3A_1107 = tpu.vector_load %arg7[%get3A_1105, %get3A_1106] {strides = array<i32>} : memref<200x128xf32, #tpu.memory_space<vmem>>, vector<1x16xf32>,
        %get3A_1108 = vector.shape_cast %get3A_1107 : vector<1x16xf32> to vector<16xf32>
        %add3A_1109 = arith.addf %add3A_1067, %get3A_1108 : vector<16xf32>
        %get3A_1110 = arith.index_cast %scan3A_1074 : i32 to index
        %get3A_1111 = arith.constant 112 : index
        %get3A_1112 = tpu.vector_load %arg7[%get3A_1110, %get3A_1111] {strides = array<i32>} : memref<200x128xf32, #tpu.memory_space<vmem>>, vector<1x16xf32>,
        %get3A_1113 = vector.shape_cast %get3A_1112 : vector<1x16xf32> to vector<16xf32>
        %add3A_1114 = arith.addf %add3A_1072, %get3A_1113 : vector<16xf32>
        scf.yield %add3A_1079, %add3A_1084, %add3A_1089, %add3A_1094, %add3A_1099, %add3A_1104, %add3A_1109, %add3A_1114 : vector<16xf32>, vector<16xf32>, vector<16xf32>, vector<16xf32>, vector<16xf32>, vector<16xf32>, vector<16xf32>, vector<16xf32>
      }
      %scan3A_736 = arith.constant 200 : i32
      %mul3A_737 = arith.constant 5.000000e-03 : f32
      %mul3A_738 = vector.broadcast %mul3A_737 : f32 to vector<16xf32>
      %mul3A_739 = arith.mulf %scan3A_735#0, %mul3A_738 : vector<16xf32>
      %swap3A_740 = arith.index_cast %add3A_708 : i32 to index
      %swap3A_741 = arith.constant 0 : index
      %swap3A_742 = tpu.vector_load %arg9[%swap3A_740, %swap3A_741] {strides = array<i32>} : memref<128x128xf32, #tpu.memory_space<vmem>>, vector<1x16xf32>,
      %swap3A_743 = vector.shape_cast %swap3A_742 : vector<1x16xf32> to vector<16xf32>
      %swap3A_744 = vector.shape_cast %mul3A_739 : vector<16xf32> to vector<1x16xf32>
      tpu.vector_store %arg9[%swap3A_740, %swap3A_741], %swap3A_744 {strides = array<i32>} : memref<128x128xf32, #tpu.memory_space<vmem>>, vector<1x16xf32>,
      %mul3A_745 = arith.constant 5.000000e-03 : f32
      %mul3A_746 = vector.broadcast %mul3A_745 : f32 to vector<16xf32>
      %mul3A_747 = arith.mulf %scan3A_735#1, %mul3A_746 : vector<16xf32>
      %swap3A_748 = arith.index_cast %add3A_708 : i32 to index
      %swap3A_749 = arith.constant 16 : index
      %swap3A_750 = tpu.vector_load %arg9[%swap3A_748, %swap3A_749] {strides = array<i32>} : memref<128x128xf32, #tpu.memory_space<vmem>>, vector<1x16xf32>,
      %swap3A_751 = vector.shape_cast %swap3A_750 : vector<1x16xf32> to vector<16xf32>
      %swap3A_752 = vector.shape_cast %mul3A_747 : vector<16xf32> to vector<1x16xf32>
      tpu.vector_store %arg9[%swap3A_748, %swap3A_749], %swap3A_752 {strides = array<i32>} : memref<128x128xf32, #tpu.memory_space<vmem>>, vector<1x16xf32>,
      %mul3A_753 = arith.constant 5.000000e-03 : f32
      %mul3A_754 = vector.broadcast %mul3A_753 : f32 to vector<16xf32>
      %mul3A_755 = arith.mulf %scan3A_735#2, %mul3A_754 : vector<16xf32>
      %swap3A_756 = arith.index_cast %add3A_708 : i32 to index
      %swap3A_757 = arith.constant 32 : index
      %swap3A_758 = tpu.vector_load %arg9[%swap3A_756, %swap3A_757] {strides = array<i32>} : memref<128x128xf32, #tpu.memory_space<vmem>>, vector<1x16xf32>,
      %swap3A_759 = vector.shape_cast %swap3A_758 : vector<1x16xf32> to vector<16xf32>
      %swap3A_760 = vector.shape_cast %mul3A_755 : vector<16xf32> to vector<1x16xf32>
      tpu.vector_store %arg9[%swap3A_756, %swap3A_757], %swap3A_760 {strides = array<i32>} : memref<128x128xf32, #tpu.memory_space<vmem>>, vector<1x16xf32>,
      %mul3A_761 = arith.constant 5.000000e-03 : f32
      %mul3A_762 = vector.broadcast %mul3A_761 : f32 to vector<16xf32>
      %mul3A_763 = arith.mulf %scan3A_735#3, %mul3A_762 : vector<16xf32>
      %swap3A_764 = arith.index_cast %add3A_708 : i32 to index
      %swap3A_765 = arith.constant 48 : index
      %swap3A_766 = tpu.vector_load %arg9[%swap3A_764, %swap3A_765] {strides = array<i32>} : memref<128x128xf32, #tpu.memory_space<vmem>>, vector<1x16xf32>,
      %swap3A_767 = vector.shape_cast %swap3A_766 : vector<1x16xf32> to vector<16xf32>
      %swap3A_768 = vector.shape_cast %mul3A_763 : vector<16xf32> to vector<1x16xf32>
      tpu.vector_store %arg9[%swap3A_764, %swap3A_765], %swap3A_768 {strides = array<i32>} : memref<128x128xf32, #tpu.memory_space<vmem>>, vector<1x16xf32>,
      %mul3A_769 = arith.constant 5.000000e-03 : f32
      %mul3A_770 = vector.broadcast %mul3A_769 : f32 to vector<16xf32>
      %mul3A_771 = arith.mulf %scan3A_735#4, %mul3A_770 : vector<16xf32>
      %swap3A_772 = arith.index_cast %add3A_708 : i32 to index
      %swap3A_773 = arith.constant 64 : index
      %swap3A_774 = tpu.vector_load %arg9[%swap3A_772, %swap3A_773] {strides = array<i32>} : memref<128x128xf32, #tpu.memory_space<vmem>>, vector<1x16xf32>,
      %swap3A_775 = vector.shape_cast %swap3A_774 : vector<1x16xf32> to vector<16xf32>
      %swap3A_776 = vector.shape_cast %mul3A_771 : vector<16xf32> to vector<1x16xf32>
      tpu.vector_store %arg9[%swap3A_772, %swap3A_773], %swap3A_776 {strides = array<i32>} : memref<128x128xf32, #tpu.memory_space<vmem>>, vector<1x16xf32>,
      %mul3A_777 = arith.constant 5.000000e-03 : f32
      %mul3A_778 = vector.broadcast %mul3A_777 : f32 to vector<16xf32>
      %mul3A_779 = arith.mulf %scan3A_735#5, %mul3A_778 : vector<16xf32>
      %swap3A_780 = arith.index_cast %add3A_708 : i32 to index
      %swap3A_781 = arith.constant 80 : index
      %swap3A_782 = tpu.vector_load %arg9[%swap3A_780, %swap3A_781] {strides = array<i32>} : memref<128x128xf32, #tpu.memory_space<vmem>>, vector<1x16xf32>,
      %swap3A_783 = vector.shape_cast %swap3A_782 : vector<1x16xf32> to vector<16xf32>
      %swap3A_784 = vector.shape_cast %mul3A_779 : vector<16xf32> to vector<1x16xf32>
      tpu.vector_store %arg9[%swap3A_780, %swap3A_781], %swap3A_784 {strides = array<i32>} : memref<128x128xf32, #tpu.memory_space<vmem>>, vector<1x16xf32>,
      %mul3A_785 = arith.constant 5.000000e-03 : f32
      %mul3A_786 = vector.broadcast %mul3A_785 : f32 to vector<16xf32>
      %mul3A_787 = arith.mulf %scan3A_735#6, %mul3A_786 : vector<16xf32>
      %swap3A_788 = arith.index_cast %add3A_708 : i32 to index
      %swap3A_789 = arith.constant 96 : index
      %swap3A_790 = tpu.vector_load %arg9[%swap3A_788, %swap3A_789] {strides = array<i32>} : memref<128x128xf32, #tpu.memory_space<vmem>>, vector<1x16xf32>,
      %swap3A_791 = vector.shape_cast %swap3A_790 : vector<1x16xf32> to vector<16xf32>
      %swap3A_792 = vector.shape_cast %mul3A_787 : vector<16xf32> to vector<1x16xf32>
      tpu.vector_store %arg9[%swap3A_788, %swap3A_789], %swap3A_792 {strides = array<i32>} : memref<128x128xf32, #tpu.memory_space<vmem>>, vector<1x16xf32>,
      %mul3A_793 = arith.constant 5.000000e-03 : f32
      %mul3A_794 = vector.broadcast %mul3A_793 : f32 to vector<16xf32>
      %mul3A_795 = arith.mulf %scan3A_735#7, %mul3A_794 : vector<16xf32>
      %swap3A_796 = arith.index_cast %add3A_708 : i32 to index
      %swap3A_797 = arith.constant 112 : index
      %swap3A_798 = tpu.vector_load %arg9[%swap3A_796, %swap3A_797] {strides = array<i32>} : memref<128x128xf32, #tpu.memory_space<vmem>>, vector<1x16xf32>,
      %swap3A_799 = vector.shape_cast %swap3A_798 : vector<1x16xf32> to vector<16xf32>
      %swap3A_800 = vector.shape_cast %mul3A_795 : vector<16xf32> to vector<1x16xf32>
      tpu.vector_store %arg9[%swap3A_796, %swap3A_797], %swap3A_800 {strides = array<i32>} : memref<128x128xf32, #tpu.memory_space<vmem>>, vector<1x16xf32>,
      %add3A_801 = arith.constant 3 : i32
      %add3A_802 = arith.addi %add3A_708, %add3A_801 : i32
      %mul3A_803 = arith.constant 200 : i32
      %mul3A_804 = arith.muli %add3A_802, %mul3A_803 : i32
      %dma_start3A_805 = arith.constant 0 : i32
      %dma_start3A_806 = arith.constant 0 : i32
      %dma_start3A_807 = tpu.memref_slice %arg7[%dma_start3A_805, %dma_start3A_806] : memref<200x128xf32, #tpu.memory_space<vmem>> -> memref<104x128xf32, #tpu.memory_space<vmem>>
      %dma_start3A_808 = tpu.memref_slice %arg5[%mul3A_804] : memref<25600xi32, #tpu.memory_space<vmem>> -> memref<104xi32, #tpu.memory_space<vmem>>
      %dma_start3A_809 = arith.constant 0 : i32
      %dma_start3A_810 = arith.constant 0 : i32
      %dma_start3A_811 = tpu.memref_slice %arg3[%dma_start3A_809, %dma_start3A_810] : memref<100000x128xf32, #tpu.memory_space<hbm>> -> memref<100000x128xf32, #tpu.memory_space<hbm>>
      tpu.enqueue_indirect_dma source(%dma_start3A_811 : memref<100000x128xf32, #tpu.memory_space<hbm>>) target(%dma_start3A_807 : memref<104x128xf32, #tpu.memory_space<vmem>>) offsets(%dma_start3A_808 : memref<104xi32, #tpu.memory_space<vmem>>) semaphore(%arg11 : memref<!tpu.dma_semaphore, #tpu.memory_space<semaphore_mem>>)
      %mul3A_812 = arith.constant 200 : i32
      %mul3A_813 = arith.muli %add3A_802, %mul3A_812 : i32
      %add3A_814 = arith.constant 104 : i32
      %add3A_815 = arith.addi %mul3A_813, %add3A_814 : i32
      %dma_start3A_816 = arith.constant 104 : i32
      %dma_start3A_817 = arith.constant 0 : i32
      %dma_start3A_818 = tpu.memref_slice %arg7[%dma_start3A_816, %dma_start3A_817] : memref<200x128xf32, #tpu.memory_space<vmem>> -> memref<96x128xf32, #tpu.memory_space<vmem>>
      %dma_start3A_819 = tpu.memref_slice %arg5[%add3A_815] : memref<25600xi32, #tpu.memory_space<vmem>> -> memref<96xi32, #tpu.memory_space<vmem>>
      %dma_start3A_820 = arith.constant 0 : i32
      %dma_start3A_821 = arith.constant 0 : i32
      %dma_start3A_822 = tpu.memref_slice %arg3[%dma_start3A_820, %dma_start3A_821] : memref<100000x128xf32, #tpu.memory_space<hbm>> -> memref<100000x128xf32, #tpu.memory_space<hbm>>
      tpu.enqueue_indirect_dma source(%dma_start3A_822 : memref<100000x128xf32, #tpu.memory_space<hbm>>) target(%dma_start3A_818 : memref<96x128xf32, #tpu.memory_space<vmem>>) offsets(%dma_start3A_819 : memref<96xi32, #tpu.memory_space<vmem>>) semaphore(%arg11 : memref<!tpu.dma_semaphore, #tpu.memory_space<semaphore_mem>>)
      %mul3A_823 = arith.constant 3 : i32
      %mul3A_824 = arith.muli %mul3A_823, %scan3A_586 : i32
      %add3A_825 = arith.constant 2 : i32
      %add3A_826 = arith.addi %mul3A_824, %add3A_825 : i32
      %dma_wait3A_827 = arith.constant 0 : i32
      %dma_wait3A_828 = arith.constant 0 : i32
      %dma_wait3A_829 = tpu.memref_slice %arg3[%dma_wait3A_827, %dma_wait3A_828] : memref<100000x128xf32, #tpu.memory_space<hbm>> -> memref<200x128xf32, #tpu.memory_space<hbm>>
      %dma_wait3A_830 = arith.constant 0 : i32
      %dma_wait3A_831 = arith.constant 0 : i32
      %dma_wait3A_832 = tpu.memref_slice %arg3[%dma_wait3A_830, %dma_wait3A_831] : memref<100000x128xf32, #tpu.memory_space<hbm>> -> memref<200x128xf32, #tpu.memory_space<hbm>>
      tpu.wait_dma2 semaphore(%arg12 : memref<!tpu.dma_semaphore, #tpu.memory_space<semaphore_mem>>) src(%dma_wait3A_832 : memref<200x128xf32, #tpu.memory_space<hbm>>) dst(%arg8 : memref<200x128xf32, #tpu.memory_space<vmem>>)
      %broadcast_in_dim3A_833 = arith.constant 0.000000e+00 : f32
      %broadcast_in_dim3A_834 = vector.broadcast %broadcast_in_dim3A_833 : f32 to vector<16xf32>
      %broadcast_in_dim3A_835 = arith.constant 0.000000e+00 : f32
      %broadcast_in_dim3A_836 = vector.broadcast %broadcast_in_dim3A_835 : f32 to vector<16xf32>
      %broadcast_in_dim3A_837 = arith.constant 0.000000e+00 : f32
      %broadcast_in_dim3A_838 = vector.broadcast %broadcast_in_dim3A_837 : f32 to vector<16xf32>
      %broadcast_in_dim3A_839 = arith.constant 0.000000e+00 : f32
      %broadcast_in_dim3A_840 = vector.broadcast %broadcast_in_dim3A_839 : f32 to vector<16xf32>
      %broadcast_in_dim3A_841 = arith.constant 0.000000e+00 : f32
      %broadcast_in_dim3A_842 = vector.broadcast %broadcast_in_dim3A_841 : f32 to vector<16xf32>
      %broadcast_in_dim3A_843 = arith.constant 0.000000e+00 : f32
      %broadcast_in_dim3A_844 = vector.broadcast %broadcast_in_dim3A_843 : f32 to vector<16xf32>
      %broadcast_in_dim3A_845 = arith.constant 0.000000e+00 : f32
      %broadcast_in_dim3A_846 = vector.broadcast %broadcast_in_dim3A_845 : f32 to vector<16xf32>
      %broadcast_in_dim3A_847 = arith.constant 0.000000e+00 : f32
      %broadcast_in_dim3A_848 = vector.broadcast %broadcast_in_dim3A_847 : f32 to vector<16xf32>
      %scan3A_849 = arith.constant 0 : i32
      %scan3A_850 = arith.constant 200 : i32
      %scan3A_851 = arith.addi %scan3A_849, %scan3A_850 : i32
      %scan3A_852 = arith.constant 4 : i32
      %scan3A_853:8 = scf.for %scan3A_941 = %scan3A_849 to %scan3A_851 step %scan3A_852 iter_args(%scan3A_942 = %broadcast_in_dim3A_834, %scan3A_943 = %broadcast_in_dim3A_836, %scan3A_944 = %broadcast_in_dim3A_838, %scan3A_945 = %broadcast_in_dim3A_840, %scan3A_946 = %broadcast_in_dim3A_842, %scan3A_947 = %broadcast_in_dim3A_844, %scan3A_948 = %broadcast_in_dim3A_846, %scan3A_949 = %broadcast_in_dim3A_848) -> (vector<16xf32>, vector<16xf32>, vector<16xf32>, vector<16xf32>, vector<16xf32>, vector<16xf32>, vector<16xf32>, vector<16xf32>)  : i32 {
        %get3A = arith.index_cast %scan3A_941 : i32 to index
        %get3A_950 = arith.constant 0 : index
        %get3A_951 = tpu.vector_load %arg8[%get3A, %get3A_950] {strides = array<i32>} : memref<200x128xf32, #tpu.memory_space<vmem>>, vector<1x16xf32>,
        %get3A_952 = vector.shape_cast %get3A_951 : vector<1x16xf32> to vector<16xf32>
        %add3A_953 = arith.addf %scan3A_942, %get3A_952 : vector<16xf32>
        %get3A_954 = arith.index_cast %scan3A_941 : i32 to index
        %get3A_955 = arith.constant 16 : index
        %get3A_956 = tpu.vector_load %arg8[%get3A_954, %get3A_955] {strides = array<i32>} : memref<200x128xf32, #tpu.memory_space<vmem>>, vector<1x16xf32>,
        %get3A_957 = vector.shape_cast %get3A_956 : vector<1x16xf32> to vector<16xf32>
        %add3A_958 = arith.addf %scan3A_943, %get3A_957 : vector<16xf32>
        %get3A_959 = arith.index_cast %scan3A_941 : i32 to index
        %get3A_960 = arith.constant 32 : index
        %get3A_961 = tpu.vector_load %arg8[%get3A_959, %get3A_960] {strides = array<i32>} : memref<200x128xf32, #tpu.memory_space<vmem>>, vector<1x16xf32>,
        %get3A_962 = vector.shape_cast %get3A_961 : vector<1x16xf32> to vector<16xf32>
        %add3A_963 = arith.addf %scan3A_944, %get3A_962 : vector<16xf32>
        %get3A_964 = arith.index_cast %scan3A_941 : i32 to index
        %get3A_965 = arith.constant 48 : index
        %get3A_966 = tpu.vector_load %arg8[%get3A_964, %get3A_965] {strides = array<i32>} : memref<200x128xf32, #tpu.memory_space<vmem>>, vector<1x16xf32>,
        %get3A_967 = vector.shape_cast %get3A_966 : vector<1x16xf32> to vector<16xf32>
        %add3A_968 = arith.addf %scan3A_945, %get3A_967 : vector<16xf32>
        %get3A_969 = arith.index_cast %scan3A_941 : i32 to index
        %get3A_970 = arith.constant 64 : index
        %get3A_971 = tpu.vector_load %arg8[%get3A_969, %get3A_970] {strides = array<i32>} : memref<200x128xf32, #tpu.memory_space<vmem>>, vector<1x16xf32>,
        %get3A_972 = vector.shape_cast %get3A_971 : vector<1x16xf32> to vector<16xf32>
        %add3A_973 = arith.addf %scan3A_946, %get3A_972 : vector<16xf32>
        %get3A_974 = arith.index_cast %scan3A_941 : i32 to index
        %get3A_975 = arith.constant 80 : index
        %get3A_976 = tpu.vector_load %arg8[%get3A_974, %get3A_975] {strides = array<i32>} : memref<200x128xf32, #tpu.memory_space<vmem>>, vector<1x16xf32>,
        %get3A_977 = vector.shape_cast %get3A_976 : vector<1x16xf32> to vector<16xf32>
        %add3A_978 = arith.addf %scan3A_947, %get3A_977 : vector<16xf32>
        %get3A_979 = arith.index_cast %scan3A_941 : i32 to index
        %get3A_980 = arith.constant 96 : index
        %get3A_981 = tpu.vector_load %arg8[%get3A_979, %get3A_980] {strides = array<i32>} : memref<200x128xf32, #tpu.memory_space<vmem>>, vector<1x16xf32>,
        %get3A_982 = vector.shape_cast %get3A_981 : vector<1x16xf32> to vector<16xf32>
        %add3A_983 = arith.addf %scan3A_948, %get3A_982 : vector<16xf32>
        %get3A_984 = arith.index_cast %scan3A_941 : i32 to index
        %get3A_985 = arith.constant 112 : index
        %get3A_986 = tpu.vector_load %arg8[%get3A_984, %get3A_985] {strides = array<i32>} : memref<200x128xf32, #tpu.memory_space<vmem>>, vector<1x16xf32>,
        %get3A_987 = vector.shape_cast %get3A_986 : vector<1x16xf32> to vector<16xf32>
        %add3A_988 = arith.addf %scan3A_949, %get3A_987 : vector<16xf32>
        %scan3A_989 = arith.constant 1 : i32
        %scan3A_990 = arith.addi %scan3A_941, %scan3A_989 : i32
        %get3A_991 = arith.index_cast %scan3A_990 : i32 to index
        %get3A_992 = arith.constant 0 : index
        %get3A_993 = tpu.vector_load %arg8[%get3A_991, %get3A_992] {strides = array<i32>} : memref<200x128xf32, #tpu.memory_space<vmem>>, vector<1x16xf32>,
        %get3A_994 = vector.shape_cast %get3A_993 : vector<1x16xf32> to vector<16xf32>
        %add3A_995 = arith.addf %add3A_953, %get3A_994 : vector<16xf32>
        %get3A_996 = arith.index_cast %scan3A_990 : i32 to index
        %get3A_997 = arith.constant 16 : index
        %get3A_998 = tpu.vector_load %arg8[%get3A_996, %get3A_997] {strides = array<i32>} : memref<200x128xf32, #tpu.memory_space<vmem>>, vector<1x16xf32>,
        %get3A_999 = vector.shape_cast %get3A_998 : vector<1x16xf32> to vector<16xf32>
        %add3A_1000 = arith.addf %add3A_958, %get3A_999 : vector<16xf32>
        %get3A_1001 = arith.index_cast %scan3A_990 : i32 to index
        %get3A_1002 = arith.constant 32 : index
        %get3A_1003 = tpu.vector_load %arg8[%get3A_1001, %get3A_1002] {strides = array<i32>} : memref<200x128xf32, #tpu.memory_space<vmem>>, vector<1x16xf32>,
        %get3A_1004 = vector.shape_cast %get3A_1003 : vector<1x16xf32> to vector<16xf32>
        %add3A_1005 = arith.addf %add3A_963, %get3A_1004 : vector<16xf32>
        %get3A_1006 = arith.index_cast %scan3A_990 : i32 to index
        %get3A_1007 = arith.constant 48 : index
        %get3A_1008 = tpu.vector_load %arg8[%get3A_1006, %get3A_1007] {strides = array<i32>} : memref<200x128xf32, #tpu.memory_space<vmem>>, vector<1x16xf32>,
        %get3A_1009 = vector.shape_cast %get3A_1008 : vector<1x16xf32> to vector<16xf32>
        %add3A_1010 = arith.addf %add3A_968, %get3A_1009 : vector<16xf32>
        %get3A_1011 = arith.index_cast %scan3A_990 : i32 to index
        %get3A_1012 = arith.constant 64 : index
        %get3A_1013 = tpu.vector_load %arg8[%get3A_1011, %get3A_1012] {strides = array<i32>} : memref<200x128xf32, #tpu.memory_space<vmem>>, vector<1x16xf32>,
        %get3A_1014 = vector.shape_cast %get3A_1013 : vector<1x16xf32> to vector<16xf32>
        %add3A_1015 = arith.addf %add3A_973, %get3A_1014 : vector<16xf32>
        %get3A_1016 = arith.index_cast %scan3A_990 : i32 to index
        %get3A_1017 = arith.constant 80 : index
        %get3A_1018 = tpu.vector_load %arg8[%get3A_1016, %get3A_1017] {strides = array<i32>} : memref<200x128xf32, #tpu.memory_space<vmem>>, vector<1x16xf32>,
        %get3A_1019 = vector.shape_cast %get3A_1018 : vector<1x16xf32> to vector<16xf32>
        %add3A_1020 = arith.addf %add3A_978, %get3A_1019 : vector<16xf32>
        %get3A_1021 = arith.index_cast %scan3A_990 : i32 to index
        %get3A_1022 = arith.constant 96 : index
        %get3A_1023 = tpu.vector_load %arg8[%get3A_1021, %get3A_1022] {strides = array<i32>} : memref<200x128xf32, #tpu.memory_space<vmem>>, vector<1x16xf32>,
        %get3A_1024 = vector.shape_cast %get3A_1023 : vector<1x16xf32> to vector<16xf32>
        %add3A_1025 = arith.addf %add3A_983, %get3A_1024 : vector<16xf32>
        %get3A_1026 = arith.index_cast %scan3A_990 : i32 to index
        %get3A_1027 = arith.constant 112 : index
        %get3A_1028 = tpu.vector_load %arg8[%get3A_1026, %get3A_1027] {strides = array<i32>} : memref<200x128xf32, #tpu.memory_space<vmem>>, vector<1x16xf32>,
        %get3A_1029 = vector.shape_cast %get3A_1028 : vector<1x16xf32> to vector<16xf32>
        %add3A_1030 = arith.addf %add3A_988, %get3A_1029 : vector<16xf32>
        %scan3A_1031 = arith.constant 2 : i32
        %scan3A_1032 = arith.addi %scan3A_941, %scan3A_1031 : i32
        %get3A_1033 = arith.index_cast %scan3A_1032 : i32 to index
        %get3A_1034 = arith.constant 0 : index
        %get3A_1035 = tpu.vector_load %arg8[%get3A_1033, %get3A_1034] {strides = array<i32>} : memref<200x128xf32, #tpu.memory_space<vmem>>, vector<1x16xf32>,
        %get3A_1036 = vector.shape_cast %get3A_1035 : vector<1x16xf32> to vector<16xf32>
        %add3A_1037 = arith.addf %add3A_995, %get3A_1036 : vector<16xf32>
        %get3A_1038 = arith.index_cast %scan3A_1032 : i32 to index
        %get3A_1039 = arith.constant 16 : index
        %get3A_1040 = tpu.vector_load %arg8[%get3A_1038, %get3A_1039] {strides = array<i32>} : memref<200x128xf32, #tpu.memory_space<vmem>>, vector<1x16xf32>,
        %get3A_1041 = vector.shape_cast %get3A_1040 : vector<1x16xf32> to vector<16xf32>
        %add3A_1042 = arith.addf %add3A_1000, %get3A_1041 : vector<16xf32>
        %get3A_1043 = arith.index_cast %scan3A_1032 : i32 to index
        %get3A_1044 = arith.constant 32 : index
        %get3A_1045 = tpu.vector_load %arg8[%get3A_1043, %get3A_1044] {strides = array<i32>} : memref<200x128xf32, #tpu.memory_space<vmem>>, vector<1x16xf32>,
        %get3A_1046 = vector.shape_cast %get3A_1045 : vector<1x16xf32> to vector<16xf32>
        %add3A_1047 = arith.addf %add3A_1005, %get3A_1046 : vector<16xf32>
        %get3A_1048 = arith.index_cast %scan3A_1032 : i32 to index
        %get3A_1049 = arith.constant 48 : index
        %get3A_1050 = tpu.vector_load %arg8[%get3A_1048, %get3A_1049] {strides = array<i32>} : memref<200x128xf32, #tpu.memory_space<vmem>>, vector<1x16xf32>,
        %get3A_1051 = vector.shape_cast %get3A_1050 : vector<1x16xf32> to vector<16xf32>
        %add3A_1052 = arith.addf %add3A_1010, %get3A_1051 : vector<16xf32>
        %get3A_1053 = arith.index_cast %scan3A_1032 : i32 to index
        %get3A_1054 = arith.constant 64 : index
        %get3A_1055 = tpu.vector_load %arg8[%get3A_1053, %get3A_1054] {strides = array<i32>} : memref<200x128xf32, #tpu.memory_space<vmem>>, vector<1x16xf32>,
        %get3A_1056 = vector.shape_cast %get3A_1055 : vector<1x16xf32> to vector<16xf32>
        %add3A_1057 = arith.addf %add3A_1015, %get3A_1056 : vector<16xf32>
        %get3A_1058 = arith.index_cast %scan3A_1032 : i32 to index
        %get3A_1059 = arith.constant 80 : index
        %get3A_1060 = tpu.vector_load %arg8[%get3A_1058, %get3A_1059] {strides = array<i32>} : memref<200x128xf32, #tpu.memory_space<vmem>>, vector<1x16xf32>,
        %get3A_1061 = vector.shape_cast %get3A_1060 : vector<1x16xf32> to vector<16xf32>
        %add3A_1062 = arith.addf %add3A_1020, %get3A_1061 : vector<16xf32>
        %get3A_1063 = arith.index_cast %scan3A_1032 : i32 to index
        %get3A_1064 = arith.constant 96 : index
        %get3A_1065 = tpu.vector_load %arg8[%get3A_1063, %get3A_1064] {strides = array<i32>} : memref<200x128xf32, #tpu.memory_space<vmem>>, vector<1x16xf32>,
        %get3A_1066 = vector.shape_cast %get3A_1065 : vector<1x16xf32> to vector<16xf32>
        %add3A_1067 = arith.addf %add3A_1025, %get3A_1066 : vector<16xf32>
        %get3A_1068 = arith.index_cast %scan3A_1032 : i32 to index
        %get3A_1069 = arith.constant 112 : index
        %get3A_1070 = tpu.vector_load %arg8[%get3A_1068, %get3A_1069] {strides = array<i32>} : memref<200x128xf32, #tpu.memory_space<vmem>>, vector<1x16xf32>,
        %get3A_1071 = vector.shape_cast %get3A_1070 : vector<1x16xf32> to vector<16xf32>
        %add3A_1072 = arith.addf %add3A_1030, %get3A_1071 : vector<16xf32>
        %scan3A_1073 = arith.constant 3 : i32
        %scan3A_1074 = arith.addi %scan3A_941, %scan3A_1073 : i32
        %get3A_1075 = arith.index_cast %scan3A_1074 : i32 to index
        %get3A_1076 = arith.constant 0 : index
        %get3A_1077 = tpu.vector_load %arg8[%get3A_1075, %get3A_1076] {strides = array<i32>} : memref<200x128xf32, #tpu.memory_space<vmem>>, vector<1x16xf32>,
        %get3A_1078 = vector.shape_cast %get3A_1077 : vector<1x16xf32> to vector<16xf32>
        %add3A_1079 = arith.addf %add3A_1037, %get3A_1078 : vector<16xf32>
        %get3A_1080 = arith.index_cast %scan3A_1074 : i32 to index
        %get3A_1081 = arith.constant 16 : index
        %get3A_1082 = tpu.vector_load %arg8[%get3A_1080, %get3A_1081] {strides = array<i32>} : memref<200x128xf32, #tpu.memory_space<vmem>>, vector<1x16xf32>,
        %get3A_1083 = vector.shape_cast %get3A_1082 : vector<1x16xf32> to vector<16xf32>
        %add3A_1084 = arith.addf %add3A_1042, %get3A_1083 : vector<16xf32>
        %get3A_1085 = arith.index_cast %scan3A_1074 : i32 to index
        %get3A_1086 = arith.constant 32 : index
        %get3A_1087 = tpu.vector_load %arg8[%get3A_1085, %get3A_1086] {strides = array<i32>} : memref<200x128xf32, #tpu.memory_space<vmem>>, vector<1x16xf32>,
        %get3A_1088 = vector.shape_cast %get3A_1087 : vector<1x16xf32> to vector<16xf32>
        %add3A_1089 = arith.addf %add3A_1047, %get3A_1088 : vector<16xf32>
        %get3A_1090 = arith.index_cast %scan3A_1074 : i32 to index
        %get3A_1091 = arith.constant 48 : index
        %get3A_1092 = tpu.vector_load %arg8[%get3A_1090, %get3A_1091] {strides = array<i32>} : memref<200x128xf32, #tpu.memory_space<vmem>>, vector<1x16xf32>,
        %get3A_1093 = vector.shape_cast %get3A_1092 : vector<1x16xf32> to vector<16xf32>
        %add3A_1094 = arith.addf %add3A_1052, %get3A_1093 : vector<16xf32>
        %get3A_1095 = arith.index_cast %scan3A_1074 : i32 to index
        %get3A_1096 = arith.constant 64 : index
        %get3A_1097 = tpu.vector_load %arg8[%get3A_1095, %get3A_1096] {strides = array<i32>} : memref<200x128xf32, #tpu.memory_space<vmem>>, vector<1x16xf32>,
        %get3A_1098 = vector.shape_cast %get3A_1097 : vector<1x16xf32> to vector<16xf32>
        %add3A_1099 = arith.addf %add3A_1057, %get3A_1098 : vector<16xf32>
        %get3A_1100 = arith.index_cast %scan3A_1074 : i32 to index
        %get3A_1101 = arith.constant 80 : index
        %get3A_1102 = tpu.vector_load %arg8[%get3A_1100, %get3A_1101] {strides = array<i32>} : memref<200x128xf32, #tpu.memory_space<vmem>>, vector<1x16xf32>,
        %get3A_1103 = vector.shape_cast %get3A_1102 : vector<1x16xf32> to vector<16xf32>
        %add3A_1104 = arith.addf %add3A_1062, %get3A_1103 : vector<16xf32>
        %get3A_1105 = arith.index_cast %scan3A_1074 : i32 to index
        %get3A_1106 = arith.constant 96 : index
        %get3A_1107 = tpu.vector_load %arg8[%get3A_1105, %get3A_1106] {strides = array<i32>} : memref<200x128xf32, #tpu.memory_space<vmem>>, vector<1x16xf32>,
        %get3A_1108 = vector.shape_cast %get3A_1107 : vector<1x16xf32> to vector<16xf32>
        %add3A_1109 = arith.addf %add3A_1067, %get3A_1108 : vector<16xf32>
        %get3A_1110 = arith.index_cast %scan3A_1074 : i32 to index
        %get3A_1111 = arith.constant 112 : index
        %get3A_1112 = tpu.vector_load %arg8[%get3A_1110, %get3A_1111] {strides = array<i32>} : memref<200x128xf32, #tpu.memory_space<vmem>>, vector<1x16xf32>,
        %get3A_1113 = vector.shape_cast %get3A_1112 : vector<1x16xf32> to vector<16xf32>
        %add3A_1114 = arith.addf %add3A_1072, %get3A_1113 : vector<16xf32>
        scf.yield %add3A_1079, %add3A_1084, %add3A_1089, %add3A_1094, %add3A_1099, %add3A_1104, %add3A_1109, %add3A_1114 : vector<16xf32>, vector<16xf32>, vector<16xf32>, vector<16xf32>, vector<16xf32>, vector<16xf32>, vector<16xf32>, vector<16xf32>
      }
      %scan3A_854 = arith.constant 200 : i32
      %mul3A_855 = arith.constant 5.000000e-03 : f32
      %mul3A_856 = vector.broadcast %mul3A_855 : f32 to vector<16xf32>
      %mul3A_857 = arith.mulf %scan3A_853#0, %mul3A_856 : vector<16xf32>
      %swap3A_858 = arith.index_cast %add3A_826 : i32 to index
      %swap3A_859 = arith.constant 0 : index
      %swap3A_860 = tpu.vector_load %arg9[%swap3A_858, %swap3A_859] {strides = array<i32>} : memref<128x128xf32, #tpu.memory_space<vmem>>, vector<1x16xf32>,
      %swap3A_861 = vector.shape_cast %swap3A_860 : vector<1x16xf32> to vector<16xf32>
      %swap3A_862 = vector.shape_cast %mul3A_857 : vector<16xf32> to vector<1x16xf32>
      tpu.vector_store %arg9[%swap3A_858, %swap3A_859], %swap3A_862 {strides = array<i32>} : memref<128x128xf32, #tpu.memory_space<vmem>>, vector<1x16xf32>,
      %mul3A_863 = arith.constant 5.000000e-03 : f32
      %mul3A_864 = vector.broadcast %mul3A_863 : f32 to vector<16xf32>
      %mul3A_865 = arith.mulf %scan3A_853#1, %mul3A_864 : vector<16xf32>
      %swap3A_866 = arith.index_cast %add3A_826 : i32 to index
      %swap3A_867 = arith.constant 16 : index
      %swap3A_868 = tpu.vector_load %arg9[%swap3A_866, %swap3A_867] {strides = array<i32>} : memref<128x128xf32, #tpu.memory_space<vmem>>, vector<1x16xf32>,
      %swap3A_869 = vector.shape_cast %swap3A_868 : vector<1x16xf32> to vector<16xf32>
      %swap3A_870 = vector.shape_cast %mul3A_865 : vector<16xf32> to vector<1x16xf32>
      tpu.vector_store %arg9[%swap3A_866, %swap3A_867], %swap3A_870 {strides = array<i32>} : memref<128x128xf32, #tpu.memory_space<vmem>>, vector<1x16xf32>,
      %mul3A_871 = arith.constant 5.000000e-03 : f32
      %mul3A_872 = vector.broadcast %mul3A_871 : f32 to vector<16xf32>
      %mul3A_873 = arith.mulf %scan3A_853#2, %mul3A_872 : vector<16xf32>
      %swap3A_874 = arith.index_cast %add3A_826 : i32 to index
      %swap3A_875 = arith.constant 32 : index
      %swap3A_876 = tpu.vector_load %arg9[%swap3A_874, %swap3A_875] {strides = array<i32>} : memref<128x128xf32, #tpu.memory_space<vmem>>, vector<1x16xf32>,
      %swap3A_877 = vector.shape_cast %swap3A_876 : vector<1x16xf32> to vector<16xf32>
      %swap3A_878 = vector.shape_cast %mul3A_873 : vector<16xf32> to vector<1x16xf32>
      tpu.vector_store %arg9[%swap3A_874, %swap3A_875], %swap3A_878 {strides = array<i32>} : memref<128x128xf32, #tpu.memory_space<vmem>>, vector<1x16xf32>,
      %mul3A_879 = arith.constant 5.000000e-03 : f32
      %mul3A_880 = vector.broadcast %mul3A_879 : f32 to vector<16xf32>
      %mul3A_881 = arith.mulf %scan3A_853#3, %mul3A_880 : vector<16xf32>
      %swap3A_882 = arith.index_cast %add3A_826 : i32 to index
      %swap3A_883 = arith.constant 48 : index
      %swap3A_884 = tpu.vector_load %arg9[%swap3A_882, %swap3A_883] {strides = array<i32>} : memref<128x128xf32, #tpu.memory_space<vmem>>, vector<1x16xf32>,
      %swap3A_885 = vector.shape_cast %swap3A_884 : vector<1x16xf32> to vector<16xf32>
      %swap3A_886 = vector.shape_cast %mul3A_881 : vector<16xf32> to vector<1x16xf32>
      tpu.vector_store %arg9[%swap3A_882, %swap3A_883], %swap3A_886 {strides = array<i32>} : memref<128x128xf32, #tpu.memory_space<vmem>>, vector<1x16xf32>,
      %mul3A_887 = arith.constant 5.000000e-03 : f32
      %mul3A_888 = vector.broadcast %mul3A_887 : f32 to vector<16xf32>
      %mul3A_889 = arith.mulf %scan3A_853#4, %mul3A_888 : vector<16xf32>
      %swap3A_890 = arith.index_cast %add3A_826 : i32 to index
      %swap3A_891 = arith.constant 64 : index
      %swap3A_892 = tpu.vector_load %arg9[%swap3A_890, %swap3A_891] {strides = array<i32>} : memref<128x128xf32, #tpu.memory_space<vmem>>, vector<1x16xf32>,
      %swap3A_893 = vector.shape_cast %swap3A_892 : vector<1x16xf32> to vector<16xf32>
      %swap3A_894 = vector.shape_cast %mul3A_889 : vector<16xf32> to vector<1x16xf32>
      tpu.vector_store %arg9[%swap3A_890, %swap3A_891], %swap3A_894 {strides = array<i32>} : memref<128x128xf32, #tpu.memory_space<vmem>>, vector<1x16xf32>,
      %mul3A_895 = arith.constant 5.000000e-03 : f32
      %mul3A_896 = vector.broadcast %mul3A_895 : f32 to vector<16xf32>
      %mul3A_897 = arith.mulf %scan3A_853#5, %mul3A_896 : vector<16xf32>
      %swap3A_898 = arith.index_cast %add3A_826 : i32 to index
      %swap3A_899 = arith.constant 80 : index
      %swap3A_900 = tpu.vector_load %arg9[%swap3A_898, %swap3A_899] {strides = array<i32>} : memref<128x128xf32, #tpu.memory_space<vmem>>, vector<1x16xf32>,
      %swap3A_901 = vector.shape_cast %swap3A_900 : vector<1x16xf32> to vector<16xf32>
      %swap3A_902 = vector.shape_cast %mul3A_897 : vector<16xf32> to vector<1x16xf32>
      tpu.vector_store %arg9[%swap3A_898, %swap3A_899], %swap3A_902 {strides = array<i32>} : memref<128x128xf32, #tpu.memory_space<vmem>>, vector<1x16xf32>,
      %mul3A_903 = arith.constant 5.000000e-03 : f32
      %mul3A_904 = vector.broadcast %mul3A_903 : f32 to vector<16xf32>
      %mul3A_905 = arith.mulf %scan3A_853#6, %mul3A_904 : vector<16xf32>
      %swap3A_906 = arith.index_cast %add3A_826 : i32 to index
      %swap3A_907 = arith.constant 96 : index
      %swap3A_908 = tpu.vector_load %arg9[%swap3A_906, %swap3A_907] {strides = array<i32>} : memref<128x128xf32, #tpu.memory_space<vmem>>, vector<1x16xf32>,
      %swap3A_909 = vector.shape_cast %swap3A_908 : vector<1x16xf32> to vector<16xf32>
      %swap3A_910 = vector.shape_cast %mul3A_905 : vector<16xf32> to vector<1x16xf32>
      tpu.vector_store %arg9[%swap3A_906, %swap3A_907], %swap3A_910 {strides = array<i32>} : memref<128x128xf32, #tpu.memory_space<vmem>>, vector<1x16xf32>,
      %mul3A_911 = arith.constant 5.000000e-03 : f32
      %mul3A_912 = vector.broadcast %mul3A_911 : f32 to vector<16xf32>
      %mul3A_913 = arith.mulf %scan3A_853#7, %mul3A_912 : vector<16xf32>
      %swap3A_914 = arith.index_cast %add3A_826 : i32 to index
      %swap3A_915 = arith.constant 112 : index
      %swap3A_916 = tpu.vector_load %arg9[%swap3A_914, %swap3A_915] {strides = array<i32>} : memref<128x128xf32, #tpu.memory_space<vmem>>, vector<1x16xf32>,
      %swap3A_917 = vector.shape_cast %swap3A_916 : vector<1x16xf32> to vector<16xf32>
      %swap3A_918 = vector.shape_cast %mul3A_913 : vector<16xf32> to vector<1x16xf32>
      tpu.vector_store %arg9[%swap3A_914, %swap3A_915], %swap3A_918 {strides = array<i32>} : memref<128x128xf32, #tpu.memory_space<vmem>>, vector<1x16xf32>,
      %add3A_919 = arith.constant 3 : i32
      %add3A_920 = arith.addi %add3A_826, %add3A_919 : i32
      %mul3A_921 = arith.constant 200 : i32
      %mul3A_922 = arith.muli %add3A_920, %mul3A_921 : i32
      %dma_start3A_923 = arith.constant 0 : i32
      %dma_start3A_924 = arith.constant 0 : i32
      %dma_start3A_925 = tpu.memref_slice %arg8[%dma_start3A_923, %dma_start3A_924] : memref<200x128xf32, #tpu.memory_space<vmem>> -> memref<104x128xf32, #tpu.memory_space<vmem>>
      %dma_start3A_926 = tpu.memref_slice %arg5[%mul3A_922] : memref<25600xi32, #tpu.memory_space<vmem>> -> memref<104xi32, #tpu.memory_space<vmem>>
      %dma_start3A_927 = arith.constant 0 : i32
      %dma_start3A_928 = arith.constant 0 : i32
      %dma_start3A_929 = tpu.memref_slice %arg3[%dma_start3A_927, %dma_start3A_928] : memref<100000x128xf32, #tpu.memory_space<hbm>> -> memref<100000x128xf32, #tpu.memory_space<hbm>>
      tpu.enqueue_indirect_dma source(%dma_start3A_929 : memref<100000x128xf32, #tpu.memory_space<hbm>>) target(%dma_start3A_925 : memref<104x128xf32, #tpu.memory_space<vmem>>) offsets(%dma_start3A_926 : memref<104xi32, #tpu.memory_space<vmem>>) semaphore(%arg12 : memref<!tpu.dma_semaphore, #tpu.memory_space<semaphore_mem>>)
      %mul3A_930 = arith.constant 200 : i32
      %mul3A_931 = arith.muli %add3A_920, %mul3A_930 : i32
      %add3A_932 = arith.constant 104 : i32
      %add3A_933 = arith.addi %mul3A_931, %add3A_932 : i32
      %dma_start3A_934 = arith.constant 104 : i32
      %dma_start3A_935 = arith.constant 0 : i32
      %dma_start3A_936 = tpu.memref_slice %arg8[%dma_start3A_934, %dma_start3A_935] : memref<200x128xf32, #tpu.memory_space<vmem>> -> memref<96x128xf32, #tpu.memory_space<vmem>>
      %dma_start3A_937 = tpu.memref_slice %arg5[%add3A_933] : memref<25600xi32, #tpu.memory_space<vmem>> -> memref<96xi32, #tpu.memory_space<vmem>>
      %dma_start3A_938 = arith.constant 0 : i32
      %dma_start3A_939 = arith.constant 0 : i32
      %dma_start3A_940 = tpu.memref_slice %arg3[%dma_start3A_938, %dma_start3A_939] : memref<100000x128xf32, #tpu.memory_space<hbm>> -> memref<100000x128xf32, #tpu.memory_space<hbm>>
      tpu.enqueue_indirect_dma source(%dma_start3A_940 : memref<100000x128xf32, #tpu.memory_space<hbm>>) target(%dma_start3A_936 : memref<96x128xf32, #tpu.memory_space<vmem>>) offsets(%dma_start3A_937 : memref<96xi32, #tpu.memory_space<vmem>>) semaphore(%arg12 : memref<!tpu.dma_semaphore, #tpu.memory_space<semaphore_mem>>)
    }
    %scan3A_56 = arith.constant 41 : i32
    %dma_wait3A = arith.constant 0 : i32
    %dma_wait3A_57 = arith.constant 0 : i32
    %dma_wait3A_58 = tpu.memref_slice %arg3[%dma_wait3A, %dma_wait3A_57] : memref<100000x128xf32, #tpu.memory_space<hbm>> -> memref<200x128xf32, #tpu.memory_space<hbm>>
    %dma_wait3A_59 = arith.constant 0 : i32
    %dma_wait3A_60 = arith.constant 0 : i32
    %dma_wait3A_61 = tpu.memref_slice %arg3[%dma_wait3A_59, %dma_wait3A_60] : memref<100000x128xf32, #tpu.memory_space<hbm>> -> memref<200x128xf32, #tpu.memory_space<hbm>>
    tpu.wait_dma2 semaphore(%arg10 : memref<!tpu.dma_semaphore, #tpu.memory_space<semaphore_mem>>) src(%dma_wait3A_61 : memref<200x128xf32, #tpu.memory_space<hbm>>) dst(%arg6 : memref<200x128xf32, #tpu.memory_space<vmem>>)
    %broadcast_in_dim3A = arith.constant 0.000000e+00 : f32
    %broadcast_in_dim3A_62 = vector.broadcast %broadcast_in_dim3A : f32 to vector<16xf32>
    %broadcast_in_dim3A_63 = arith.constant 0.000000e+00 : f32
    %broadcast_in_dim3A_64 = vector.broadcast %broadcast_in_dim3A_63 : f32 to vector<16xf32>
    %broadcast_in_dim3A_65 = arith.constant 0.000000e+00 : f32
    %broadcast_in_dim3A_66 = vector.broadcast %broadcast_in_dim3A_65 : f32 to vector<16xf32>
    %broadcast_in_dim3A_67 = arith.constant 0.000000e+00 : f32
    %broadcast_in_dim3A_68 = vector.broadcast %broadcast_in_dim3A_67 : f32 to vector<16xf32>
    %broadcast_in_dim3A_69 = arith.constant 0.000000e+00 : f32
    %broadcast_in_dim3A_70 = vector.broadcast %broadcast_in_dim3A_69 : f32 to vector<16xf32>
    %broadcast_in_dim3A_71 = arith.constant 0.000000e+00 : f32
    %broadcast_in_dim3A_72 = vector.broadcast %broadcast_in_dim3A_71 : f32 to vector<16xf32>
    %broadcast_in_dim3A_73 = arith.constant 0.000000e+00 : f32
    %broadcast_in_dim3A_74 = vector.broadcast %broadcast_in_dim3A_73 : f32 to vector<16xf32>
    %broadcast_in_dim3A_75 = arith.constant 0.000000e+00 : f32
    %broadcast_in_dim3A_76 = vector.broadcast %broadcast_in_dim3A_75 : f32 to vector<16xf32>
    %scan3A_77 = arith.constant 0 : i32
    %scan3A_78 = arith.constant 200 : i32
    %scan3A_79 = arith.addi %scan3A_77, %scan3A_78 : i32
    %scan3A_80 = arith.constant 4 : i32
    %scan3A_81:8 = scf.for %scan3A_586 = %scan3A_77 to %scan3A_79 step %scan3A_80 iter_args(%scan3A_587 = %broadcast_in_dim3A_62, %scan3A_588 = %broadcast_in_dim3A_64, %scan3A_589 = %broadcast_in_dim3A_66, %scan3A_590 = %broadcast_in_dim3A_68, %scan3A_591 = %broadcast_in_dim3A_70, %scan3A_592 = %broadcast_in_dim3A_72, %scan3A_593 = %broadcast_in_dim3A_74, %scan3A_594 = %broadcast_in_dim3A_76) -> (vector<16xf32>, vector<16xf32>, vector<16xf32>, vector<16xf32>, vector<16xf32>, vector<16xf32>, vector<16xf32>, vector<16xf32>)  : i32 {
      %get3A = arith.index_cast %scan3A_586 : i32 to index
      %get3A_595 = arith.constant 0 : index
      %get3A_596 = tpu.vector_load %arg6[%get3A, %get3A_595] {strides = array<i32>} : memref<200x128xf32, #tpu.memory_space<vmem>>, vector<1x16xf32>,
      %get3A_597 = vector.shape_cast %get3A_596 : vector<1x16xf32> to vector<16xf32>
      %add3A_598 = arith.addf %scan3A_587, %get3A_597 : vector<16xf32>
      %get3A_599 = arith.index_cast %scan3A_586 : i32 to index
      %get3A_600 = arith.constant 16 : index
      %get3A_601 = tpu.vector_load %arg6[%get3A_599, %get3A_600] {strides = array<i32>} : memref<200x128xf32, #tpu.memory_space<vmem>>, vector<1x16xf32>,
      %get3A_602 = vector.shape_cast %get3A_601 : vector<1x16xf32> to vector<16xf32>
      %add3A_603 = arith.addf %scan3A_588, %get3A_602 : vector<16xf32>
      %get3A_604 = arith.index_cast %scan3A_586 : i32 to index
      %get3A_605 = arith.constant 32 : index
      %get3A_606 = tpu.vector_load %arg6[%get3A_604, %get3A_605] {strides = array<i32>} : memref<200x128xf32, #tpu.memory_space<vmem>>, vector<1x16xf32>,
      %get3A_607 = vector.shape_cast %get3A_606 : vector<1x16xf32> to vector<16xf32>
      %add3A_608 = arith.addf %scan3A_589, %get3A_607 : vector<16xf32>
      %get3A_609 = arith.index_cast %scan3A_586 : i32 to index
      %get3A_610 = arith.constant 48 : index
      %get3A_611 = tpu.vector_load %arg6[%get3A_609, %get3A_610] {strides = array<i32>} : memref<200x128xf32, #tpu.memory_space<vmem>>, vector<1x16xf32>,
      %get3A_612 = vector.shape_cast %get3A_611 : vector<1x16xf32> to vector<16xf32>
      %add3A_613 = arith.addf %scan3A_590, %get3A_612 : vector<16xf32>
      %get3A_614 = arith.index_cast %scan3A_586 : i32 to index
      %get3A_615 = arith.constant 64 : index
      %get3A_616 = tpu.vector_load %arg6[%get3A_614, %get3A_615] {strides = array<i32>} : memref<200x128xf32, #tpu.memory_space<vmem>>, vector<1x16xf32>,
      %get3A_617 = vector.shape_cast %get3A_616 : vector<1x16xf32> to vector<16xf32>
      %add3A_618 = arith.addf %scan3A_591, %get3A_617 : vector<16xf32>
      %get3A_619 = arith.index_cast %scan3A_586 : i32 to index
      %get3A_620 = arith.constant 80 : index
      %get3A_621 = tpu.vector_load %arg6[%get3A_619, %get3A_620] {strides = array<i32>} : memref<200x128xf32, #tpu.memory_space<vmem>>, vector<1x16xf32>,
      %get3A_622 = vector.shape_cast %get3A_621 : vector<1x16xf32> to vector<16xf32>
      %add3A_623 = arith.addf %scan3A_592, %get3A_622 : vector<16xf32>
      %get3A_624 = arith.index_cast %scan3A_586 : i32 to index
      %get3A_625 = arith.constant 96 : index
      %get3A_626 = tpu.vector_load %arg6[%get3A_624, %get3A_625] {strides = array<i32>} : memref<200x128xf32, #tpu.memory_space<vmem>>, vector<1x16xf32>,
      %get3A_627 = vector.shape_cast %get3A_626 : vector<1x16xf32> to vector<16xf32>
      %add3A_628 = arith.addf %scan3A_593, %get3A_627 : vector<16xf32>
      %get3A_629 = arith.index_cast %scan3A_586 : i32 to index
      %get3A_630 = arith.constant 112 : index
      %get3A_631 = tpu.vector_load %arg6[%get3A_629, %get3A_630] {strides = array<i32>} : memref<200x128xf32, #tpu.memory_space<vmem>>, vector<1x16xf32>,
      %get3A_632 = vector.shape_cast %get3A_631 : vector<1x16xf32> to vector<16xf32>
      %add3A_633 = arith.addf %scan3A_594, %get3A_632 : vector<16xf32>
      %scan3A_634 = arith.constant 1 : i32
      %scan3A_635 = arith.addi %scan3A_586, %scan3A_634 : i32
      %get3A_636 = arith.index_cast %scan3A_635 : i32 to index
      %get3A_637 = arith.constant 0 : index
      %get3A_638 = tpu.vector_load %arg6[%get3A_636, %get3A_637] {strides = array<i32>} : memref<200x128xf32, #tpu.memory_space<vmem>>, vector<1x16xf32>,
      %get3A_639 = vector.shape_cast %get3A_638 : vector<1x16xf32> to vector<16xf32>
      %add3A_640 = arith.addf %add3A_598, %get3A_639 : vector<16xf32>
      %get3A_641 = arith.index_cast %scan3A_635 : i32 to index
      %get3A_642 = arith.constant 16 : index
      %get3A_643 = tpu.vector_load %arg6[%get3A_641, %get3A_642] {strides = array<i32>} : memref<200x128xf32, #tpu.memory_space<vmem>>, vector<1x16xf32>,
      %get3A_644 = vector.shape_cast %get3A_643 : vector<1x16xf32> to vector<16xf32>
      %add3A_645 = arith.addf %add3A_603, %get3A_644 : vector<16xf32>
      %get3A_646 = arith.index_cast %scan3A_635 : i32 to index
      %get3A_647 = arith.constant 32 : index
      %get3A_648 = tpu.vector_load %arg6[%get3A_646, %get3A_647] {strides = array<i32>} : memref<200x128xf32, #tpu.memory_space<vmem>>, vector<1x16xf32>,
      %get3A_649 = vector.shape_cast %get3A_648 : vector<1x16xf32> to vector<16xf32>
      %add3A_650 = arith.addf %add3A_608, %get3A_649 : vector<16xf32>
      %get3A_651 = arith.index_cast %scan3A_635 : i32 to index
      %get3A_652 = arith.constant 48 : index
      %get3A_653 = tpu.vector_load %arg6[%get3A_651, %get3A_652] {strides = array<i32>} : memref<200x128xf32, #tpu.memory_space<vmem>>, vector<1x16xf32>,
      %get3A_654 = vector.shape_cast %get3A_653 : vector<1x16xf32> to vector<16xf32>
      %add3A_655 = arith.addf %add3A_613, %get3A_654 : vector<16xf32>
      %get3A_656 = arith.index_cast %scan3A_635 : i32 to index
      %get3A_657 = arith.constant 64 : index
      %get3A_658 = tpu.vector_load %arg6[%get3A_656, %get3A_657] {strides = array<i32>} : memref<200x128xf32, #tpu.memory_space<vmem>>, vector<1x16xf32>,
      %get3A_659 = vector.shape_cast %get3A_658 : vector<1x16xf32> to vector<16xf32>
      %add3A_660 = arith.addf %add3A_618, %get3A_659 : vector<16xf32>
      %get3A_661 = arith.index_cast %scan3A_635 : i32 to index
      %get3A_662 = arith.constant 80 : index
      %get3A_663 = tpu.vector_load %arg6[%get3A_661, %get3A_662] {strides = array<i32>} : memref<200x128xf32, #tpu.memory_space<vmem>>, vector<1x16xf32>,
      %get3A_664 = vector.shape_cast %get3A_663 : vector<1x16xf32> to vector<16xf32>
      %add3A_665 = arith.addf %add3A_623, %get3A_664 : vector<16xf32>
      %get3A_666 = arith.index_cast %scan3A_635 : i32 to index
      %get3A_667 = arith.constant 96 : index
      %get3A_668 = tpu.vector_load %arg6[%get3A_666, %get3A_667] {strides = array<i32>} : memref<200x128xf32, #tpu.memory_space<vmem>>, vector<1x16xf32>,
      %get3A_669 = vector.shape_cast %get3A_668 : vector<1x16xf32> to vector<16xf32>
      %add3A_670 = arith.addf %add3A_628, %get3A_669 : vector<16xf32>
      %get3A_671 = arith.index_cast %scan3A_635 : i32 to index
      %get3A_672 = arith.constant 112 : index
      %get3A_673 = tpu.vector_load %arg6[%get3A_671, %get3A_672] {strides = array<i32>} : memref<200x128xf32, #tpu.memory_space<vmem>>, vector<1x16xf32>,
      %get3A_674 = vector.shape_cast %get3A_673 : vector<1x16xf32> to vector<16xf32>
      %add3A_675 = arith.addf %add3A_633, %get3A_674 : vector<16xf32>
      %scan3A_676 = arith.constant 2 : i32
      %scan3A_677 = arith.addi %scan3A_586, %scan3A_676 : i32
      %get3A_678 = arith.index_cast %scan3A_677 : i32 to index
      %get3A_679 = arith.constant 0 : index
      %get3A_680 = tpu.vector_load %arg6[%get3A_678, %get3A_679] {strides = array<i32>} : memref<200x128xf32, #tpu.memory_space<vmem>>, vector<1x16xf32>,
      %get3A_681 = vector.shape_cast %get3A_680 : vector<1x16xf32> to vector<16xf32>
      %add3A_682 = arith.addf %add3A_640, %get3A_681 : vector<16xf32>
      %get3A_683 = arith.index_cast %scan3A_677 : i32 to index
      %get3A_684 = arith.constant 16 : index
      %get3A_685 = tpu.vector_load %arg6[%get3A_683, %get3A_684] {strides = array<i32>} : memref<200x128xf32, #tpu.memory_space<vmem>>, vector<1x16xf32>,
      %get3A_686 = vector.shape_cast %get3A_685 : vector<1x16xf32> to vector<16xf32>
      %add3A_687 = arith.addf %add3A_645, %get3A_686 : vector<16xf32>
      %get3A_688 = arith.index_cast %scan3A_677 : i32 to index
      %get3A_689 = arith.constant 32 : index
      %get3A_690 = tpu.vector_load %arg6[%get3A_688, %get3A_689] {strides = array<i32>} : memref<200x128xf32, #tpu.memory_space<vmem>>, vector<1x16xf32>,
      %get3A_691 = vector.shape_cast %get3A_690 : vector<1x16xf32> to vector<16xf32>
      %add3A_692 = arith.addf %add3A_650, %get3A_691 : vector<16xf32>
      %get3A_693 = arith.index_cast %scan3A_677 : i32 to index
      %get3A_694 = arith.constant 48 : index
      %get3A_695 = tpu.vector_load %arg6[%get3A_693, %get3A_694] {strides = array<i32>} : memref<200x128xf32, #tpu.memory_space<vmem>>, vector<1x16xf32>,
      %get3A_696 = vector.shape_cast %get3A_695 : vector<1x16xf32> to vector<16xf32>
      %add3A_697 = arith.addf %add3A_655, %get3A_696 : vector<16xf32>
      %get3A_698 = arith.index_cast %scan3A_677 : i32 to index
      %get3A_699 = arith.constant 64 : index
      %get3A_700 = tpu.vector_load %arg6[%get3A_698, %get3A_699] {strides = array<i32>} : memref<200x128xf32, #tpu.memory_space<vmem>>, vector<1x16xf32>,
      %get3A_701 = vector.shape_cast %get3A_700 : vector<1x16xf32> to vector<16xf32>
      %add3A_702 = arith.addf %add3A_660, %get3A_701 : vector<16xf32>
      %get3A_703 = arith.index_cast %scan3A_677 : i32 to index
      %get3A_704 = arith.constant 80 : index
      %get3A_705 = tpu.vector_load %arg6[%get3A_703, %get3A_704] {strides = array<i32>} : memref<200x128xf32, #tpu.memory_space<vmem>>, vector<1x16xf32>,
      %get3A_706 = vector.shape_cast %get3A_705 : vector<1x16xf32> to vector<16xf32>
      %add3A_707 = arith.addf %add3A_665, %get3A_706 : vector<16xf32>
      %get3A_708 = arith.index_cast %scan3A_677 : i32 to index
      %get3A_709 = arith.constant 96 : index
      %get3A_710 = tpu.vector_load %arg6[%get3A_708, %get3A_709] {strides = array<i32>} : memref<200x128xf32, #tpu.memory_space<vmem>>, vector<1x16xf32>,
      %get3A_711 = vector.shape_cast %get3A_710 : vector<1x16xf32> to vector<16xf32>
      %add3A_712 = arith.addf %add3A_670, %get3A_711 : vector<16xf32>
      %get3A_713 = arith.index_cast %scan3A_677 : i32 to index
      %get3A_714 = arith.constant 112 : index
      %get3A_715 = tpu.vector_load %arg6[%get3A_713, %get3A_714] {strides = array<i32>} : memref<200x128xf32, #tpu.memory_space<vmem>>, vector<1x16xf32>,
      %get3A_716 = vector.shape_cast %get3A_715 : vector<1x16xf32> to vector<16xf32>
      %add3A_717 = arith.addf %add3A_675, %get3A_716 : vector<16xf32>
      %scan3A_718 = arith.constant 3 : i32
      %scan3A_719 = arith.addi %scan3A_586, %scan3A_718 : i32
      %get3A_720 = arith.index_cast %scan3A_719 : i32 to index
      %get3A_721 = arith.constant 0 : index
      %get3A_722 = tpu.vector_load %arg6[%get3A_720, %get3A_721] {strides = array<i32>} : memref<200x128xf32, #tpu.memory_space<vmem>>, vector<1x16xf32>,
      %get3A_723 = vector.shape_cast %get3A_722 : vector<1x16xf32> to vector<16xf32>
      %add3A_724 = arith.addf %add3A_682, %get3A_723 : vector<16xf32>
      %get3A_725 = arith.index_cast %scan3A_719 : i32 to index
      %get3A_726 = arith.constant 16 : index
      %get3A_727 = tpu.vector_load %arg6[%get3A_725, %get3A_726] {strides = array<i32>} : memref<200x128xf32, #tpu.memory_space<vmem>>, vector<1x16xf32>,
      %get3A_728 = vector.shape_cast %get3A_727 : vector<1x16xf32> to vector<16xf32>
      %add3A_729 = arith.addf %add3A_687, %get3A_728 : vector<16xf32>
      %get3A_730 = arith.index_cast %scan3A_719 : i32 to index
      %get3A_731 = arith.constant 32 : index
      %get3A_732 = tpu.vector_load %arg6[%get3A_730, %get3A_731] {strides = array<i32>} : memref<200x128xf32, #tpu.memory_space<vmem>>, vector<1x16xf32>,
      %get3A_733 = vector.shape_cast %get3A_732 : vector<1x16xf32> to vector<16xf32>
      %add3A_734 = arith.addf %add3A_692, %get3A_733 : vector<16xf32>
      %get3A_735 = arith.index_cast %scan3A_719 : i32 to index
      %get3A_736 = arith.constant 48 : index
      %get3A_737 = tpu.vector_load %arg6[%get3A_735, %get3A_736] {strides = array<i32>} : memref<200x128xf32, #tpu.memory_space<vmem>>, vector<1x16xf32>,
      %get3A_738 = vector.shape_cast %get3A_737 : vector<1x16xf32> to vector<16xf32>
      %add3A_739 = arith.addf %add3A_697, %get3A_738 : vector<16xf32>
      %get3A_740 = arith.index_cast %scan3A_719 : i32 to index
      %get3A_741 = arith.constant 64 : index
      %get3A_742 = tpu.vector_load %arg6[%get3A_740, %get3A_741] {strides = array<i32>} : memref<200x128xf32, #tpu.memory_space<vmem>>, vector<1x16xf32>,
      %get3A_743 = vector.shape_cast %get3A_742 : vector<1x16xf32> to vector<16xf32>
      %add3A_744 = arith.addf %add3A_702, %get3A_743 : vector<16xf32>
      %get3A_745 = arith.index_cast %scan3A_719 : i32 to index
      %get3A_746 = arith.constant 80 : index
      %get3A_747 = tpu.vector_load %arg6[%get3A_745, %get3A_746] {strides = array<i32>} : memref<200x128xf32, #tpu.memory_space<vmem>>, vector<1x16xf32>,
      %get3A_748 = vector.shape_cast %get3A_747 : vector<1x16xf32> to vector<16xf32>
      %add3A_749 = arith.addf %add3A_707, %get3A_748 : vector<16xf32>
      %get3A_750 = arith.index_cast %scan3A_719 : i32 to index
      %get3A_751 = arith.constant 96 : index
      %get3A_752 = tpu.vector_load %arg6[%get3A_750, %get3A_751] {strides = array<i32>} : memref<200x128xf32, #tpu.memory_space<vmem>>, vector<1x16xf32>,
      %get3A_753 = vector.shape_cast %get3A_752 : vector<1x16xf32> to vector<16xf32>
      %add3A_754 = arith.addf %add3A_712, %get3A_753 : vector<16xf32>
      %get3A_755 = arith.index_cast %scan3A_719 : i32 to index
      %get3A_756 = arith.constant 112 : index
      %get3A_757 = tpu.vector_load %arg6[%get3A_755, %get3A_756] {strides = array<i32>} : memref<200x128xf32, #tpu.memory_space<vmem>>, vector<1x16xf32>,
      %get3A_758 = vector.shape_cast %get3A_757 : vector<1x16xf32> to vector<16xf32>
      %add3A_759 = arith.addf %add3A_717, %get3A_758 : vector<16xf32>
      scf.yield %add3A_724, %add3A_729, %add3A_734, %add3A_739, %add3A_744, %add3A_749, %add3A_754, %add3A_759 : vector<16xf32>, vector<16xf32>, vector<16xf32>, vector<16xf32>, vector<16xf32>, vector<16xf32>, vector<16xf32>, vector<16xf32>
    }
    %scan3A_82 = arith.constant 200 : i32
    %mul3A_83 = arith.constant 5.000000e-03 : f32
    %mul3A_84 = vector.broadcast %mul3A_83 : f32 to vector<16xf32>
    %mul3A_85 = arith.mulf %scan3A_81#0, %mul3A_84 : vector<16xf32>
    %swap3A = arith.constant 123 : i32
    %swap3A_86 = arith.index_cast %swap3A : i32 to index
    %swap3A_87 = arith.constant 0 : index
    %swap3A_88 = tpu.vector_load %arg9[%swap3A_86, %swap3A_87] {strides = array<i32>} : memref<128x128xf32, #tpu.memory_space<vmem>>, vector<1x16xf32>,
    %swap3A_89 = vector.shape_cast %swap3A_88 : vector<1x16xf32> to vector<16xf32>
    %swap3A_90 = vector.shape_cast %mul3A_85 : vector<16xf32> to vector<1x16xf32>
    tpu.vector_store %arg9[%swap3A_86, %swap3A_87], %swap3A_90 {strides = array<i32>} : memref<128x128xf32, #tpu.memory_space<vmem>>, vector<1x16xf32>,
    %mul3A_91 = arith.constant 5.000000e-03 : f32
    %mul3A_92 = vector.broadcast %mul3A_91 : f32 to vector<16xf32>
    %mul3A_93 = arith.mulf %scan3A_81#1, %mul3A_92 : vector<16xf32>
    %swap3A_94 = arith.constant 123 : i32
    %swap3A_95 = arith.index_cast %swap3A_94 : i32 to index
    %swap3A_96 = arith.constant 16 : index
    %swap3A_97 = tpu.vector_load %arg9[%swap3A_95, %swap3A_96] {strides = array<i32>} : memref<128x128xf32, #tpu.memory_space<vmem>>, vector<1x16xf32>,
    %swap3A_98 = vector.shape_cast %swap3A_97 : vector<1x16xf32> to vector<16xf32>
    %swap3A_99 = vector.shape_cast %mul3A_93 : vector<16xf32> to vector<1x16xf32>
    tpu.vector_store %arg9[%swap3A_95, %swap3A_96], %swap3A_99 {strides = array<i32>} : memref<128x128xf32, #tpu.memory_space<vmem>>, vector<1x16xf32>,
    %mul3A_100 = arith.constant 5.000000e-03 : f32
    %mul3A_101 = vector.broadcast %mul3A_100 : f32 to vector<16xf32>
    %mul3A_102 = arith.mulf %scan3A_81#2, %mul3A_101 : vector<16xf32>
    %swap3A_103 = arith.constant 123 : i32
    %swap3A_104 = arith.index_cast %swap3A_103 : i32 to index
    %swap3A_105 = arith.constant 32 : index
    %swap3A_106 = tpu.vector_load %arg9[%swap3A_104, %swap3A_105] {strides = array<i32>} : memref<128x128xf32, #tpu.memory_space<vmem>>, vector<1x16xf32>,
    %swap3A_107 = vector.shape_cast %swap3A_106 : vector<1x16xf32> to vector<16xf32>
    %swap3A_108 = vector.shape_cast %mul3A_102 : vector<16xf32> to vector<1x16xf32>
    tpu.vector_store %arg9[%swap3A_104, %swap3A_105], %swap3A_108 {strides = array<i32>} : memref<128x128xf32, #tpu.memory_space<vmem>>, vector<1x16xf32>,
    %mul3A_109 = arith.constant 5.000000e-03 : f32
    %mul3A_110 = vector.broadcast %mul3A_109 : f32 to vector<16xf32>
    %mul3A_111 = arith.mulf %scan3A_81#3, %mul3A_110 : vector<16xf32>
    %swap3A_112 = arith.constant 123 : i32
    %swap3A_113 = arith.index_cast %swap3A_112 : i32 to index
    %swap3A_114 = arith.constant 48 : index
    %swap3A_115 = tpu.vector_load %arg9[%swap3A_113, %swap3A_114] {strides = array<i32>} : memref<128x128xf32, #tpu.memory_space<vmem>>, vector<1x16xf32>,
    %swap3A_116 = vector.shape_cast %swap3A_115 : vector<1x16xf32> to vector<16xf32>
    %swap3A_117 = vector.shape_cast %mul3A_111 : vector<16xf32> to vector<1x16xf32>
    tpu.vector_store %arg9[%swap3A_113, %swap3A_114], %swap3A_117 {strides = array<i32>} : memref<128x128xf32, #tpu.memory_space<vmem>>, vector<1x16xf32>,
    %mul3A_118 = arith.constant 5.000000e-03 : f32
    %mul3A_119 = vector.broadcast %mul3A_118 : f32 to vector<16xf32>
    %mul3A_120 = arith.mulf %scan3A_81#4, %mul3A_119 : vector<16xf32>
    %swap3A_121 = arith.constant 123 : i32
    %swap3A_122 = arith.index_cast %swap3A_121 : i32 to index
    %swap3A_123 = arith.constant 64 : index
    %swap3A_124 = tpu.vector_load %arg9[%swap3A_122, %swap3A_123] {strides = array<i32>} : memref<128x128xf32, #tpu.memory_space<vmem>>, vector<1x16xf32>,
    %swap3A_125 = vector.shape_cast %swap3A_124 : vector<1x16xf32> to vector<16xf32>
    %swap3A_126 = vector.shape_cast %mul3A_120 : vector<16xf32> to vector<1x16xf32>
    tpu.vector_store %arg9[%swap3A_122, %swap3A_123], %swap3A_126 {strides = array<i32>} : memref<128x128xf32, #tpu.memory_space<vmem>>, vector<1x16xf32>,
    %mul3A_127 = arith.constant 5.000000e-03 : f32
    %mul3A_128 = vector.broadcast %mul3A_127 : f32 to vector<16xf32>
    %mul3A_129 = arith.mulf %scan3A_81#5, %mul3A_128 : vector<16xf32>
    %swap3A_130 = arith.constant 123 : i32
    %swap3A_131 = arith.index_cast %swap3A_130 : i32 to index
    %swap3A_132 = arith.constant 80 : index
    %swap3A_133 = tpu.vector_load %arg9[%swap3A_131, %swap3A_132] {strides = array<i32>} : memref<128x128xf32, #tpu.memory_space<vmem>>, vector<1x16xf32>,
    %swap3A_134 = vector.shape_cast %swap3A_133 : vector<1x16xf32> to vector<16xf32>
    %swap3A_135 = vector.shape_cast %mul3A_129 : vector<16xf32> to vector<1x16xf32>
    tpu.vector_store %arg9[%swap3A_131, %swap3A_132], %swap3A_135 {strides = array<i32>} : memref<128x128xf32, #tpu.memory_space<vmem>>, vector<1x16xf32>,
    %mul3A_136 = arith.constant 5.000000e-03 : f32
    %mul3A_137 = vector.broadcast %mul3A_136 : f32 to vector<16xf32>
    %mul3A_138 = arith.mulf %scan3A_81#6, %mul3A_137 : vector<16xf32>
    %swap3A_139 = arith.constant 123 : i32
    %swap3A_140 = arith.index_cast %swap3A_139 : i32 to index
    %swap3A_141 = arith.constant 96 : index
    %swap3A_142 = tpu.vector_load %arg9[%swap3A_140, %swap3A_141] {strides = array<i32>} : memref<128x128xf32, #tpu.memory_space<vmem>>, vector<1x16xf32>,
    %swap3A_143 = vector.shape_cast %swap3A_142 : vector<1x16xf32> to vector<16xf32>
    %swap3A_144 = vector.shape_cast %mul3A_138 : vector<16xf32> to vector<1x16xf32>
    tpu.vector_store %arg9[%swap3A_140, %swap3A_141], %swap3A_144 {strides = array<i32>} : memref<128x128xf32, #tpu.memory_space<vmem>>, vector<1x16xf32>,
    %mul3A_145 = arith.constant 5.000000e-03 : f32
    %mul3A_146 = vector.broadcast %mul3A_145 : f32 to vector<16xf32>
    %mul3A_147 = arith.mulf %scan3A_81#7, %mul3A_146 : vector<16xf32>
    %swap3A_148 = arith.constant 123 : i32
    %swap3A_149 = arith.index_cast %swap3A_148 : i32 to index
    %swap3A_150 = arith.constant 112 : index
    %swap3A_151 = tpu.vector_load %arg9[%swap3A_149, %swap3A_150] {strides = array<i32>} : memref<128x128xf32, #tpu.memory_space<vmem>>, vector<1x16xf32>,
    %swap3A_152 = vector.shape_cast %swap3A_151 : vector<1x16xf32> to vector<16xf32>
    %swap3A_153 = vector.shape_cast %mul3A_147 : vector<16xf32> to vector<1x16xf32>
    tpu.vector_store %arg9[%swap3A_149, %swap3A_150], %swap3A_153 {strides = array<i32>} : memref<128x128xf32, #tpu.memory_space<vmem>>, vector<1x16xf32>,
    %dma_start3A_154 = arith.constant 0 : i32
    %dma_start3A_155 = arith.constant 0 : i32
    %dma_start3A_156 = tpu.memref_slice %arg6[%dma_start3A_154, %dma_start3A_155] : memref<200x128xf32, #tpu.memory_space<vmem>> -> memref<104x128xf32, #tpu.memory_space<vmem>>
    %dma_start3A_157 = arith.constant 25200 : i32
    %dma_start3A_158 = tpu.memref_slice %arg5[%dma_start3A_157] : memref<25600xi32, #tpu.memory_space<vmem>> -> memref<104xi32, #tpu.memory_space<vmem>>
    %dma_start3A_159 = arith.constant 0 : i32
    %dma_start3A_160 = arith.constant 0 : i32
    %dma_start3A_161 = tpu.memref_slice %arg3[%dma_start3A_159, %dma_start3A_160] : memref<100000x128xf32, #tpu.memory_space<hbm>> -> memref<100000x128xf32, #tpu.memory_space<hbm>>
    tpu.enqueue_indirect_dma source(%dma_start3A_161 : memref<100000x128xf32, #tpu.memory_space<hbm>>) target(%dma_start3A_156 : memref<104x128xf32, #tpu.memory_space<vmem>>) offsets(%dma_start3A_158 : memref<104xi32, #tpu.memory_space<vmem>>) semaphore(%arg10 : memref<!tpu.dma_semaphore, #tpu.memory_space<semaphore_mem>>)
    %dma_start3A_162 = arith.constant 104 : i32
    %dma_start3A_163 = arith.constant 0 : i32
    %dma_start3A_164 = tpu.memref_slice %arg6[%dma_start3A_162, %dma_start3A_163] : memref<200x128xf32, #tpu.memory_space<vmem>> -> memref<96x128xf32, #tpu.memory_space<vmem>>
    %dma_start3A_165 = arith.constant 25304 : i32
    %dma_start3A_166 = tpu.memref_slice %arg5[%dma_start3A_165] : memref<25600xi32, #tpu.memory_space<vmem>> -> memref<96xi32, #tpu.memory_space<vmem>>
    %dma_start3A_167 = arith.constant 0 : i32
    %dma_start3A_168 = arith.constant 0 : i32
    %dma_start3A_169 = tpu.memref_slice %arg3[%dma_start3A_167, %dma_start3A_168] : memref<100000x128xf32, #tpu.memory_space<hbm>> -> memref<100000x128xf32, #tpu.memory_space<hbm>>
    tpu.enqueue_indirect_dma source(%dma_start3A_169 : memref<100000x128xf32, #tpu.memory_space<hbm>>) target(%dma_start3A_164 : memref<96x128xf32, #tpu.memory_space<vmem>>) offsets(%dma_start3A_166 : memref<96xi32, #tpu.memory_space<vmem>>) semaphore(%arg10 : memref<!tpu.dma_semaphore, #tpu.memory_space<semaphore_mem>>)
    %dma_wait3A_170 = arith.constant 0 : i32
    %dma_wait3A_171 = arith.constant 0 : i32
    %dma_wait3A_172 = tpu.memref_slice %arg3[%dma_wait3A_170, %dma_wait3A_171] : memref<100000x128xf32, #tpu.memory_space<hbm>> -> memref<200x128xf32, #tpu.memory_space<hbm>>
    %dma_wait3A_173 = arith.constant 0 : i32
    %dma_wait3A_174 = arith.constant 0 : i32
    %dma_wait3A_175 = tpu.memref_slice %arg3[%dma_wait3A_173, %dma_wait3A_174] : memref<100000x128xf32, #tpu.memory_space<hbm>> -> memref<200x128xf32, #tpu.memory_space<hbm>>
    tpu.wait_dma2 semaphore(%arg11 : memref<!tpu.dma_semaphore, #tpu.memory_space<semaphore_mem>>) src(%dma_wait3A_175 : memref<200x128xf32, #tpu.memory_space<hbm>>) dst(%arg7 : memref<200x128xf32, #tpu.memory_space<vmem>>)
    %broadcast_in_dim3A_176 = arith.constant 0.000000e+00 : f32
    %broadcast_in_dim3A_177 = vector.broadcast %broadcast_in_dim3A_176 : f32 to vector<16xf32>
    %broadcast_in_dim3A_178 = arith.constant 0.000000e+00 : f32
    %broadcast_in_dim3A_179 = vector.broadcast %broadcast_in_dim3A_178 : f32 to vector<16xf32>
    %broadcast_in_dim3A_180 = arith.constant 0.000000e+00 : f32
    %broadcast_in_dim3A_181 = vector.broadcast %broadcast_in_dim3A_180 : f32 to vector<16xf32>
    %broadcast_in_dim3A_182 = arith.constant 0.000000e+00 : f32
    %broadcast_in_dim3A_183 = vector.broadcast %broadcast_in_dim3A_182 : f32 to vector<16xf32>
    %broadcast_in_dim3A_184 = arith.constant 0.000000e+00 : f32
    %broadcast_in_dim3A_185 = vector.broadcast %broadcast_in_dim3A_184 : f32 to vector<16xf32>
    %broadcast_in_dim3A_186 = arith.constant 0.000000e+00 : f32
    %broadcast_in_dim3A_187 = vector.broadcast %broadcast_in_dim3A_186 : f32 to vector<16xf32>
    %broadcast_in_dim3A_188 = arith.constant 0.000000e+00 : f32
    %broadcast_in_dim3A_189 = vector.broadcast %broadcast_in_dim3A_188 : f32 to vector<16xf32>
    %broadcast_in_dim3A_190 = arith.constant 0.000000e+00 : f32
    %broadcast_in_dim3A_191 = vector.broadcast %broadcast_in_dim3A_190 : f32 to vector<16xf32>
    %scan3A_192 = arith.constant 0 : i32
    %scan3A_193 = arith.constant 200 : i32
    %scan3A_194 = arith.addi %scan3A_192, %scan3A_193 : i32
    %scan3A_195 = arith.constant 4 : i32
    %scan3A_196:8 = scf.for %scan3A_586 = %scan3A_192 to %scan3A_194 step %scan3A_195 iter_args(%scan3A_587 = %broadcast_in_dim3A_177, %scan3A_588 = %broadcast_in_dim3A_179, %scan3A_589 = %broadcast_in_dim3A_181, %scan3A_590 = %broadcast_in_dim3A_183, %scan3A_591 = %broadcast_in_dim3A_185, %scan3A_592 = %broadcast_in_dim3A_187, %scan3A_593 = %broadcast_in_dim3A_189, %scan3A_594 = %broadcast_in_dim3A_191) -> (vector<16xf32>, vector<16xf32>, vector<16xf32>, vector<16xf32>, vector<16xf32>, vector<16xf32>, vector<16xf32>, vector<16xf32>)  : i32 {
      %get3A = arith.index_cast %scan3A_586 : i32 to index
      %get3A_595 = arith.constant 0 : index
      %get3A_596 = tpu.vector_load %arg7[%get3A, %get3A_595] {strides = array<i32>} : memref<200x128xf32, #tpu.memory_space<vmem>>, vector<1x16xf32>,
      %get3A_597 = vector.shape_cast %get3A_596 : vector<1x16xf32> to vector<16xf32>
      %add3A_598 = arith.addf %scan3A_587, %get3A_597 : vector<16xf32>
      %get3A_599 = arith.index_cast %scan3A_586 : i32 to index
      %get3A_600 = arith.constant 16 : index
      %get3A_601 = tpu.vector_load %arg7[%get3A_599, %get3A_600] {strides = array<i32>} : memref<200x128xf32, #tpu.memory_space<vmem>>, vector<1x16xf32>,
      %get3A_602 = vector.shape_cast %get3A_601 : vector<1x16xf32> to vector<16xf32>
      %add3A_603 = arith.addf %scan3A_588, %get3A_602 : vector<16xf32>
      %get3A_604 = arith.index_cast %scan3A_586 : i32 to index
      %get3A_605 = arith.constant 32 : index
      %get3A_606 = tpu.vector_load %arg7[%get3A_604, %get3A_605] {strides = array<i32>} : memref<200x128xf32, #tpu.memory_space<vmem>>, vector<1x16xf32>,
      %get3A_607 = vector.shape_cast %get3A_606 : vector<1x16xf32> to vector<16xf32>
      %add3A_608 = arith.addf %scan3A_589, %get3A_607 : vector<16xf32>
      %get3A_609 = arith.index_cast %scan3A_586 : i32 to index
      %get3A_610 = arith.constant 48 : index
      %get3A_611 = tpu.vector_load %arg7[%get3A_609, %get3A_610] {strides = array<i32>} : memref<200x128xf32, #tpu.memory_space<vmem>>, vector<1x16xf32>,
      %get3A_612 = vector.shape_cast %get3A_611 : vector<1x16xf32> to vector<16xf32>
      %add3A_613 = arith.addf %scan3A_590, %get3A_612 : vector<16xf32>
      %get3A_614 = arith.index_cast %scan3A_586 : i32 to index
      %get3A_615 = arith.constant 64 : index
      %get3A_616 = tpu.vector_load %arg7[%get3A_614, %get3A_615] {strides = array<i32>} : memref<200x128xf32, #tpu.memory_space<vmem>>, vector<1x16xf32>,
      %get3A_617 = vector.shape_cast %get3A_616 : vector<1x16xf32> to vector<16xf32>
      %add3A_618 = arith.addf %scan3A_591, %get3A_617 : vector<16xf32>
      %get3A_619 = arith.index_cast %scan3A_586 : i32 to index
      %get3A_620 = arith.constant 80 : index
      %get3A_621 = tpu.vector_load %arg7[%get3A_619, %get3A_620] {strides = array<i32>} : memref<200x128xf32, #tpu.memory_space<vmem>>, vector<1x16xf32>,
      %get3A_622 = vector.shape_cast %get3A_621 : vector<1x16xf32> to vector<16xf32>
      %add3A_623 = arith.addf %scan3A_592, %get3A_622 : vector<16xf32>
      %get3A_624 = arith.index_cast %scan3A_586 : i32 to index
      %get3A_625 = arith.constant 96 : index
      %get3A_626 = tpu.vector_load %arg7[%get3A_624, %get3A_625] {strides = array<i32>} : memref<200x128xf32, #tpu.memory_space<vmem>>, vector<1x16xf32>,
      %get3A_627 = vector.shape_cast %get3A_626 : vector<1x16xf32> to vector<16xf32>
      %add3A_628 = arith.addf %scan3A_593, %get3A_627 : vector<16xf32>
      %get3A_629 = arith.index_cast %scan3A_586 : i32 to index
      %get3A_630 = arith.constant 112 : index
      %get3A_631 = tpu.vector_load %arg7[%get3A_629, %get3A_630] {strides = array<i32>} : memref<200x128xf32, #tpu.memory_space<vmem>>, vector<1x16xf32>,
      %get3A_632 = vector.shape_cast %get3A_631 : vector<1x16xf32> to vector<16xf32>
      %add3A_633 = arith.addf %scan3A_594, %get3A_632 : vector<16xf32>
      %scan3A_634 = arith.constant 1 : i32
      %scan3A_635 = arith.addi %scan3A_586, %scan3A_634 : i32
      %get3A_636 = arith.index_cast %scan3A_635 : i32 to index
      %get3A_637 = arith.constant 0 : index
      %get3A_638 = tpu.vector_load %arg7[%get3A_636, %get3A_637] {strides = array<i32>} : memref<200x128xf32, #tpu.memory_space<vmem>>, vector<1x16xf32>,
      %get3A_639 = vector.shape_cast %get3A_638 : vector<1x16xf32> to vector<16xf32>
      %add3A_640 = arith.addf %add3A_598, %get3A_639 : vector<16xf32>
      %get3A_641 = arith.index_cast %scan3A_635 : i32 to index
      %get3A_642 = arith.constant 16 : index
      %get3A_643 = tpu.vector_load %arg7[%get3A_641, %get3A_642] {strides = array<i32>} : memref<200x128xf32, #tpu.memory_space<vmem>>, vector<1x16xf32>,
      %get3A_644 = vector.shape_cast %get3A_643 : vector<1x16xf32> to vector<16xf32>
      %add3A_645 = arith.addf %add3A_603, %get3A_644 : vector<16xf32>
      %get3A_646 = arith.index_cast %scan3A_635 : i32 to index
      %get3A_647 = arith.constant 32 : index
      %get3A_648 = tpu.vector_load %arg7[%get3A_646, %get3A_647] {strides = array<i32>} : memref<200x128xf32, #tpu.memory_space<vmem>>, vector<1x16xf32>,
      %get3A_649 = vector.shape_cast %get3A_648 : vector<1x16xf32> to vector<16xf32>
      %add3A_650 = arith.addf %add3A_608, %get3A_649 : vector<16xf32>
      %get3A_651 = arith.index_cast %scan3A_635 : i32 to index
      %get3A_652 = arith.constant 48 : index
      %get3A_653 = tpu.vector_load %arg7[%get3A_651, %get3A_652] {strides = array<i32>} : memref<200x128xf32, #tpu.memory_space<vmem>>, vector<1x16xf32>,
      %get3A_654 = vector.shape_cast %get3A_653 : vector<1x16xf32> to vector<16xf32>
      %add3A_655 = arith.addf %add3A_613, %get3A_654 : vector<16xf32>
      %get3A_656 = arith.index_cast %scan3A_635 : i32 to index
      %get3A_657 = arith.constant 64 : index
      %get3A_658 = tpu.vector_load %arg7[%get3A_656, %get3A_657] {strides = array<i32>} : memref<200x128xf32, #tpu.memory_space<vmem>>, vector<1x16xf32>,
      %get3A_659 = vector.shape_cast %get3A_658 : vector<1x16xf32> to vector<16xf32>
      %add3A_660 = arith.addf %add3A_618, %get3A_659 : vector<16xf32>
      %get3A_661 = arith.index_cast %scan3A_635 : i32 to index
      %get3A_662 = arith.constant 80 : index
      %get3A_663 = tpu.vector_load %arg7[%get3A_661, %get3A_662] {strides = array<i32>} : memref<200x128xf32, #tpu.memory_space<vmem>>, vector<1x16xf32>,
      %get3A_664 = vector.shape_cast %get3A_663 : vector<1x16xf32> to vector<16xf32>
      %add3A_665 = arith.addf %add3A_623, %get3A_664 : vector<16xf32>
      %get3A_666 = arith.index_cast %scan3A_635 : i32 to index
      %get3A_667 = arith.constant 96 : index
      %get3A_668 = tpu.vector_load %arg7[%get3A_666, %get3A_667] {strides = array<i32>} : memref<200x128xf32, #tpu.memory_space<vmem>>, vector<1x16xf32>,
      %get3A_669 = vector.shape_cast %get3A_668 : vector<1x16xf32> to vector<16xf32>
      %add3A_670 = arith.addf %add3A_628, %get3A_669 : vector<16xf32>
      %get3A_671 = arith.index_cast %scan3A_635 : i32 to index
      %get3A_672 = arith.constant 112 : index
      %get3A_673 = tpu.vector_load %arg7[%get3A_671, %get3A_672] {strides = array<i32>} : memref<200x128xf32, #tpu.memory_space<vmem>>, vector<1x16xf32>,
      %get3A_674 = vector.shape_cast %get3A_673 : vector<1x16xf32> to vector<16xf32>
      %add3A_675 = arith.addf %add3A_633, %get3A_674 : vector<16xf32>
      %scan3A_676 = arith.constant 2 : i32
      %scan3A_677 = arith.addi %scan3A_586, %scan3A_676 : i32
      %get3A_678 = arith.index_cast %scan3A_677 : i32 to index
      %get3A_679 = arith.constant 0 : index
      %get3A_680 = tpu.vector_load %arg7[%get3A_678, %get3A_679] {strides = array<i32>} : memref<200x128xf32, #tpu.memory_space<vmem>>, vector<1x16xf32>,
      %get3A_681 = vector.shape_cast %get3A_680 : vector<1x16xf32> to vector<16xf32>
      %add3A_682 = arith.addf %add3A_640, %get3A_681 : vector<16xf32>
      %get3A_683 = arith.index_cast %scan3A_677 : i32 to index
      %get3A_684 = arith.constant 16 : index
      %get3A_685 = tpu.vector_load %arg7[%get3A_683, %get3A_684] {strides = array<i32>} : memref<200x128xf32, #tpu.memory_space<vmem>>, vector<1x16xf32>,
      %get3A_686 = vector.shape_cast %get3A_685 : vector<1x16xf32> to vector<16xf32>
      %add3A_687 = arith.addf %add3A_645, %get3A_686 : vector<16xf32>
      %get3A_688 = arith.index_cast %scan3A_677 : i32 to index
      %get3A_689 = arith.constant 32 : index
      %get3A_690 = tpu.vector_load %arg7[%get3A_688, %get3A_689] {strides = array<i32>} : memref<200x128xf32, #tpu.memory_space<vmem>>, vector<1x16xf32>,
      %get3A_691 = vector.shape_cast %get3A_690 : vector<1x16xf32> to vector<16xf32>
      %add3A_692 = arith.addf %add3A_650, %get3A_691 : vector<16xf32>
      %get3A_693 = arith.index_cast %scan3A_677 : i32 to index
      %get3A_694 = arith.constant 48 : index
      %get3A_695 = tpu.vector_load %arg7[%get3A_693, %get3A_694] {strides = array<i32>} : memref<200x128xf32, #tpu.memory_space<vmem>>, vector<1x16xf32>,
      %get3A_696 = vector.shape_cast %get3A_695 : vector<1x16xf32> to vector<16xf32>
      %add3A_697 = arith.addf %add3A_655, %get3A_696 : vector<16xf32>
      %get3A_698 = arith.index_cast %scan3A_677 : i32 to index
      %get3A_699 = arith.constant 64 : index
      %get3A_700 = tpu.vector_load %arg7[%get3A_698, %get3A_699] {strides = array<i32>} : memref<200x128xf32, #tpu.memory_space<vmem>>, vector<1x16xf32>,
      %get3A_701 = vector.shape_cast %get3A_700 : vector<1x16xf32> to vector<16xf32>
      %add3A_702 = arith.addf %add3A_660, %get3A_701 : vector<16xf32>
      %get3A_703 = arith.index_cast %scan3A_677 : i32 to index
      %get3A_704 = arith.constant 80 : index
      %get3A_705 = tpu.vector_load %arg7[%get3A_703, %get3A_704] {strides = array<i32>} : memref<200x128xf32, #tpu.memory_space<vmem>>, vector<1x16xf32>,
      %get3A_706 = vector.shape_cast %get3A_705 : vector<1x16xf32> to vector<16xf32>
      %add3A_707 = arith.addf %add3A_665, %get3A_706 : vector<16xf32>
      %get3A_708 = arith.index_cast %scan3A_677 : i32 to index
      %get3A_709 = arith.constant 96 : index
      %get3A_710 = tpu.vector_load %arg7[%get3A_708, %get3A_709] {strides = array<i32>} : memref<200x128xf32, #tpu.memory_space<vmem>>, vector<1x16xf32>,
      %get3A_711 = vector.shape_cast %get3A_710 : vector<1x16xf32> to vector<16xf32>
      %add3A_712 = arith.addf %add3A_670, %get3A_711 : vector<16xf32>
      %get3A_713 = arith.index_cast %scan3A_677 : i32 to index
      %get3A_714 = arith.constant 112 : index
      %get3A_715 = tpu.vector_load %arg7[%get3A_713, %get3A_714] {strides = array<i32>} : memref<200x128xf32, #tpu.memory_space<vmem>>, vector<1x16xf32>,
      %get3A_716 = vector.shape_cast %get3A_715 : vector<1x16xf32> to vector<16xf32>
      %add3A_717 = arith.addf %add3A_675, %get3A_716 : vector<16xf32>
      %scan3A_718 = arith.constant 3 : i32
      %scan3A_719 = arith.addi %scan3A_586, %scan3A_718 : i32
      %get3A_720 = arith.index_cast %scan3A_719 : i32 to index
      %get3A_721 = arith.constant 0 : index
      %get3A_722 = tpu.vector_load %arg7[%get3A_720, %get3A_721] {strides = array<i32>} : memref<200x128xf32, #tpu.memory_space<vmem>>, vector<1x16xf32>,
      %get3A_723 = vector.shape_cast %get3A_722 : vector<1x16xf32> to vector<16xf32>
      %add3A_724 = arith.addf %add3A_682, %get3A_723 : vector<16xf32>
      %get3A_725 = arith.index_cast %scan3A_719 : i32 to index
      %get3A_726 = arith.constant 16 : index
      %get3A_727 = tpu.vector_load %arg7[%get3A_725, %get3A_726] {strides = array<i32>} : memref<200x128xf32, #tpu.memory_space<vmem>>, vector<1x16xf32>,
      %get3A_728 = vector.shape_cast %get3A_727 : vector<1x16xf32> to vector<16xf32>
      %add3A_729 = arith.addf %add3A_687, %get3A_728 : vector<16xf32>
      %get3A_730 = arith.index_cast %scan3A_719 : i32 to index
      %get3A_731 = arith.constant 32 : index
      %get3A_732 = tpu.vector_load %arg7[%get3A_730, %get3A_731] {strides = array<i32>} : memref<200x128xf32, #tpu.memory_space<vmem>>, vector<1x16xf32>,
      %get3A_733 = vector.shape_cast %get3A_732 : vector<1x16xf32> to vector<16xf32>
      %add3A_734 = arith.addf %add3A_692, %get3A_733 : vector<16xf32>
      %get3A_735 = arith.index_cast %scan3A_719 : i32 to index
      %get3A_736 = arith.constant 48 : index
      %get3A_737 = tpu.vector_load %arg7[%get3A_735, %get3A_736] {strides = array<i32>} : memref<200x128xf32, #tpu.memory_space<vmem>>, vector<1x16xf32>,
      %get3A_738 = vector.shape_cast %get3A_737 : vector<1x16xf32> to vector<16xf32>
      %add3A_739 = arith.addf %add3A_697, %get3A_738 : vector<16xf32>
      %get3A_740 = arith.index_cast %scan3A_719 : i32 to index
      %get3A_741 = arith.constant 64 : index
      %get3A_742 = tpu.vector_load %arg7[%get3A_740, %get3A_741] {strides = array<i32>} : memref<200x128xf32, #tpu.memory_space<vmem>>, vector<1x16xf32>,
      %get3A_743 = vector.shape_cast %get3A_742 : vector<1x16xf32> to vector<16xf32>
      %add3A_744 = arith.addf %add3A_702, %get3A_743 : vector<16xf32>
      %get3A_745 = arith.index_cast %scan3A_719 : i32 to index
      %get3A_746 = arith.constant 80 : index
      %get3A_747 = tpu.vector_load %arg7[%get3A_745, %get3A_746] {strides = array<i32>} : memref<200x128xf32, #tpu.memory_space<vmem>>, vector<1x16xf32>,
      %get3A_748 = vector.shape_cast %get3A_747 : vector<1x16xf32> to vector<16xf32>
      %add3A_749 = arith.addf %add3A_707, %get3A_748 : vector<16xf32>
      %get3A_750 = arith.index_cast %scan3A_719 : i32 to index
      %get3A_751 = arith.constant 96 : index
      %get3A_752 = tpu.vector_load %arg7[%get3A_750, %get3A_751] {strides = array<i32>} : memref<200x128xf32, #tpu.memory_space<vmem>>, vector<1x16xf32>,
      %get3A_753 = vector.shape_cast %get3A_752 : vector<1x16xf32> to vector<16xf32>
      %add3A_754 = arith.addf %add3A_712, %get3A_753 : vector<16xf32>
      %get3A_755 = arith.index_cast %scan3A_719 : i32 to index
      %get3A_756 = arith.constant 112 : index
      %get3A_757 = tpu.vector_load %arg7[%get3A_755, %get3A_756] {strides = array<i32>} : memref<200x128xf32, #tpu.memory_space<vmem>>, vector<1x16xf32>,
      %get3A_758 = vector.shape_cast %get3A_757 : vector<1x16xf32> to vector<16xf32>
      %add3A_759 = arith.addf %add3A_717, %get3A_758 : vector<16xf32>
      scf.yield %add3A_724, %add3A_729, %add3A_734, %add3A_739, %add3A_744, %add3A_749, %add3A_754, %add3A_759 : vector<16xf32>, vector<16xf32>, vector<16xf32>, vector<16xf32>, vector<16xf32>, vector<16xf32>, vector<16xf32>, vector<16xf32>
    }
    %scan3A_197 = arith.constant 200 : i32
    %mul3A_198 = arith.constant 5.000000e-03 : f32
    %mul3A_199 = vector.broadcast %mul3A_198 : f32 to vector<16xf32>
    %mul3A_200 = arith.mulf %scan3A_196#0, %mul3A_199 : vector<16xf32>
    %swap3A_201 = arith.constant 124 : i32
    %swap3A_202 = arith.index_cast %swap3A_201 : i32 to index
    %swap3A_203 = arith.constant 0 : index
    %swap3A_204 = tpu.vector_load %arg9[%swap3A_202, %swap3A_203] {strides = array<i32>} : memref<128x128xf32, #tpu.memory_space<vmem>>, vector<1x16xf32>,
    %swap3A_205 = vector.shape_cast %swap3A_204 : vector<1x16xf32> to vector<16xf32>
    %swap3A_206 = vector.shape_cast %mul3A_200 : vector<16xf32> to vector<1x16xf32>
    tpu.vector_store %arg9[%swap3A_202, %swap3A_203], %swap3A_206 {strides = array<i32>} : memref<128x128xf32, #tpu.memory_space<vmem>>, vector<1x16xf32>,
    %mul3A_207 = arith.constant 5.000000e-03 : f32
    %mul3A_208 = vector.broadcast %mul3A_207 : f32 to vector<16xf32>
    %mul3A_209 = arith.mulf %scan3A_196#1, %mul3A_208 : vector<16xf32>
    %swap3A_210 = arith.constant 124 : i32
    %swap3A_211 = arith.index_cast %swap3A_210 : i32 to index
    %swap3A_212 = arith.constant 16 : index
    %swap3A_213 = tpu.vector_load %arg9[%swap3A_211, %swap3A_212] {strides = array<i32>} : memref<128x128xf32, #tpu.memory_space<vmem>>, vector<1x16xf32>,
    %swap3A_214 = vector.shape_cast %swap3A_213 : vector<1x16xf32> to vector<16xf32>
    %swap3A_215 = vector.shape_cast %mul3A_209 : vector<16xf32> to vector<1x16xf32>
    tpu.vector_store %arg9[%swap3A_211, %swap3A_212], %swap3A_215 {strides = array<i32>} : memref<128x128xf32, #tpu.memory_space<vmem>>, vector<1x16xf32>,
    %mul3A_216 = arith.constant 5.000000e-03 : f32
    %mul3A_217 = vector.broadcast %mul3A_216 : f32 to vector<16xf32>
    %mul3A_218 = arith.mulf %scan3A_196#2, %mul3A_217 : vector<16xf32>
    %swap3A_219 = arith.constant 124 : i32
    %swap3A_220 = arith.index_cast %swap3A_219 : i32 to index
    %swap3A_221 = arith.constant 32 : index
    %swap3A_222 = tpu.vector_load %arg9[%swap3A_220, %swap3A_221] {strides = array<i32>} : memref<128x128xf32, #tpu.memory_space<vmem>>, vector<1x16xf32>,
    %swap3A_223 = vector.shape_cast %swap3A_222 : vector<1x16xf32> to vector<16xf32>
    %swap3A_224 = vector.shape_cast %mul3A_218 : vector<16xf32> to vector<1x16xf32>
    tpu.vector_store %arg9[%swap3A_220, %swap3A_221], %swap3A_224 {strides = array<i32>} : memref<128x128xf32, #tpu.memory_space<vmem>>, vector<1x16xf32>,
    %mul3A_225 = arith.constant 5.000000e-03 : f32
    %mul3A_226 = vector.broadcast %mul3A_225 : f32 to vector<16xf32>
    %mul3A_227 = arith.mulf %scan3A_196#3, %mul3A_226 : vector<16xf32>
    %swap3A_228 = arith.constant 124 : i32
    %swap3A_229 = arith.index_cast %swap3A_228 : i32 to index
    %swap3A_230 = arith.constant 48 : index
    %swap3A_231 = tpu.vector_load %arg9[%swap3A_229, %swap3A_230] {strides = array<i32>} : memref<128x128xf32, #tpu.memory_space<vmem>>, vector<1x16xf32>,
    %swap3A_232 = vector.shape_cast %swap3A_231 : vector<1x16xf32> to vector<16xf32>
    %swap3A_233 = vector.shape_cast %mul3A_227 : vector<16xf32> to vector<1x16xf32>
    tpu.vector_store %arg9[%swap3A_229, %swap3A_230], %swap3A_233 {strides = array<i32>} : memref<128x128xf32, #tpu.memory_space<vmem>>, vector<1x16xf32>,
    %mul3A_234 = arith.constant 5.000000e-03 : f32
    %mul3A_235 = vector.broadcast %mul3A_234 : f32 to vector<16xf32>
    %mul3A_236 = arith.mulf %scan3A_196#4, %mul3A_235 : vector<16xf32>
    %swap3A_237 = arith.constant 124 : i32
    %swap3A_238 = arith.index_cast %swap3A_237 : i32 to index
    %swap3A_239 = arith.constant 64 : index
    %swap3A_240 = tpu.vector_load %arg9[%swap3A_238, %swap3A_239] {strides = array<i32>} : memref<128x128xf32, #tpu.memory_space<vmem>>, vector<1x16xf32>,
    %swap3A_241 = vector.shape_cast %swap3A_240 : vector<1x16xf32> to vector<16xf32>
    %swap3A_242 = vector.shape_cast %mul3A_236 : vector<16xf32> to vector<1x16xf32>
    tpu.vector_store %arg9[%swap3A_238, %swap3A_239], %swap3A_242 {strides = array<i32>} : memref<128x128xf32, #tpu.memory_space<vmem>>, vector<1x16xf32>,
    %mul3A_243 = arith.constant 5.000000e-03 : f32
    %mul3A_244 = vector.broadcast %mul3A_243 : f32 to vector<16xf32>
    %mul3A_245 = arith.mulf %scan3A_196#5, %mul3A_244 : vector<16xf32>
    %swap3A_246 = arith.constant 124 : i32
    %swap3A_247 = arith.index_cast %swap3A_246 : i32 to index
    %swap3A_248 = arith.constant 80 : index
    %swap3A_249 = tpu.vector_load %arg9[%swap3A_247, %swap3A_248] {strides = array<i32>} : memref<128x128xf32, #tpu.memory_space<vmem>>, vector<1x16xf32>,
    %swap3A_250 = vector.shape_cast %swap3A_249 : vector<1x16xf32> to vector<16xf32>
    %swap3A_251 = vector.shape_cast %mul3A_245 : vector<16xf32> to vector<1x16xf32>
    tpu.vector_store %arg9[%swap3A_247, %swap3A_248], %swap3A_251 {strides = array<i32>} : memref<128x128xf32, #tpu.memory_space<vmem>>, vector<1x16xf32>,
    %mul3A_252 = arith.constant 5.000000e-03 : f32
    %mul3A_253 = vector.broadcast %mul3A_252 : f32 to vector<16xf32>
    %mul3A_254 = arith.mulf %scan3A_196#6, %mul3A_253 : vector<16xf32>
    %swap3A_255 = arith.constant 124 : i32
    %swap3A_256 = arith.index_cast %swap3A_255 : i32 to index
    %swap3A_257 = arith.constant 96 : index
    %swap3A_258 = tpu.vector_load %arg9[%swap3A_256, %swap3A_257] {strides = array<i32>} : memref<128x128xf32, #tpu.memory_space<vmem>>, vector<1x16xf32>,
    %swap3A_259 = vector.shape_cast %swap3A_258 : vector<1x16xf32> to vector<16xf32>
    %swap3A_260 = vector.shape_cast %mul3A_254 : vector<16xf32> to vector<1x16xf32>
    tpu.vector_store %arg9[%swap3A_256, %swap3A_257], %swap3A_260 {strides = array<i32>} : memref<128x128xf32, #tpu.memory_space<vmem>>, vector<1x16xf32>,
    %mul3A_261 = arith.constant 5.000000e-03 : f32
    %mul3A_262 = vector.broadcast %mul3A_261 : f32 to vector<16xf32>
    %mul3A_263 = arith.mulf %scan3A_196#7, %mul3A_262 : vector<16xf32>
    %swap3A_264 = arith.constant 124 : i32
    %swap3A_265 = arith.index_cast %swap3A_264 : i32 to index
    %swap3A_266 = arith.constant 112 : index
    %swap3A_267 = tpu.vector_load %arg9[%swap3A_265, %swap3A_266] {strides = array<i32>} : memref<128x128xf32, #tpu.memory_space<vmem>>, vector<1x16xf32>,
    %swap3A_268 = vector.shape_cast %swap3A_267 : vector<1x16xf32> to vector<16xf32>
    %swap3A_269 = vector.shape_cast %mul3A_263 : vector<16xf32> to vector<1x16xf32>
    tpu.vector_store %arg9[%swap3A_265, %swap3A_266], %swap3A_269 {strides = array<i32>} : memref<128x128xf32, #tpu.memory_space<vmem>>, vector<1x16xf32>,
    %dma_start3A_270 = arith.constant 0 : i32
    %dma_start3A_271 = arith.constant 0 : i32
    %dma_start3A_272 = tpu.memref_slice %arg7[%dma_start3A_270, %dma_start3A_271] : memref<200x128xf32, #tpu.memory_space<vmem>> -> memref<104x128xf32, #tpu.memory_space<vmem>>
    %dma_start3A_273 = arith.constant 25400 : i32
    %dma_start3A_274 = tpu.memref_slice %arg5[%dma_start3A_273] : memref<25600xi32, #tpu.memory_space<vmem>> -> memref<104xi32, #tpu.memory_space<vmem>>
    %dma_start3A_275 = arith.constant 0 : i32
    %dma_start3A_276 = arith.constant 0 : i32
    %dma_start3A_277 = tpu.memref_slice %arg3[%dma_start3A_275, %dma_start3A_276] : memref<100000x128xf32, #tpu.memory_space<hbm>> -> memref<100000x128xf32, #tpu.memory_space<hbm>>
    tpu.enqueue_indirect_dma source(%dma_start3A_277 : memref<100000x128xf32, #tpu.memory_space<hbm>>) target(%dma_start3A_272 : memref<104x128xf32, #tpu.memory_space<vmem>>) offsets(%dma_start3A_274 : memref<104xi32, #tpu.memory_space<vmem>>) semaphore(%arg11 : memref<!tpu.dma_semaphore, #tpu.memory_space<semaphore_mem>>)
    %dma_start3A_278 = arith.constant 104 : i32
    %dma_start3A_279 = arith.constant 0 : i32
    %dma_start3A_280 = tpu.memref_slice %arg7[%dma_start3A_278, %dma_start3A_279] : memref<200x128xf32, #tpu.memory_space<vmem>> -> memref<96x128xf32, #tpu.memory_space<vmem>>
    %dma_start3A_281 = arith.constant 25504 : i32
    %dma_start3A_282 = tpu.memref_slice %arg5[%dma_start3A_281] : memref<25600xi32, #tpu.memory_space<vmem>> -> memref<96xi32, #tpu.memory_space<vmem>>
    %dma_start3A_283 = arith.constant 0 : i32
    %dma_start3A_284 = arith.constant 0 : i32
    %dma_start3A_285 = tpu.memref_slice %arg3[%dma_start3A_283, %dma_start3A_284] : memref<100000x128xf32, #tpu.memory_space<hbm>> -> memref<100000x128xf32, #tpu.memory_space<hbm>>
    tpu.enqueue_indirect_dma source(%dma_start3A_285 : memref<100000x128xf32, #tpu.memory_space<hbm>>) target(%dma_start3A_280 : memref<96x128xf32, #tpu.memory_space<vmem>>) offsets(%dma_start3A_282 : memref<96xi32, #tpu.memory_space<vmem>>) semaphore(%arg11 : memref<!tpu.dma_semaphore, #tpu.memory_space<semaphore_mem>>)
    %dma_wait3A_286 = arith.constant 0 : i32
    %dma_wait3A_287 = arith.constant 0 : i32
    %dma_wait3A_288 = tpu.memref_slice %arg3[%dma_wait3A_286, %dma_wait3A_287] : memref<100000x128xf32, #tpu.memory_space<hbm>> -> memref<200x128xf32, #tpu.memory_space<hbm>>
    %dma_wait3A_289 = arith.constant 0 : i32
    %dma_wait3A_290 = arith.constant 0 : i32
    %dma_wait3A_291 = tpu.memref_slice %arg3[%dma_wait3A_289, %dma_wait3A_290] : memref<100000x128xf32, #tpu.memory_space<hbm>> -> memref<200x128xf32, #tpu.memory_space<hbm>>
    tpu.wait_dma2 semaphore(%arg12 : memref<!tpu.dma_semaphore, #tpu.memory_space<semaphore_mem>>) src(%dma_wait3A_291 : memref<200x128xf32, #tpu.memory_space<hbm>>) dst(%arg8 : memref<200x128xf32, #tpu.memory_space<vmem>>)
    %broadcast_in_dim3A_292 = arith.constant 0.000000e+00 : f32
    %broadcast_in_dim3A_293 = vector.broadcast %broadcast_in_dim3A_292 : f32 to vector<16xf32>
    %broadcast_in_dim3A_294 = arith.constant 0.000000e+00 : f32
    %broadcast_in_dim3A_295 = vector.broadcast %broadcast_in_dim3A_294 : f32 to vector<16xf32>
    %broadcast_in_dim3A_296 = arith.constant 0.000000e+00 : f32
    %broadcast_in_dim3A_297 = vector.broadcast %broadcast_in_dim3A_296 : f32 to vector<16xf32>
    %broadcast_in_dim3A_298 = arith.constant 0.000000e+00 : f32
    %broadcast_in_dim3A_299 = vector.broadcast %broadcast_in_dim3A_298 : f32 to vector<16xf32>
    %broadcast_in_dim3A_300 = arith.constant 0.000000e+00 : f32
    %broadcast_in_dim3A_301 = vector.broadcast %broadcast_in_dim3A_300 : f32 to vector<16xf32>
    %broadcast_in_dim3A_302 = arith.constant 0.000000e+00 : f32
    %broadcast_in_dim3A_303 = vector.broadcast %broadcast_in_dim3A_302 : f32 to vector<16xf32>
    %broadcast_in_dim3A_304 = arith.constant 0.000000e+00 : f32
    %broadcast_in_dim3A_305 = vector.broadcast %broadcast_in_dim3A_304 : f32 to vector<16xf32>
    %broadcast_in_dim3A_306 = arith.constant 0.000000e+00 : f32
    %broadcast_in_dim3A_307 = vector.broadcast %broadcast_in_dim3A_306 : f32 to vector<16xf32>
    %scan3A_308 = arith.constant 0 : i32
    %scan3A_309 = arith.constant 200 : i32
    %scan3A_310 = arith.addi %scan3A_308, %scan3A_309 : i32
    %scan3A_311 = arith.constant 4 : i32
    %scan3A_312:8 = scf.for %scan3A_586 = %scan3A_308 to %scan3A_310 step %scan3A_311 iter_args(%scan3A_587 = %broadcast_in_dim3A_293, %scan3A_588 = %broadcast_in_dim3A_295, %scan3A_589 = %broadcast_in_dim3A_297, %scan3A_590 = %broadcast_in_dim3A_299, %scan3A_591 = %broadcast_in_dim3A_301, %scan3A_592 = %broadcast_in_dim3A_303, %scan3A_593 = %broadcast_in_dim3A_305, %scan3A_594 = %broadcast_in_dim3A_307) -> (vector<16xf32>, vector<16xf32>, vector<16xf32>, vector<16xf32>, vector<16xf32>, vector<16xf32>, vector<16xf32>, vector<16xf32>)  : i32 {
      %get3A = arith.index_cast %scan3A_586 : i32 to index
      %get3A_595 = arith.constant 0 : index
      %get3A_596 = tpu.vector_load %arg8[%get3A, %get3A_595] {strides = array<i32>} : memref<200x128xf32, #tpu.memory_space<vmem>>, vector<1x16xf32>,
      %get3A_597 = vector.shape_cast %get3A_596 : vector<1x16xf32> to vector<16xf32>
      %add3A_598 = arith.addf %scan3A_587, %get3A_597 : vector<16xf32>
      %get3A_599 = arith.index_cast %scan3A_586 : i32 to index
      %get3A_600 = arith.constant 16 : index
      %get3A_601 = tpu.vector_load %arg8[%get3A_599, %get3A_600] {strides = array<i32>} : memref<200x128xf32, #tpu.memory_space<vmem>>, vector<1x16xf32>,
      %get3A_602 = vector.shape_cast %get3A_601 : vector<1x16xf32> to vector<16xf32>
      %add3A_603 = arith.addf %scan3A_588, %get3A_602 : vector<16xf32>
      %get3A_604 = arith.index_cast %scan3A_586 : i32 to index
      %get3A_605 = arith.constant 32 : index
      %get3A_606 = tpu.vector_load %arg8[%get3A_604, %get3A_605] {strides = array<i32>} : memref<200x128xf32, #tpu.memory_space<vmem>>, vector<1x16xf32>,
      %get3A_607 = vector.shape_cast %get3A_606 : vector<1x16xf32> to vector<16xf32>
      %add3A_608 = arith.addf %scan3A_589, %get3A_607 : vector<16xf32>
      %get3A_609 = arith.index_cast %scan3A_586 : i32 to index
      %get3A_610 = arith.constant 48 : index
      %get3A_611 = tpu.vector_load %arg8[%get3A_609, %get3A_610] {strides = array<i32>} : memref<200x128xf32, #tpu.memory_space<vmem>>, vector<1x16xf32>,
      %get3A_612 = vector.shape_cast %get3A_611 : vector<1x16xf32> to vector<16xf32>
      %add3A_613 = arith.addf %scan3A_590, %get3A_612 : vector<16xf32>
      %get3A_614 = arith.index_cast %scan3A_586 : i32 to index
      %get3A_615 = arith.constant 64 : index
      %get3A_616 = tpu.vector_load %arg8[%get3A_614, %get3A_615] {strides = array<i32>} : memref<200x128xf32, #tpu.memory_space<vmem>>, vector<1x16xf32>,
      %get3A_617 = vector.shape_cast %get3A_616 : vector<1x16xf32> to vector<16xf32>
      %add3A_618 = arith.addf %scan3A_591, %get3A_617 : vector<16xf32>
      %get3A_619 = arith.index_cast %scan3A_586 : i32 to index
      %get3A_620 = arith.constant 80 : index
      %get3A_621 = tpu.vector_load %arg8[%get3A_619, %get3A_620] {strides = array<i32>} : memref<200x128xf32, #tpu.memory_space<vmem>>, vector<1x16xf32>,
      %get3A_622 = vector.shape_cast %get3A_621 : vector<1x16xf32> to vector<16xf32>
      %add3A_623 = arith.addf %scan3A_592, %get3A_622 : vector<16xf32>
      %get3A_624 = arith.index_cast %scan3A_586 : i32 to index
      %get3A_625 = arith.constant 96 : index
      %get3A_626 = tpu.vector_load %arg8[%get3A_624, %get3A_625] {strides = array<i32>} : memref<200x128xf32, #tpu.memory_space<vmem>>, vector<1x16xf32>,
      %get3A_627 = vector.shape_cast %get3A_626 : vector<1x16xf32> to vector<16xf32>
      %add3A_628 = arith.addf %scan3A_593, %get3A_627 : vector<16xf32>
      %get3A_629 = arith.index_cast %scan3A_586 : i32 to index
      %get3A_630 = arith.constant 112 : index
      %get3A_631 = tpu.vector_load %arg8[%get3A_629, %get3A_630] {strides = array<i32>} : memref<200x128xf32, #tpu.memory_space<vmem>>, vector<1x16xf32>,
      %get3A_632 = vector.shape_cast %get3A_631 : vector<1x16xf32> to vector<16xf32>
      %add3A_633 = arith.addf %scan3A_594, %get3A_632 : vector<16xf32>
      %scan3A_634 = arith.constant 1 : i32
      %scan3A_635 = arith.addi %scan3A_586, %scan3A_634 : i32
      %get3A_636 = arith.index_cast %scan3A_635 : i32 to index
      %get3A_637 = arith.constant 0 : index
      %get3A_638 = tpu.vector_load %arg8[%get3A_636, %get3A_637] {strides = array<i32>} : memref<200x128xf32, #tpu.memory_space<vmem>>, vector<1x16xf32>,
      %get3A_639 = vector.shape_cast %get3A_638 : vector<1x16xf32> to vector<16xf32>
      %add3A_640 = arith.addf %add3A_598, %get3A_639 : vector<16xf32>
      %get3A_641 = arith.index_cast %scan3A_635 : i32 to index
      %get3A_642 = arith.constant 16 : index
      %get3A_643 = tpu.vector_load %arg8[%get3A_641, %get3A_642] {strides = array<i32>} : memref<200x128xf32, #tpu.memory_space<vmem>>, vector<1x16xf32>,
      %get3A_644 = vector.shape_cast %get3A_643 : vector<1x16xf32> to vector<16xf32>
      %add3A_645 = arith.addf %add3A_603, %get3A_644 : vector<16xf32>
      %get3A_646 = arith.index_cast %scan3A_635 : i32 to index
      %get3A_647 = arith.constant 32 : index
      %get3A_648 = tpu.vector_load %arg8[%get3A_646, %get3A_647] {strides = array<i32>} : memref<200x128xf32, #tpu.memory_space<vmem>>, vector<1x16xf32>,
      %get3A_649 = vector.shape_cast %get3A_648 : vector<1x16xf32> to vector<16xf32>
      %add3A_650 = arith.addf %add3A_608, %get3A_649 : vector<16xf32>
      %get3A_651 = arith.index_cast %scan3A_635 : i32 to index
      %get3A_652 = arith.constant 48 : index
      %get3A_653 = tpu.vector_load %arg8[%get3A_651, %get3A_652] {strides = array<i32>} : memref<200x128xf32, #tpu.memory_space<vmem>>, vector<1x16xf32>,
      %get3A_654 = vector.shape_cast %get3A_653 : vector<1x16xf32> to vector<16xf32>
      %add3A_655 = arith.addf %add3A_613, %get3A_654 : vector<16xf32>
      %get3A_656 = arith.index_cast %scan3A_635 : i32 to index
      %get3A_657 = arith.constant 64 : index
      %get3A_658 = tpu.vector_load %arg8[%get3A_656, %get3A_657] {strides = array<i32>} : memref<200x128xf32, #tpu.memory_space<vmem>>, vector<1x16xf32>,
      %get3A_659 = vector.shape_cast %get3A_658 : vector<1x16xf32> to vector<16xf32>
      %add3A_660 = arith.addf %add3A_618, %get3A_659 : vector<16xf32>
      %get3A_661 = arith.index_cast %scan3A_635 : i32 to index
      %get3A_662 = arith.constant 80 : index
      %get3A_663 = tpu.vector_load %arg8[%get3A_661, %get3A_662] {strides = array<i32>} : memref<200x128xf32, #tpu.memory_space<vmem>>, vector<1x16xf32>,
      %get3A_664 = vector.shape_cast %get3A_663 : vector<1x16xf32> to vector<16xf32>
      %add3A_665 = arith.addf %add3A_623, %get3A_664 : vector<16xf32>
      %get3A_666 = arith.index_cast %scan3A_635 : i32 to index
      %get3A_667 = arith.constant 96 : index
      %get3A_668 = tpu.vector_load %arg8[%get3A_666, %get3A_667] {strides = array<i32>} : memref<200x128xf32, #tpu.memory_space<vmem>>, vector<1x16xf32>,
      %get3A_669 = vector.shape_cast %get3A_668 : vector<1x16xf32> to vector<16xf32>
      %add3A_670 = arith.addf %add3A_628, %get3A_669 : vector<16xf32>
      %get3A_671 = arith.index_cast %scan3A_635 : i32 to index
      %get3A_672 = arith.constant 112 : index
      %get3A_673 = tpu.vector_load %arg8[%get3A_671, %get3A_672] {strides = array<i32>} : memref<200x128xf32, #tpu.memory_space<vmem>>, vector<1x16xf32>,
      %get3A_674 = vector.shape_cast %get3A_673 : vector<1x16xf32> to vector<16xf32>
      %add3A_675 = arith.addf %add3A_633, %get3A_674 : vector<16xf32>
      %scan3A_676 = arith.constant 2 : i32
      %scan3A_677 = arith.addi %scan3A_586, %scan3A_676 : i32
      %get3A_678 = arith.index_cast %scan3A_677 : i32 to index
      %get3A_679 = arith.constant 0 : index
      %get3A_680 = tpu.vector_load %arg8[%get3A_678, %get3A_679] {strides = array<i32>} : memref<200x128xf32, #tpu.memory_space<vmem>>, vector<1x16xf32>,
      %get3A_681 = vector.shape_cast %get3A_680 : vector<1x16xf32> to vector<16xf32>
      %add3A_682 = arith.addf %add3A_640, %get3A_681 : vector<16xf32>
      %get3A_683 = arith.index_cast %scan3A_677 : i32 to index
      %get3A_684 = arith.constant 16 : index
      %get3A_685 = tpu.vector_load %arg8[%get3A_683, %get3A_684] {strides = array<i32>} : memref<200x128xf32, #tpu.memory_space<vmem>>, vector<1x16xf32>,
      %get3A_686 = vector.shape_cast %get3A_685 : vector<1x16xf32> to vector<16xf32>
      %add3A_687 = arith.addf %add3A_645, %get3A_686 : vector<16xf32>
      %get3A_688 = arith.index_cast %scan3A_677 : i32 to index
      %get3A_689 = arith.constant 32 : index
      %get3A_690 = tpu.vector_load %arg8[%get3A_688, %get3A_689] {strides = array<i32>} : memref<200x128xf32, #tpu.memory_space<vmem>>, vector<1x16xf32>,
      %get3A_691 = vector.shape_cast %get3A_690 : vector<1x16xf32> to vector<16xf32>
      %add3A_692 = arith.addf %add3A_650, %get3A_691 : vector<16xf32>
      %get3A_693 = arith.index_cast %scan3A_677 : i32 to index
      %get3A_694 = arith.constant 48 : index
      %get3A_695 = tpu.vector_load %arg8[%get3A_693, %get3A_694] {strides = array<i32>} : memref<200x128xf32, #tpu.memory_space<vmem>>, vector<1x16xf32>,
      %get3A_696 = vector.shape_cast %get3A_695 : vector<1x16xf32> to vector<16xf32>
      %add3A_697 = arith.addf %add3A_655, %get3A_696 : vector<16xf32>
      %get3A_698 = arith.index_cast %scan3A_677 : i32 to index
      %get3A_699 = arith.constant 64 : index
      %get3A_700 = tpu.vector_load %arg8[%get3A_698, %get3A_699] {strides = array<i32>} : memref<200x128xf32, #tpu.memory_space<vmem>>, vector<1x16xf32>,
      %get3A_701 = vector.shape_cast %get3A_700 : vector<1x16xf32> to vector<16xf32>
      %add3A_702 = arith.addf %add3A_660, %get3A_701 : vector<16xf32>
      %get3A_703 = arith.index_cast %scan3A_677 : i32 to index
      %get3A_704 = arith.constant 80 : index
      %get3A_705 = tpu.vector_load %arg8[%get3A_703, %get3A_704] {strides = array<i32>} : memref<200x128xf32, #tpu.memory_space<vmem>>, vector<1x16xf32>,
      %get3A_706 = vector.shape_cast %get3A_705 : vector<1x16xf32> to vector<16xf32>
      %add3A_707 = arith.addf %add3A_665, %get3A_706 : vector<16xf32>
      %get3A_708 = arith.index_cast %scan3A_677 : i32 to index
      %get3A_709 = arith.constant 96 : index
      %get3A_710 = tpu.vector_load %arg8[%get3A_708, %get3A_709] {strides = array<i32>} : memref<200x128xf32, #tpu.memory_space<vmem>>, vector<1x16xf32>,
      %get3A_711 = vector.shape_cast %get3A_710 : vector<1x16xf32> to vector<16xf32>
      %add3A_712 = arith.addf %add3A_670, %get3A_711 : vector<16xf32>
      %get3A_713 = arith.index_cast %scan3A_677 : i32 to index
      %get3A_714 = arith.constant 112 : index
      %get3A_715 = tpu.vector_load %arg8[%get3A_713, %get3A_714] {strides = array<i32>} : memref<200x128xf32, #tpu.memory_space<vmem>>, vector<1x16xf32>,
      %get3A_716 = vector.shape_cast %get3A_715 : vector<1x16xf32> to vector<16xf32>
      %add3A_717 = arith.addf %add3A_675, %get3A_716 : vector<16xf32>
      %scan3A_718 = arith.constant 3 : i32
      %scan3A_719 = arith.addi %scan3A_586, %scan3A_718 : i32
      %get3A_720 = arith.index_cast %scan3A_719 : i32 to index
      %get3A_721 = arith.constant 0 : index
      %get3A_722 = tpu.vector_load %arg8[%get3A_720, %get3A_721] {strides = array<i32>} : memref<200x128xf32, #tpu.memory_space<vmem>>, vector<1x16xf32>,
      %get3A_723 = vector.shape_cast %get3A_722 : vector<1x16xf32> to vector<16xf32>
      %add3A_724 = arith.addf %add3A_682, %get3A_723 : vector<16xf32>
      %get3A_725 = arith.index_cast %scan3A_719 : i32 to index
      %get3A_726 = arith.constant 16 : index
      %get3A_727 = tpu.vector_load %arg8[%get3A_725, %get3A_726] {strides = array<i32>} : memref<200x128xf32, #tpu.memory_space<vmem>>, vector<1x16xf32>,
      %get3A_728 = vector.shape_cast %get3A_727 : vector<1x16xf32> to vector<16xf32>
      %add3A_729 = arith.addf %add3A_687, %get3A_728 : vector<16xf32>
      %get3A_730 = arith.index_cast %scan3A_719 : i32 to index
      %get3A_731 = arith.constant 32 : index
      %get3A_732 = tpu.vector_load %arg8[%get3A_730, %get3A_731] {strides = array<i32>} : memref<200x128xf32, #tpu.memory_space<vmem>>, vector<1x16xf32>,
      %get3A_733 = vector.shape_cast %get3A_732 : vector<1x16xf32> to vector<16xf32>
      %add3A_734 = arith.addf %add3A_692, %get3A_733 : vector<16xf32>
      %get3A_735 = arith.index_cast %scan3A_719 : i32 to index
      %get3A_736 = arith.constant 48 : index
      %get3A_737 = tpu.vector_load %arg8[%get3A_735, %get3A_736] {strides = array<i32>} : memref<200x128xf32, #tpu.memory_space<vmem>>, vector<1x16xf32>,
      %get3A_738 = vector.shape_cast %get3A_737 : vector<1x16xf32> to vector<16xf32>
      %add3A_739 = arith.addf %add3A_697, %get3A_738 : vector<16xf32>
      %get3A_740 = arith.index_cast %scan3A_719 : i32 to index
      %get3A_741 = arith.constant 64 : index
      %get3A_742 = tpu.vector_load %arg8[%get3A_740, %get3A_741] {strides = array<i32>} : memref<200x128xf32, #tpu.memory_space<vmem>>, vector<1x16xf32>,
      %get3A_743 = vector.shape_cast %get3A_742 : vector<1x16xf32> to vector<16xf32>
      %add3A_744 = arith.addf %add3A_702, %get3A_743 : vector<16xf32>
      %get3A_745 = arith.index_cast %scan3A_719 : i32 to index
      %get3A_746 = arith.constant 80 : index
      %get3A_747 = tpu.vector_load %arg8[%get3A_745, %get3A_746] {strides = array<i32>} : memref<200x128xf32, #tpu.memory_space<vmem>>, vector<1x16xf32>,
      %get3A_748 = vector.shape_cast %get3A_747 : vector<1x16xf32> to vector<16xf32>
      %add3A_749 = arith.addf %add3A_707, %get3A_748 : vector<16xf32>
      %get3A_750 = arith.index_cast %scan3A_719 : i32 to index
      %get3A_751 = arith.constant 96 : index
      %get3A_752 = tpu.vector_load %arg8[%get3A_750, %get3A_751] {strides = array<i32>} : memref<200x128xf32, #tpu.memory_space<vmem>>, vector<1x16xf32>,
      %get3A_753 = vector.shape_cast %get3A_752 : vector<1x16xf32> to vector<16xf32>
      %add3A_754 = arith.addf %add3A_712, %get3A_753 : vector<16xf32>
      %get3A_755 = arith.index_cast %scan3A_719 : i32 to index
      %get3A_756 = arith.constant 112 : index
      %get3A_757 = tpu.vector_load %arg8[%get3A_755, %get3A_756] {strides = array<i32>} : memref<200x128xf32, #tpu.memory_space<vmem>>, vector<1x16xf32>,
      %get3A_758 = vector.shape_cast %get3A_757 : vector<1x16xf32> to vector<16xf32>
      %add3A_759 = arith.addf %add3A_717, %get3A_758 : vector<16xf32>
      scf.yield %add3A_724, %add3A_729, %add3A_734, %add3A_739, %add3A_744, %add3A_749, %add3A_754, %add3A_759 : vector<16xf32>, vector<16xf32>, vector<16xf32>, vector<16xf32>, vector<16xf32>, vector<16xf32>, vector<16xf32>, vector<16xf32>
    }
    %scan3A_313 = arith.constant 200 : i32
    %mul3A_314 = arith.constant 5.000000e-03 : f32
    %mul3A_315 = vector.broadcast %mul3A_314 : f32 to vector<16xf32>
    %mul3A_316 = arith.mulf %scan3A_312#0, %mul3A_315 : vector<16xf32>
    %swap3A_317 = arith.constant 125 : i32
    %swap3A_318 = arith.index_cast %swap3A_317 : i32 to index
    %swap3A_319 = arith.constant 0 : index
    %swap3A_320 = tpu.vector_load %arg9[%swap3A_318, %swap3A_319] {strides = array<i32>} : memref<128x128xf32, #tpu.memory_space<vmem>>, vector<1x16xf32>,
    %swap3A_321 = vector.shape_cast %swap3A_320 : vector<1x16xf32> to vector<16xf32>
    %swap3A_322 = vector.shape_cast %mul3A_316 : vector<16xf32> to vector<1x16xf32>
    tpu.vector_store %arg9[%swap3A_318, %swap3A_319], %swap3A_322 {strides = array<i32>} : memref<128x128xf32, #tpu.memory_space<vmem>>, vector<1x16xf32>,
    %mul3A_323 = arith.constant 5.000000e-03 : f32
    %mul3A_324 = vector.broadcast %mul3A_323 : f32 to vector<16xf32>
    %mul3A_325 = arith.mulf %scan3A_312#1, %mul3A_324 : vector<16xf32>
    %swap3A_326 = arith.constant 125 : i32
    %swap3A_327 = arith.index_cast %swap3A_326 : i32 to index
    %swap3A_328 = arith.constant 16 : index
    %swap3A_329 = tpu.vector_load %arg9[%swap3A_327, %swap3A_328] {strides = array<i32>} : memref<128x128xf32, #tpu.memory_space<vmem>>, vector<1x16xf32>,
    %swap3A_330 = vector.shape_cast %swap3A_329 : vector<1x16xf32> to vector<16xf32>
    %swap3A_331 = vector.shape_cast %mul3A_325 : vector<16xf32> to vector<1x16xf32>
    tpu.vector_store %arg9[%swap3A_327, %swap3A_328], %swap3A_331 {strides = array<i32>} : memref<128x128xf32, #tpu.memory_space<vmem>>, vector<1x16xf32>,
    %mul3A_332 = arith.constant 5.000000e-03 : f32
    %mul3A_333 = vector.broadcast %mul3A_332 : f32 to vector<16xf32>
    %mul3A_334 = arith.mulf %scan3A_312#2, %mul3A_333 : vector<16xf32>
    %swap3A_335 = arith.constant 125 : i32
    %swap3A_336 = arith.index_cast %swap3A_335 : i32 to index
    %swap3A_337 = arith.constant 32 : index
    %swap3A_338 = tpu.vector_load %arg9[%swap3A_336, %swap3A_337] {strides = array<i32>} : memref<128x128xf32, #tpu.memory_space<vmem>>, vector<1x16xf32>,
    %swap3A_339 = vector.shape_cast %swap3A_338 : vector<1x16xf32> to vector<16xf32>
    %swap3A_340 = vector.shape_cast %mul3A_334 : vector<16xf32> to vector<1x16xf32>
    tpu.vector_store %arg9[%swap3A_336, %swap3A_337], %swap3A_340 {strides = array<i32>} : memref<128x128xf32, #tpu.memory_space<vmem>>, vector<1x16xf32>,
    %mul3A_341 = arith.constant 5.000000e-03 : f32
    %mul3A_342 = vector.broadcast %mul3A_341 : f32 to vector<16xf32>
    %mul3A_343 = arith.mulf %scan3A_312#3, %mul3A_342 : vector<16xf32>
    %swap3A_344 = arith.constant 125 : i32
    %swap3A_345 = arith.index_cast %swap3A_344 : i32 to index
    %swap3A_346 = arith.constant 48 : index
    %swap3A_347 = tpu.vector_load %arg9[%swap3A_345, %swap3A_346] {strides = array<i32>} : memref<128x128xf32, #tpu.memory_space<vmem>>, vector<1x16xf32>,
    %swap3A_348 = vector.shape_cast %swap3A_347 : vector<1x16xf32> to vector<16xf32>
    %swap3A_349 = vector.shape_cast %mul3A_343 : vector<16xf32> to vector<1x16xf32>
    tpu.vector_store %arg9[%swap3A_345, %swap3A_346], %swap3A_349 {strides = array<i32>} : memref<128x128xf32, #tpu.memory_space<vmem>>, vector<1x16xf32>,
    %mul3A_350 = arith.constant 5.000000e-03 : f32
    %mul3A_351 = vector.broadcast %mul3A_350 : f32 to vector<16xf32>
    %mul3A_352 = arith.mulf %scan3A_312#4, %mul3A_351 : vector<16xf32>
    %swap3A_353 = arith.constant 125 : i32
    %swap3A_354 = arith.index_cast %swap3A_353 : i32 to index
    %swap3A_355 = arith.constant 64 : index
    %swap3A_356 = tpu.vector_load %arg9[%swap3A_354, %swap3A_355] {strides = array<i32>} : memref<128x128xf32, #tpu.memory_space<vmem>>, vector<1x16xf32>,
    %swap3A_357 = vector.shape_cast %swap3A_356 : vector<1x16xf32> to vector<16xf32>
    %swap3A_358 = vector.shape_cast %mul3A_352 : vector<16xf32> to vector<1x16xf32>
    tpu.vector_store %arg9[%swap3A_354, %swap3A_355], %swap3A_358 {strides = array<i32>} : memref<128x128xf32, #tpu.memory_space<vmem>>, vector<1x16xf32>,
    %mul3A_359 = arith.constant 5.000000e-03 : f32
    %mul3A_360 = vector.broadcast %mul3A_359 : f32 to vector<16xf32>
    %mul3A_361 = arith.mulf %scan3A_312#5, %mul3A_360 : vector<16xf32>
    %swap3A_362 = arith.constant 125 : i32
    %swap3A_363 = arith.index_cast %swap3A_362 : i32 to index
    %swap3A_364 = arith.constant 80 : index
    %swap3A_365 = tpu.vector_load %arg9[%swap3A_363, %swap3A_364] {strides = array<i32>} : memref<128x128xf32, #tpu.memory_space<vmem>>, vector<1x16xf32>,
    %swap3A_366 = vector.shape_cast %swap3A_365 : vector<1x16xf32> to vector<16xf32>
    %swap3A_367 = vector.shape_cast %mul3A_361 : vector<16xf32> to vector<1x16xf32>
    tpu.vector_store %arg9[%swap3A_363, %swap3A_364], %swap3A_367 {strides = array<i32>} : memref<128x128xf32, #tpu.memory_space<vmem>>, vector<1x16xf32>,
    %mul3A_368 = arith.constant 5.000000e-03 : f32
    %mul3A_369 = vector.broadcast %mul3A_368 : f32 to vector<16xf32>
    %mul3A_370 = arith.mulf %scan3A_312#6, %mul3A_369 : vector<16xf32>
    %swap3A_371 = arith.constant 125 : i32
    %swap3A_372 = arith.index_cast %swap3A_371 : i32 to index
    %swap3A_373 = arith.constant 96 : index
    %swap3A_374 = tpu.vector_load %arg9[%swap3A_372, %swap3A_373] {strides = array<i32>} : memref<128x128xf32, #tpu.memory_space<vmem>>, vector<1x16xf32>,
    %swap3A_375 = vector.shape_cast %swap3A_374 : vector<1x16xf32> to vector<16xf32>
    %swap3A_376 = vector.shape_cast %mul3A_370 : vector<16xf32> to vector<1x16xf32>
    tpu.vector_store %arg9[%swap3A_372, %swap3A_373], %swap3A_376 {strides = array<i32>} : memref<128x128xf32, #tpu.memory_space<vmem>>, vector<1x16xf32>,
    %mul3A_377 = arith.constant 5.000000e-03 : f32
    %mul3A_378 = vector.broadcast %mul3A_377 : f32 to vector<16xf32>
    %mul3A_379 = arith.mulf %scan3A_312#7, %mul3A_378 : vector<16xf32>
    %swap3A_380 = arith.constant 125 : i32
    %swap3A_381 = arith.index_cast %swap3A_380 : i32 to index
    %swap3A_382 = arith.constant 112 : index
    %swap3A_383 = tpu.vector_load %arg9[%swap3A_381, %swap3A_382] {strides = array<i32>} : memref<128x128xf32, #tpu.memory_space<vmem>>, vector<1x16xf32>,
    %swap3A_384 = vector.shape_cast %swap3A_383 : vector<1x16xf32> to vector<16xf32>
    %swap3A_385 = vector.shape_cast %mul3A_379 : vector<16xf32> to vector<1x16xf32>
    tpu.vector_store %arg9[%swap3A_381, %swap3A_382], %swap3A_385 {strides = array<i32>} : memref<128x128xf32, #tpu.memory_space<vmem>>, vector<1x16xf32>,
    %dma_wait3A_386 = arith.constant 0 : i32
    %dma_wait3A_387 = arith.constant 0 : i32
    %dma_wait3A_388 = tpu.memref_slice %arg3[%dma_wait3A_386, %dma_wait3A_387] : memref<100000x128xf32, #tpu.memory_space<hbm>> -> memref<200x128xf32, #tpu.memory_space<hbm>>
    %dma_wait3A_389 = arith.constant 0 : i32
    %dma_wait3A_390 = arith.constant 0 : i32
    %dma_wait3A_391 = tpu.memref_slice %arg3[%dma_wait3A_389, %dma_wait3A_390] : memref<100000x128xf32, #tpu.memory_space<hbm>> -> memref<200x128xf32, #tpu.memory_space<hbm>>
    tpu.wait_dma2 semaphore(%arg10 : memref<!tpu.dma_semaphore, #tpu.memory_space<semaphore_mem>>) src(%dma_wait3A_391 : memref<200x128xf32, #tpu.memory_space<hbm>>) dst(%arg6 : memref<200x128xf32, #tpu.memory_space<vmem>>)
    %broadcast_in_dim3A_392 = arith.constant 0.000000e+00 : f32
    %broadcast_in_dim3A_393 = vector.broadcast %broadcast_in_dim3A_392 : f32 to vector<16xf32>
    %broadcast_in_dim3A_394 = arith.constant 0.000000e+00 : f32
    %broadcast_in_dim3A_395 = vector.broadcast %broadcast_in_dim3A_394 : f32 to vector<16xf32>
    %broadcast_in_dim3A_396 = arith.constant 0.000000e+00 : f32
    %broadcast_in_dim3A_397 = vector.broadcast %broadcast_in_dim3A_396 : f32 to vector<16xf32>
    %broadcast_in_dim3A_398 = arith.constant 0.000000e+00 : f32
    %broadcast_in_dim3A_399 = vector.broadcast %broadcast_in_dim3A_398 : f32 to vector<16xf32>
    %broadcast_in_dim3A_400 = arith.constant 0.000000e+00 : f32
    %broadcast_in_dim3A_401 = vector.broadcast %broadcast_in_dim3A_400 : f32 to vector<16xf32>
    %broadcast_in_dim3A_402 = arith.constant 0.000000e+00 : f32
    %broadcast_in_dim3A_403 = vector.broadcast %broadcast_in_dim3A_402 : f32 to vector<16xf32>
    %broadcast_in_dim3A_404 = arith.constant 0.000000e+00 : f32
    %broadcast_in_dim3A_405 = vector.broadcast %broadcast_in_dim3A_404 : f32 to vector<16xf32>
    %broadcast_in_dim3A_406 = arith.constant 0.000000e+00 : f32
    %broadcast_in_dim3A_407 = vector.broadcast %broadcast_in_dim3A_406 : f32 to vector<16xf32>
    %scan3A_408 = arith.constant 0 : i32
    %scan3A_409 = arith.constant 200 : i32
    %scan3A_410 = arith.addi %scan3A_408, %scan3A_409 : i32
    %scan3A_411 = arith.constant 4 : i32
    %scan3A_412:8 = scf.for %scan3A_586 = %scan3A_408 to %scan3A_410 step %scan3A_411 iter_args(%scan3A_587 = %broadcast_in_dim3A_393, %scan3A_588 = %broadcast_in_dim3A_395, %scan3A_589 = %broadcast_in_dim3A_397, %scan3A_590 = %broadcast_in_dim3A_399, %scan3A_591 = %broadcast_in_dim3A_401, %scan3A_592 = %broadcast_in_dim3A_403, %scan3A_593 = %broadcast_in_dim3A_405, %scan3A_594 = %broadcast_in_dim3A_407) -> (vector<16xf32>, vector<16xf32>, vector<16xf32>, vector<16xf32>, vector<16xf32>, vector<16xf32>, vector<16xf32>, vector<16xf32>)  : i32 {
      %get3A = arith.index_cast %scan3A_586 : i32 to index
      %get3A_595 = arith.constant 0 : index
      %get3A_596 = tpu.vector_load %arg6[%get3A, %get3A_595] {strides = array<i32>} : memref<200x128xf32, #tpu.memory_space<vmem>>, vector<1x16xf32>,
      %get3A_597 = vector.shape_cast %get3A_596 : vector<1x16xf32> to vector<16xf32>
      %add3A_598 = arith.addf %scan3A_587, %get3A_597 : vector<16xf32>
      %get3A_599 = arith.index_cast %scan3A_586 : i32 to index
      %get3A_600 = arith.constant 16 : index
      %get3A_601 = tpu.vector_load %arg6[%get3A_599, %get3A_600] {strides = array<i32>} : memref<200x128xf32, #tpu.memory_space<vmem>>, vector<1x16xf32>,
      %get3A_602 = vector.shape_cast %get3A_601 : vector<1x16xf32> to vector<16xf32>
      %add3A_603 = arith.addf %scan3A_588, %get3A_602 : vector<16xf32>
      %get3A_604 = arith.index_cast %scan3A_586 : i32 to index
      %get3A_605 = arith.constant 32 : index
      %get3A_606 = tpu.vector_load %arg6[%get3A_604, %get3A_605] {strides = array<i32>} : memref<200x128xf32, #tpu.memory_space<vmem>>, vector<1x16xf32>,
      %get3A_607 = vector.shape_cast %get3A_606 : vector<1x16xf32> to vector<16xf32>
      %add3A_608 = arith.addf %scan3A_589, %get3A_607 : vector<16xf32>
      %get3A_609 = arith.index_cast %scan3A_586 : i32 to index
      %get3A_610 = arith.constant 48 : index
      %get3A_611 = tpu.vector_load %arg6[%get3A_609, %get3A_610] {strides = array<i32>} : memref<200x128xf32, #tpu.memory_space<vmem>>, vector<1x16xf32>,
      %get3A_612 = vector.shape_cast %get3A_611 : vector<1x16xf32> to vector<16xf32>
      %add3A_613 = arith.addf %scan3A_590, %get3A_612 : vector<16xf32>
      %get3A_614 = arith.index_cast %scan3A_586 : i32 to index
      %get3A_615 = arith.constant 64 : index
      %get3A_616 = tpu.vector_load %arg6[%get3A_614, %get3A_615] {strides = array<i32>} : memref<200x128xf32, #tpu.memory_space<vmem>>, vector<1x16xf32>,
      %get3A_617 = vector.shape_cast %get3A_616 : vector<1x16xf32> to vector<16xf32>
      %add3A_618 = arith.addf %scan3A_591, %get3A_617 : vector<16xf32>
      %get3A_619 = arith.index_cast %scan3A_586 : i32 to index
      %get3A_620 = arith.constant 80 : index
      %get3A_621 = tpu.vector_load %arg6[%get3A_619, %get3A_620] {strides = array<i32>} : memref<200x128xf32, #tpu.memory_space<vmem>>, vector<1x16xf32>,
      %get3A_622 = vector.shape_cast %get3A_621 : vector<1x16xf32> to vector<16xf32>
      %add3A_623 = arith.addf %scan3A_592, %get3A_622 : vector<16xf32>
      %get3A_624 = arith.index_cast %scan3A_586 : i32 to index
      %get3A_625 = arith.constant 96 : index
      %get3A_626 = tpu.vector_load %arg6[%get3A_624, %get3A_625] {strides = array<i32>} : memref<200x128xf32, #tpu.memory_space<vmem>>, vector<1x16xf32>,
      %get3A_627 = vector.shape_cast %get3A_626 : vector<1x16xf32> to vector<16xf32>
      %add3A_628 = arith.addf %scan3A_593, %get3A_627 : vector<16xf32>
      %get3A_629 = arith.index_cast %scan3A_586 : i32 to index
      %get3A_630 = arith.constant 112 : index
      %get3A_631 = tpu.vector_load %arg6[%get3A_629, %get3A_630] {strides = array<i32>} : memref<200x128xf32, #tpu.memory_space<vmem>>, vector<1x16xf32>,
      %get3A_632 = vector.shape_cast %get3A_631 : vector<1x16xf32> to vector<16xf32>
      %add3A_633 = arith.addf %scan3A_594, %get3A_632 : vector<16xf32>
      %scan3A_634 = arith.constant 1 : i32
      %scan3A_635 = arith.addi %scan3A_586, %scan3A_634 : i32
      %get3A_636 = arith.index_cast %scan3A_635 : i32 to index
      %get3A_637 = arith.constant 0 : index
      %get3A_638 = tpu.vector_load %arg6[%get3A_636, %get3A_637] {strides = array<i32>} : memref<200x128xf32, #tpu.memory_space<vmem>>, vector<1x16xf32>,
      %get3A_639 = vector.shape_cast %get3A_638 : vector<1x16xf32> to vector<16xf32>
      %add3A_640 = arith.addf %add3A_598, %get3A_639 : vector<16xf32>
      %get3A_641 = arith.index_cast %scan3A_635 : i32 to index
      %get3A_642 = arith.constant 16 : index
      %get3A_643 = tpu.vector_load %arg6[%get3A_641, %get3A_642] {strides = array<i32>} : memref<200x128xf32, #tpu.memory_space<vmem>>, vector<1x16xf32>,
      %get3A_644 = vector.shape_cast %get3A_643 : vector<1x16xf32> to vector<16xf32>
      %add3A_645 = arith.addf %add3A_603, %get3A_644 : vector<16xf32>
      %get3A_646 = arith.index_cast %scan3A_635 : i32 to index
      %get3A_647 = arith.constant 32 : index
      %get3A_648 = tpu.vector_load %arg6[%get3A_646, %get3A_647] {strides = array<i32>} : memref<200x128xf32, #tpu.memory_space<vmem>>, vector<1x16xf32>,
      %get3A_649 = vector.shape_cast %get3A_648 : vector<1x16xf32> to vector<16xf32>
      %add3A_650 = arith.addf %add3A_608, %get3A_649 : vector<16xf32>
      %get3A_651 = arith.index_cast %scan3A_635 : i32 to index
      %get3A_652 = arith.constant 48 : index
      %get3A_653 = tpu.vector_load %arg6[%get3A_651, %get3A_652] {strides = array<i32>} : memref<200x128xf32, #tpu.memory_space<vmem>>, vector<1x16xf32>,
      %get3A_654 = vector.shape_cast %get3A_653 : vector<1x16xf32> to vector<16xf32>
      %add3A_655 = arith.addf %add3A_613, %get3A_654 : vector<16xf32>
      %get3A_656 = arith.index_cast %scan3A_635 : i32 to index
      %get3A_657 = arith.constant 64 : index
      %get3A_658 = tpu.vector_load %arg6[%get3A_656, %get3A_657] {strides = array<i32>} : memref<200x128xf32, #tpu.memory_space<vmem>>, vector<1x16xf32>,
      %get3A_659 = vector.shape_cast %get3A_658 : vector<1x16xf32> to vector<16xf32>
      %add3A_660 = arith.addf %add3A_618, %get3A_659 : vector<16xf32>
      %get3A_661 = arith.index_cast %scan3A_635 : i32 to index
      %get3A_662 = arith.constant 80 : index
      %get3A_663 = tpu.vector_load %arg6[%get3A_661, %get3A_662] {strides = array<i32>} : memref<200x128xf32, #tpu.memory_space<vmem>>, vector<1x16xf32>,
      %get3A_664 = vector.shape_cast %get3A_663 : vector<1x16xf32> to vector<16xf32>
      %add3A_665 = arith.addf %add3A_623, %get3A_664 : vector<16xf32>
      %get3A_666 = arith.index_cast %scan3A_635 : i32 to index
      %get3A_667 = arith.constant 96 : index
      %get3A_668 = tpu.vector_load %arg6[%get3A_666, %get3A_667] {strides = array<i32>} : memref<200x128xf32, #tpu.memory_space<vmem>>, vector<1x16xf32>,
      %get3A_669 = vector.shape_cast %get3A_668 : vector<1x16xf32> to vector<16xf32>
      %add3A_670 = arith.addf %add3A_628, %get3A_669 : vector<16xf32>
      %get3A_671 = arith.index_cast %scan3A_635 : i32 to index
      %get3A_672 = arith.constant 112 : index
      %get3A_673 = tpu.vector_load %arg6[%get3A_671, %get3A_672] {strides = array<i32>} : memref<200x128xf32, #tpu.memory_space<vmem>>, vector<1x16xf32>,
      %get3A_674 = vector.shape_cast %get3A_673 : vector<1x16xf32> to vector<16xf32>
      %add3A_675 = arith.addf %add3A_633, %get3A_674 : vector<16xf32>
      %scan3A_676 = arith.constant 2 : i32
      %scan3A_677 = arith.addi %scan3A_586, %scan3A_676 : i32
      %get3A_678 = arith.index_cast %scan3A_677 : i32 to index
      %get3A_679 = arith.constant 0 : index
      %get3A_680 = tpu.vector_load %arg6[%get3A_678, %get3A_679] {strides = array<i32>} : memref<200x128xf32, #tpu.memory_space<vmem>>, vector<1x16xf32>,
      %get3A_681 = vector.shape_cast %get3A_680 : vector<1x16xf32> to vector<16xf32>
      %add3A_682 = arith.addf %add3A_640, %get3A_681 : vector<16xf32>
      %get3A_683 = arith.index_cast %scan3A_677 : i32 to index
      %get3A_684 = arith.constant 16 : index
      %get3A_685 = tpu.vector_load %arg6[%get3A_683, %get3A_684] {strides = array<i32>} : memref<200x128xf32, #tpu.memory_space<vmem>>, vector<1x16xf32>,
      %get3A_686 = vector.shape_cast %get3A_685 : vector<1x16xf32> to vector<16xf32>
      %add3A_687 = arith.addf %add3A_645, %get3A_686 : vector<16xf32>
      %get3A_688 = arith.index_cast %scan3A_677 : i32 to index
      %get3A_689 = arith.constant 32 : index
      %get3A_690 = tpu.vector_load %arg6[%get3A_688, %get3A_689] {strides = array<i32>} : memref<200x128xf32, #tpu.memory_space<vmem>>, vector<1x16xf32>,
      %get3A_691 = vector.shape_cast %get3A_690 : vector<1x16xf32> to vector<16xf32>
      %add3A_692 = arith.addf %add3A_650, %get3A_691 : vector<16xf32>
      %get3A_693 = arith.index_cast %scan3A_677 : i32 to index
      %get3A_694 = arith.constant 48 : index
      %get3A_695 = tpu.vector_load %arg6[%get3A_693, %get3A_694] {strides = array<i32>} : memref<200x128xf32, #tpu.memory_space<vmem>>, vector<1x16xf32>,
      %get3A_696 = vector.shape_cast %get3A_695 : vector<1x16xf32> to vector<16xf32>
      %add3A_697 = arith.addf %add3A_655, %get3A_696 : vector<16xf32>
      %get3A_698 = arith.index_cast %scan3A_677 : i32 to index
      %get3A_699 = arith.constant 64 : index
      %get3A_700 = tpu.vector_load %arg6[%get3A_698, %get3A_699] {strides = array<i32>} : memref<200x128xf32, #tpu.memory_space<vmem>>, vector<1x16xf32>,
      %get3A_701 = vector.shape_cast %get3A_700 : vector<1x16xf32> to vector<16xf32>
      %add3A_702 = arith.addf %add3A_660, %get3A_701 : vector<16xf32>
      %get3A_703 = arith.index_cast %scan3A_677 : i32 to index
      %get3A_704 = arith.constant 80 : index
      %get3A_705 = tpu.vector_load %arg6[%get3A_703, %get3A_704] {strides = array<i32>} : memref<200x128xf32, #tpu.memory_space<vmem>>, vector<1x16xf32>,
      %get3A_706 = vector.shape_cast %get3A_705 : vector<1x16xf32> to vector<16xf32>
      %add3A_707 = arith.addf %add3A_665, %get3A_706 : vector<16xf32>
      %get3A_708 = arith.index_cast %scan3A_677 : i32 to index
      %get3A_709 = arith.constant 96 : index
      %get3A_710 = tpu.vector_load %arg6[%get3A_708, %get3A_709] {strides = array<i32>} : memref<200x128xf32, #tpu.memory_space<vmem>>, vector<1x16xf32>,
      %get3A_711 = vector.shape_cast %get3A_710 : vector<1x16xf32> to vector<16xf32>
      %add3A_712 = arith.addf %add3A_670, %get3A_711 : vector<16xf32>
      %get3A_713 = arith.index_cast %scan3A_677 : i32 to index
      %get3A_714 = arith.constant 112 : index
      %get3A_715 = tpu.vector_load %arg6[%get3A_713, %get3A_714] {strides = array<i32>} : memref<200x128xf32, #tpu.memory_space<vmem>>, vector<1x16xf32>,
      %get3A_716 = vector.shape_cast %get3A_715 : vector<1x16xf32> to vector<16xf32>
      %add3A_717 = arith.addf %add3A_675, %get3A_716 : vector<16xf32>
      %scan3A_718 = arith.constant 3 : i32
      %scan3A_719 = arith.addi %scan3A_586, %scan3A_718 : i32
      %get3A_720 = arith.index_cast %scan3A_719 : i32 to index
      %get3A_721 = arith.constant 0 : index
      %get3A_722 = tpu.vector_load %arg6[%get3A_720, %get3A_721] {strides = array<i32>} : memref<200x128xf32, #tpu.memory_space<vmem>>, vector<1x16xf32>,
      %get3A_723 = vector.shape_cast %get3A_722 : vector<1x16xf32> to vector<16xf32>
      %add3A_724 = arith.addf %add3A_682, %get3A_723 : vector<16xf32>
      %get3A_725 = arith.index_cast %scan3A_719 : i32 to index
      %get3A_726 = arith.constant 16 : index
      %get3A_727 = tpu.vector_load %arg6[%get3A_725, %get3A_726] {strides = array<i32>} : memref<200x128xf32, #tpu.memory_space<vmem>>, vector<1x16xf32>,
      %get3A_728 = vector.shape_cast %get3A_727 : vector<1x16xf32> to vector<16xf32>
      %add3A_729 = arith.addf %add3A_687, %get3A_728 : vector<16xf32>
      %get3A_730 = arith.index_cast %scan3A_719 : i32 to index
      %get3A_731 = arith.constant 32 : index
      %get3A_732 = tpu.vector_load %arg6[%get3A_730, %get3A_731] {strides = array<i32>} : memref<200x128xf32, #tpu.memory_space<vmem>>, vector<1x16xf32>,
      %get3A_733 = vector.shape_cast %get3A_732 : vector<1x16xf32> to vector<16xf32>
      %add3A_734 = arith.addf %add3A_692, %get3A_733 : vector<16xf32>
      %get3A_735 = arith.index_cast %scan3A_719 : i32 to index
      %get3A_736 = arith.constant 48 : index
      %get3A_737 = tpu.vector_load %arg6[%get3A_735, %get3A_736] {strides = array<i32>} : memref<200x128xf32, #tpu.memory_space<vmem>>, vector<1x16xf32>,
      %get3A_738 = vector.shape_cast %get3A_737 : vector<1x16xf32> to vector<16xf32>
      %add3A_739 = arith.addf %add3A_697, %get3A_738 : vector<16xf32>
      %get3A_740 = arith.index_cast %scan3A_719 : i32 to index
      %get3A_741 = arith.constant 64 : index
      %get3A_742 = tpu.vector_load %arg6[%get3A_740, %get3A_741] {strides = array<i32>} : memref<200x128xf32, #tpu.memory_space<vmem>>, vector<1x16xf32>,
      %get3A_743 = vector.shape_cast %get3A_742 : vector<1x16xf32> to vector<16xf32>
      %add3A_744 = arith.addf %add3A_702, %get3A_743 : vector<16xf32>
      %get3A_745 = arith.index_cast %scan3A_719 : i32 to index
      %get3A_746 = arith.constant 80 : index
      %get3A_747 = tpu.vector_load %arg6[%get3A_745, %get3A_746] {strides = array<i32>} : memref<200x128xf32, #tpu.memory_space<vmem>>, vector<1x16xf32>,
      %get3A_748 = vector.shape_cast %get3A_747 : vector<1x16xf32> to vector<16xf32>
      %add3A_749 = arith.addf %add3A_707, %get3A_748 : vector<16xf32>
      %get3A_750 = arith.index_cast %scan3A_719 : i32 to index
      %get3A_751 = arith.constant 96 : index
      %get3A_752 = tpu.vector_load %arg6[%get3A_750, %get3A_751] {strides = array<i32>} : memref<200x128xf32, #tpu.memory_space<vmem>>, vector<1x16xf32>,
      %get3A_753 = vector.shape_cast %get3A_752 : vector<1x16xf32> to vector<16xf32>
      %add3A_754 = arith.addf %add3A_712, %get3A_753 : vector<16xf32>
      %get3A_755 = arith.index_cast %scan3A_719 : i32 to index
      %get3A_756 = arith.constant 112 : index
      %get3A_757 = tpu.vector_load %arg6[%get3A_755, %get3A_756] {strides = array<i32>} : memref<200x128xf32, #tpu.memory_space<vmem>>, vector<1x16xf32>,
      %get3A_758 = vector.shape_cast %get3A_757 : vector<1x16xf32> to vector<16xf32>
      %add3A_759 = arith.addf %add3A_717, %get3A_758 : vector<16xf32>
      scf.yield %add3A_724, %add3A_729, %add3A_734, %add3A_739, %add3A_744, %add3A_749, %add3A_754, %add3A_759 : vector<16xf32>, vector<16xf32>, vector<16xf32>, vector<16xf32>, vector<16xf32>, vector<16xf32>, vector<16xf32>, vector<16xf32>
    }
    %scan3A_413 = arith.constant 200 : i32
    %mul3A_414 = arith.constant 5.000000e-03 : f32
    %mul3A_415 = vector.broadcast %mul3A_414 : f32 to vector<16xf32>
    %mul3A_416 = arith.mulf %scan3A_412#0, %mul3A_415 : vector<16xf32>
    %swap3A_417 = arith.constant 126 : i32
    %swap3A_418 = arith.index_cast %swap3A_417 : i32 to index
    %swap3A_419 = arith.constant 0 : index
    %swap3A_420 = tpu.vector_load %arg9[%swap3A_418, %swap3A_419] {strides = array<i32>} : memref<128x128xf32, #tpu.memory_space<vmem>>, vector<1x16xf32>,
    %swap3A_421 = vector.shape_cast %swap3A_420 : vector<1x16xf32> to vector<16xf32>
    %swap3A_422 = vector.shape_cast %mul3A_416 : vector<16xf32> to vector<1x16xf32>
    tpu.vector_store %arg9[%swap3A_418, %swap3A_419], %swap3A_422 {strides = array<i32>} : memref<128x128xf32, #tpu.memory_space<vmem>>, vector<1x16xf32>,
    %mul3A_423 = arith.constant 5.000000e-03 : f32
    %mul3A_424 = vector.broadcast %mul3A_423 : f32 to vector<16xf32>
    %mul3A_425 = arith.mulf %scan3A_412#1, %mul3A_424 : vector<16xf32>
    %swap3A_426 = arith.constant 126 : i32
    %swap3A_427 = arith.index_cast %swap3A_426 : i32 to index
    %swap3A_428 = arith.constant 16 : index
    %swap3A_429 = tpu.vector_load %arg9[%swap3A_427, %swap3A_428] {strides = array<i32>} : memref<128x128xf32, #tpu.memory_space<vmem>>, vector<1x16xf32>,
    %swap3A_430 = vector.shape_cast %swap3A_429 : vector<1x16xf32> to vector<16xf32>
    %swap3A_431 = vector.shape_cast %mul3A_425 : vector<16xf32> to vector<1x16xf32>
    tpu.vector_store %arg9[%swap3A_427, %swap3A_428], %swap3A_431 {strides = array<i32>} : memref<128x128xf32, #tpu.memory_space<vmem>>, vector<1x16xf32>,
    %mul3A_432 = arith.constant 5.000000e-03 : f32
    %mul3A_433 = vector.broadcast %mul3A_432 : f32 to vector<16xf32>
    %mul3A_434 = arith.mulf %scan3A_412#2, %mul3A_433 : vector<16xf32>
    %swap3A_435 = arith.constant 126 : i32
    %swap3A_436 = arith.index_cast %swap3A_435 : i32 to index
    %swap3A_437 = arith.constant 32 : index
    %swap3A_438 = tpu.vector_load %arg9[%swap3A_436, %swap3A_437] {strides = array<i32>} : memref<128x128xf32, #tpu.memory_space<vmem>>, vector<1x16xf32>,
    %swap3A_439 = vector.shape_cast %swap3A_438 : vector<1x16xf32> to vector<16xf32>
    %swap3A_440 = vector.shape_cast %mul3A_434 : vector<16xf32> to vector<1x16xf32>
    tpu.vector_store %arg9[%swap3A_436, %swap3A_437], %swap3A_440 {strides = array<i32>} : memref<128x128xf32, #tpu.memory_space<vmem>>, vector<1x16xf32>,
    %mul3A_441 = arith.constant 5.000000e-03 : f32
    %mul3A_442 = vector.broadcast %mul3A_441 : f32 to vector<16xf32>
    %mul3A_443 = arith.mulf %scan3A_412#3, %mul3A_442 : vector<16xf32>
    %swap3A_444 = arith.constant 126 : i32
    %swap3A_445 = arith.index_cast %swap3A_444 : i32 to index
    %swap3A_446 = arith.constant 48 : index
    %swap3A_447 = tpu.vector_load %arg9[%swap3A_445, %swap3A_446] {strides = array<i32>} : memref<128x128xf32, #tpu.memory_space<vmem>>, vector<1x16xf32>,
    %swap3A_448 = vector.shape_cast %swap3A_447 : vector<1x16xf32> to vector<16xf32>
    %swap3A_449 = vector.shape_cast %mul3A_443 : vector<16xf32> to vector<1x16xf32>
    tpu.vector_store %arg9[%swap3A_445, %swap3A_446], %swap3A_449 {strides = array<i32>} : memref<128x128xf32, #tpu.memory_space<vmem>>, vector<1x16xf32>,
    %mul3A_450 = arith.constant 5.000000e-03 : f32
    %mul3A_451 = vector.broadcast %mul3A_450 : f32 to vector<16xf32>
    %mul3A_452 = arith.mulf %scan3A_412#4, %mul3A_451 : vector<16xf32>
    %swap3A_453 = arith.constant 126 : i32
    %swap3A_454 = arith.index_cast %swap3A_453 : i32 to index
    %swap3A_455 = arith.constant 64 : index
    %swap3A_456 = tpu.vector_load %arg9[%swap3A_454, %swap3A_455] {strides = array<i32>} : memref<128x128xf32, #tpu.memory_space<vmem>>, vector<1x16xf32>,
    %swap3A_457 = vector.shape_cast %swap3A_456 : vector<1x16xf32> to vector<16xf32>
    %swap3A_458 = vector.shape_cast %mul3A_452 : vector<16xf32> to vector<1x16xf32>
    tpu.vector_store %arg9[%swap3A_454, %swap3A_455], %swap3A_458 {strides = array<i32>} : memref<128x128xf32, #tpu.memory_space<vmem>>, vector<1x16xf32>,
    %mul3A_459 = arith.constant 5.000000e-03 : f32
    %mul3A_460 = vector.broadcast %mul3A_459 : f32 to vector<16xf32>
    %mul3A_461 = arith.mulf %scan3A_412#5, %mul3A_460 : vector<16xf32>
    %swap3A_462 = arith.constant 126 : i32
    %swap3A_463 = arith.index_cast %swap3A_462 : i32 to index
    %swap3A_464 = arith.constant 80 : index
    %swap3A_465 = tpu.vector_load %arg9[%swap3A_463, %swap3A_464] {strides = array<i32>} : memref<128x128xf32, #tpu.memory_space<vmem>>, vector<1x16xf32>,
    %swap3A_466 = vector.shape_cast %swap3A_465 : vector<1x16xf32> to vector<16xf32>
    %swap3A_467 = vector.shape_cast %mul3A_461 : vector<16xf32> to vector<1x16xf32>
    tpu.vector_store %arg9[%swap3A_463, %swap3A_464], %swap3A_467 {strides = array<i32>} : memref<128x128xf32, #tpu.memory_space<vmem>>, vector<1x16xf32>,
    %mul3A_468 = arith.constant 5.000000e-03 : f32
    %mul3A_469 = vector.broadcast %mul3A_468 : f32 to vector<16xf32>
    %mul3A_470 = arith.mulf %scan3A_412#6, %mul3A_469 : vector<16xf32>
    %swap3A_471 = arith.constant 126 : i32
    %swap3A_472 = arith.index_cast %swap3A_471 : i32 to index
    %swap3A_473 = arith.constant 96 : index
    %swap3A_474 = tpu.vector_load %arg9[%swap3A_472, %swap3A_473] {strides = array<i32>} : memref<128x128xf32, #tpu.memory_space<vmem>>, vector<1x16xf32>,
    %swap3A_475 = vector.shape_cast %swap3A_474 : vector<1x16xf32> to vector<16xf32>
    %swap3A_476 = vector.shape_cast %mul3A_470 : vector<16xf32> to vector<1x16xf32>
    tpu.vector_store %arg9[%swap3A_472, %swap3A_473], %swap3A_476 {strides = array<i32>} : memref<128x128xf32, #tpu.memory_space<vmem>>, vector<1x16xf32>,
    %mul3A_477 = arith.constant 5.000000e-03 : f32
    %mul3A_478 = vector.broadcast %mul3A_477 : f32 to vector<16xf32>
    %mul3A_479 = arith.mulf %scan3A_412#7, %mul3A_478 : vector<16xf32>
    %swap3A_480 = arith.constant 126 : i32
    %swap3A_481 = arith.index_cast %swap3A_480 : i32 to index
    %swap3A_482 = arith.constant 112 : index
    %swap3A_483 = tpu.vector_load %arg9[%swap3A_481, %swap3A_482] {strides = array<i32>} : memref<128x128xf32, #tpu.memory_space<vmem>>, vector<1x16xf32>,
    %swap3A_484 = vector.shape_cast %swap3A_483 : vector<1x16xf32> to vector<16xf32>
    %swap3A_485 = vector.shape_cast %mul3A_479 : vector<16xf32> to vector<1x16xf32>
    tpu.vector_store %arg9[%swap3A_481, %swap3A_482], %swap3A_485 {strides = array<i32>} : memref<128x128xf32, #tpu.memory_space<vmem>>, vector<1x16xf32>,
    %dma_wait3A_486 = arith.constant 0 : i32
    %dma_wait3A_487 = arith.constant 0 : i32
    %dma_wait3A_488 = tpu.memref_slice %arg3[%dma_wait3A_486, %dma_wait3A_487] : memref<100000x128xf32, #tpu.memory_space<hbm>> -> memref<200x128xf32, #tpu.memory_space<hbm>>
    %dma_wait3A_489 = arith.constant 0 : i32
    %dma_wait3A_490 = arith.constant 0 : i32
    %dma_wait3A_491 = tpu.memref_slice %arg3[%dma_wait3A_489, %dma_wait3A_490] : memref<100000x128xf32, #tpu.memory_space<hbm>> -> memref<200x128xf32, #tpu.memory_space<hbm>>
    tpu.wait_dma2 semaphore(%arg11 : memref<!tpu.dma_semaphore, #tpu.memory_space<semaphore_mem>>) src(%dma_wait3A_491 : memref<200x128xf32, #tpu.memory_space<hbm>>) dst(%arg7 : memref<200x128xf32, #tpu.memory_space<vmem>>)
    %broadcast_in_dim3A_492 = arith.constant 0.000000e+00 : f32
    %broadcast_in_dim3A_493 = vector.broadcast %broadcast_in_dim3A_492 : f32 to vector<16xf32>
    %broadcast_in_dim3A_494 = arith.constant 0.000000e+00 : f32
    %broadcast_in_dim3A_495 = vector.broadcast %broadcast_in_dim3A_494 : f32 to vector<16xf32>
    %broadcast_in_dim3A_496 = arith.constant 0.000000e+00 : f32
    %broadcast_in_dim3A_497 = vector.broadcast %broadcast_in_dim3A_496 : f32 to vector<16xf32>
    %broadcast_in_dim3A_498 = arith.constant 0.000000e+00 : f32
    %broadcast_in_dim3A_499 = vector.broadcast %broadcast_in_dim3A_498 : f32 to vector<16xf32>
    %broadcast_in_dim3A_500 = arith.constant 0.000000e+00 : f32
    %broadcast_in_dim3A_501 = vector.broadcast %broadcast_in_dim3A_500 : f32 to vector<16xf32>
    %broadcast_in_dim3A_502 = arith.constant 0.000000e+00 : f32
    %broadcast_in_dim3A_503 = vector.broadcast %broadcast_in_dim3A_502 : f32 to vector<16xf32>
    %broadcast_in_dim3A_504 = arith.constant 0.000000e+00 : f32
    %broadcast_in_dim3A_505 = vector.broadcast %broadcast_in_dim3A_504 : f32 to vector<16xf32>
    %broadcast_in_dim3A_506 = arith.constant 0.000000e+00 : f32
    %broadcast_in_dim3A_507 = vector.broadcast %broadcast_in_dim3A_506 : f32 to vector<16xf32>
    %scan3A_508 = arith.constant 0 : i32
    %scan3A_509 = arith.constant 200 : i32
    %scan3A_510 = arith.addi %scan3A_508, %scan3A_509 : i32
    %scan3A_511 = arith.constant 4 : i32
    %scan3A_512:8 = scf.for %scan3A_586 = %scan3A_508 to %scan3A_510 step %scan3A_511 iter_args(%scan3A_587 = %broadcast_in_dim3A_493, %scan3A_588 = %broadcast_in_dim3A_495, %scan3A_589 = %broadcast_in_dim3A_497, %scan3A_590 = %broadcast_in_dim3A_499, %scan3A_591 = %broadcast_in_dim3A_501, %scan3A_592 = %broadcast_in_dim3A_503, %scan3A_593 = %broadcast_in_dim3A_505, %scan3A_594 = %broadcast_in_dim3A_507) -> (vector<16xf32>, vector<16xf32>, vector<16xf32>, vector<16xf32>, vector<16xf32>, vector<16xf32>, vector<16xf32>, vector<16xf32>)  : i32 {
      %get3A = arith.index_cast %scan3A_586 : i32 to index
      %get3A_595 = arith.constant 0 : index
      %get3A_596 = tpu.vector_load %arg7[%get3A, %get3A_595] {strides = array<i32>} : memref<200x128xf32, #tpu.memory_space<vmem>>, vector<1x16xf32>,
      %get3A_597 = vector.shape_cast %get3A_596 : vector<1x16xf32> to vector<16xf32>
      %add3A_598 = arith.addf %scan3A_587, %get3A_597 : vector<16xf32>
      %get3A_599 = arith.index_cast %scan3A_586 : i32 to index
      %get3A_600 = arith.constant 16 : index
      %get3A_601 = tpu.vector_load %arg7[%get3A_599, %get3A_600] {strides = array<i32>} : memref<200x128xf32, #tpu.memory_space<vmem>>, vector<1x16xf32>,
      %get3A_602 = vector.shape_cast %get3A_601 : vector<1x16xf32> to vector<16xf32>
      %add3A_603 = arith.addf %scan3A_588, %get3A_602 : vector<16xf32>
      %get3A_604 = arith.index_cast %scan3A_586 : i32 to index
      %get3A_605 = arith.constant 32 : index
      %get3A_606 = tpu.vector_load %arg7[%get3A_604, %get3A_605] {strides = array<i32>} : memref<200x128xf32, #tpu.memory_space<vmem>>, vector<1x16xf32>,
      %get3A_607 = vector.shape_cast %get3A_606 : vector<1x16xf32> to vector<16xf32>
      %add3A_608 = arith.addf %scan3A_589, %get3A_607 : vector<16xf32>
      %get3A_609 = arith.index_cast %scan3A_586 : i32 to index
      %get3A_610 = arith.constant 48 : index
      %get3A_611 = tpu.vector_load %arg7[%get3A_609, %get3A_610] {strides = array<i32>} : memref<200x128xf32, #tpu.memory_space<vmem>>, vector<1x16xf32>,
      %get3A_612 = vector.shape_cast %get3A_611 : vector<1x16xf32> to vector<16xf32>
      %add3A_613 = arith.addf %scan3A_590, %get3A_612 : vector<16xf32>
      %get3A_614 = arith.index_cast %scan3A_586 : i32 to index
      %get3A_615 = arith.constant 64 : index
      %get3A_616 = tpu.vector_load %arg7[%get3A_614, %get3A_615] {strides = array<i32>} : memref<200x128xf32, #tpu.memory_space<vmem>>, vector<1x16xf32>,
      %get3A_617 = vector.shape_cast %get3A_616 : vector<1x16xf32> to vector<16xf32>
      %add3A_618 = arith.addf %scan3A_591, %get3A_617 : vector<16xf32>
      %get3A_619 = arith.index_cast %scan3A_586 : i32 to index
      %get3A_620 = arith.constant 80 : index
      %get3A_621 = tpu.vector_load %arg7[%get3A_619, %get3A_620] {strides = array<i32>} : memref<200x128xf32, #tpu.memory_space<vmem>>, vector<1x16xf32>,
      %get3A_622 = vector.shape_cast %get3A_621 : vector<1x16xf32> to vector<16xf32>
      %add3A_623 = arith.addf %scan3A_592, %get3A_622 : vector<16xf32>
      %get3A_624 = arith.index_cast %scan3A_586 : i32 to index
      %get3A_625 = arith.constant 96 : index
      %get3A_626 = tpu.vector_load %arg7[%get3A_624, %get3A_625] {strides = array<i32>} : memref<200x128xf32, #tpu.memory_space<vmem>>, vector<1x16xf32>,
      %get3A_627 = vector.shape_cast %get3A_626 : vector<1x16xf32> to vector<16xf32>
      %add3A_628 = arith.addf %scan3A_593, %get3A_627 : vector<16xf32>
      %get3A_629 = arith.index_cast %scan3A_586 : i32 to index
      %get3A_630 = arith.constant 112 : index
      %get3A_631 = tpu.vector_load %arg7[%get3A_629, %get3A_630] {strides = array<i32>} : memref<200x128xf32, #tpu.memory_space<vmem>>, vector<1x16xf32>,
      %get3A_632 = vector.shape_cast %get3A_631 : vector<1x16xf32> to vector<16xf32>
      %add3A_633 = arith.addf %scan3A_594, %get3A_632 : vector<16xf32>
      %scan3A_634 = arith.constant 1 : i32
      %scan3A_635 = arith.addi %scan3A_586, %scan3A_634 : i32
      %get3A_636 = arith.index_cast %scan3A_635 : i32 to index
      %get3A_637 = arith.constant 0 : index
      %get3A_638 = tpu.vector_load %arg7[%get3A_636, %get3A_637] {strides = array<i32>} : memref<200x128xf32, #tpu.memory_space<vmem>>, vector<1x16xf32>,
      %get3A_639 = vector.shape_cast %get3A_638 : vector<1x16xf32> to vector<16xf32>
      %add3A_640 = arith.addf %add3A_598, %get3A_639 : vector<16xf32>
      %get3A_641 = arith.index_cast %scan3A_635 : i32 to index
      %get3A_642 = arith.constant 16 : index
      %get3A_643 = tpu.vector_load %arg7[%get3A_641, %get3A_642] {strides = array<i32>} : memref<200x128xf32, #tpu.memory_space<vmem>>, vector<1x16xf32>,
      %get3A_644 = vector.shape_cast %get3A_643 : vector<1x16xf32> to vector<16xf32>
      %add3A_645 = arith.addf %add3A_603, %get3A_644 : vector<16xf32>
      %get3A_646 = arith.index_cast %scan3A_635 : i32 to index
      %get3A_647 = arith.constant 32 : index
      %get3A_648 = tpu.vector_load %arg7[%get3A_646, %get3A_647] {strides = array<i32>} : memref<200x128xf32, #tpu.memory_space<vmem>>, vector<1x16xf32>,
      %get3A_649 = vector.shape_cast %get3A_648 : vector<1x16xf32> to vector<16xf32>
      %add3A_650 = arith.addf %add3A_608, %get3A_649 : vector<16xf32>
      %get3A_651 = arith.index_cast %scan3A_635 : i32 to index
      %get3A_652 = arith.constant 48 : index
      %get3A_653 = tpu.vector_load %arg7[%get3A_651, %get3A_652] {strides = array<i32>} : memref<200x128xf32, #tpu.memory_space<vmem>>, vector<1x16xf32>,
      %get3A_654 = vector.shape_cast %get3A_653 : vector<1x16xf32> to vector<16xf32>
      %add3A_655 = arith.addf %add3A_613, %get3A_654 : vector<16xf32>
      %get3A_656 = arith.index_cast %scan3A_635 : i32 to index
      %get3A_657 = arith.constant 64 : index
      %get3A_658 = tpu.vector_load %arg7[%get3A_656, %get3A_657] {strides = array<i32>} : memref<200x128xf32, #tpu.memory_space<vmem>>, vector<1x16xf32>,
      %get3A_659 = vector.shape_cast %get3A_658 : vector<1x16xf32> to vector<16xf32>
      %add3A_660 = arith.addf %add3A_618, %get3A_659 : vector<16xf32>
      %get3A_661 = arith.index_cast %scan3A_635 : i32 to index
      %get3A_662 = arith.constant 80 : index
      %get3A_663 = tpu.vector_load %arg7[%get3A_661, %get3A_662] {strides = array<i32>} : memref<200x128xf32, #tpu.memory_space<vmem>>, vector<1x16xf32>,
      %get3A_664 = vector.shape_cast %get3A_663 : vector<1x16xf32> to vector<16xf32>
      %add3A_665 = arith.addf %add3A_623, %get3A_664 : vector<16xf32>
      %get3A_666 = arith.index_cast %scan3A_635 : i32 to index
      %get3A_667 = arith.constant 96 : index
      %get3A_668 = tpu.vector_load %arg7[%get3A_666, %get3A_667] {strides = array<i32>} : memref<200x128xf32, #tpu.memory_space<vmem>>, vector<1x16xf32>,
      %get3A_669 = vector.shape_cast %get3A_668 : vector<1x16xf32> to vector<16xf32>
      %add3A_670 = arith.addf %add3A_628, %get3A_669 : vector<16xf32>
      %get3A_671 = arith.index_cast %scan3A_635 : i32 to index
      %get3A_672 = arith.constant 112 : index
      %get3A_673 = tpu.vector_load %arg7[%get3A_671, %get3A_672] {strides = array<i32>} : memref<200x128xf32, #tpu.memory_space<vmem>>, vector<1x16xf32>,
      %get3A_674 = vector.shape_cast %get3A_673 : vector<1x16xf32> to vector<16xf32>
      %add3A_675 = arith.addf %add3A_633, %get3A_674 : vector<16xf32>
      %scan3A_676 = arith.constant 2 : i32
      %scan3A_677 = arith.addi %scan3A_586, %scan3A_676 : i32
      %get3A_678 = arith.index_cast %scan3A_677 : i32 to index
      %get3A_679 = arith.constant 0 : index
      %get3A_680 = tpu.vector_load %arg7[%get3A_678, %get3A_679] {strides = array<i32>} : memref<200x128xf32, #tpu.memory_space<vmem>>, vector<1x16xf32>,
      %get3A_681 = vector.shape_cast %get3A_680 : vector<1x16xf32> to vector<16xf32>
      %add3A_682 = arith.addf %add3A_640, %get3A_681 : vector<16xf32>
      %get3A_683 = arith.index_cast %scan3A_677 : i32 to index
      %get3A_684 = arith.constant 16 : index
      %get3A_685 = tpu.vector_load %arg7[%get3A_683, %get3A_684] {strides = array<i32>} : memref<200x128xf32, #tpu.memory_space<vmem>>, vector<1x16xf32>,
      %get3A_686 = vector.shape_cast %get3A_685 : vector<1x16xf32> to vector<16xf32>
      %add3A_687 = arith.addf %add3A_645, %get3A_686 : vector<16xf32>
      %get3A_688 = arith.index_cast %scan3A_677 : i32 to index
      %get3A_689 = arith.constant 32 : index
      %get3A_690 = tpu.vector_load %arg7[%get3A_688, %get3A_689] {strides = array<i32>} : memref<200x128xf32, #tpu.memory_space<vmem>>, vector<1x16xf32>,
      %get3A_691 = vector.shape_cast %get3A_690 : vector<1x16xf32> to vector<16xf32>
      %add3A_692 = arith.addf %add3A_650, %get3A_691 : vector<16xf32>
      %get3A_693 = arith.index_cast %scan3A_677 : i32 to index
      %get3A_694 = arith.constant 48 : index
      %get3A_695 = tpu.vector_load %arg7[%get3A_693, %get3A_694] {strides = array<i32>} : memref<200x128xf32, #tpu.memory_space<vmem>>, vector<1x16xf32>,
      %get3A_696 = vector.shape_cast %get3A_695 : vector<1x16xf32> to vector<16xf32>
      %add3A_697 = arith.addf %add3A_655, %get3A_696 : vector<16xf32>
      %get3A_698 = arith.index_cast %scan3A_677 : i32 to index
      %get3A_699 = arith.constant 64 : index
      %get3A_700 = tpu.vector_load %arg7[%get3A_698, %get3A_699] {strides = array<i32>} : memref<200x128xf32, #tpu.memory_space<vmem>>, vector<1x16xf32>,
      %get3A_701 = vector.shape_cast %get3A_700 : vector<1x16xf32> to vector<16xf32>
      %add3A_702 = arith.addf %add3A_660, %get3A_701 : vector<16xf32>
      %get3A_703 = arith.index_cast %scan3A_677 : i32 to index
      %get3A_704 = arith.constant 80 : index
      %get3A_705 = tpu.vector_load %arg7[%get3A_703, %get3A_704] {strides = array<i32>} : memref<200x128xf32, #tpu.memory_space<vmem>>, vector<1x16xf32>,
      %get3A_706 = vector.shape_cast %get3A_705 : vector<1x16xf32> to vector<16xf32>
      %add3A_707 = arith.addf %add3A_665, %get3A_706 : vector<16xf32>
      %get3A_708 = arith.index_cast %scan3A_677 : i32 to index
      %get3A_709 = arith.constant 96 : index
      %get3A_710 = tpu.vector_load %arg7[%get3A_708, %get3A_709] {strides = array<i32>} : memref<200x128xf32, #tpu.memory_space<vmem>>, vector<1x16xf32>,
      %get3A_711 = vector.shape_cast %get3A_710 : vector<1x16xf32> to vector<16xf32>
      %add3A_712 = arith.addf %add3A_670, %get3A_711 : vector<16xf32>
      %get3A_713 = arith.index_cast %scan3A_677 : i32 to index
      %get3A_714 = arith.constant 112 : index
      %get3A_715 = tpu.vector_load %arg7[%get3A_713, %get3A_714] {strides = array<i32>} : memref<200x128xf32, #tpu.memory_space<vmem>>, vector<1x16xf32>,
      %get3A_716 = vector.shape_cast %get3A_715 : vector<1x16xf32> to vector<16xf32>
      %add3A_717 = arith.addf %add3A_675, %get3A_716 : vector<16xf32>
      %scan3A_718 = arith.constant 3 : i32
      %scan3A_719 = arith.addi %scan3A_586, %scan3A_718 : i32
      %get3A_720 = arith.index_cast %scan3A_719 : i32 to index
      %get3A_721 = arith.constant 0 : index
      %get3A_722 = tpu.vector_load %arg7[%get3A_720, %get3A_721] {strides = array<i32>} : memref<200x128xf32, #tpu.memory_space<vmem>>, vector<1x16xf32>,
      %get3A_723 = vector.shape_cast %get3A_722 : vector<1x16xf32> to vector<16xf32>
      %add3A_724 = arith.addf %add3A_682, %get3A_723 : vector<16xf32>
      %get3A_725 = arith.index_cast %scan3A_719 : i32 to index
      %get3A_726 = arith.constant 16 : index
      %get3A_727 = tpu.vector_load %arg7[%get3A_725, %get3A_726] {strides = array<i32>} : memref<200x128xf32, #tpu.memory_space<vmem>>, vector<1x16xf32>,
      %get3A_728 = vector.shape_cast %get3A_727 : vector<1x16xf32> to vector<16xf32>
      %add3A_729 = arith.addf %add3A_687, %get3A_728 : vector<16xf32>
      %get3A_730 = arith.index_cast %scan3A_719 : i32 to index
      %get3A_731 = arith.constant 32 : index
      %get3A_732 = tpu.vector_load %arg7[%get3A_730, %get3A_731] {strides = array<i32>} : memref<200x128xf32, #tpu.memory_space<vmem>>, vector<1x16xf32>,
      %get3A_733 = vector.shape_cast %get3A_732 : vector<1x16xf32> to vector<16xf32>
      %add3A_734 = arith.addf %add3A_692, %get3A_733 : vector<16xf32>
      %get3A_735 = arith.index_cast %scan3A_719 : i32 to index
      %get3A_736 = arith.constant 48 : index
      %get3A_737 = tpu.vector_load %arg7[%get3A_735, %get3A_736] {strides = array<i32>} : memref<200x128xf32, #tpu.memory_space<vmem>>, vector<1x16xf32>,
      %get3A_738 = vector.shape_cast %get3A_737 : vector<1x16xf32> to vector<16xf32>
      %add3A_739 = arith.addf %add3A_697, %get3A_738 : vector<16xf32>
      %get3A_740 = arith.index_cast %scan3A_719 : i32 to index
      %get3A_741 = arith.constant 64 : index
      %get3A_742 = tpu.vector_load %arg7[%get3A_740, %get3A_741] {strides = array<i32>} : memref<200x128xf32, #tpu.memory_space<vmem>>, vector<1x16xf32>,
      %get3A_743 = vector.shape_cast %get3A_742 : vector<1x16xf32> to vector<16xf32>
      %add3A_744 = arith.addf %add3A_702, %get3A_743 : vector<16xf32>
      %get3A_745 = arith.index_cast %scan3A_719 : i32 to index
      %get3A_746 = arith.constant 80 : index
      %get3A_747 = tpu.vector_load %arg7[%get3A_745, %get3A_746] {strides = array<i32>} : memref<200x128xf32, #tpu.memory_space<vmem>>, vector<1x16xf32>,
      %get3A_748 = vector.shape_cast %get3A_747 : vector<1x16xf32> to vector<16xf32>
      %add3A_749 = arith.addf %add3A_707, %get3A_748 : vector<16xf32>
      %get3A_750 = arith.index_cast %scan3A_719 : i32 to index
      %get3A_751 = arith.constant 96 : index
      %get3A_752 = tpu.vector_load %arg7[%get3A_750, %get3A_751] {strides = array<i32>} : memref<200x128xf32, #tpu.memory_space<vmem>>, vector<1x16xf32>,
      %get3A_753 = vector.shape_cast %get3A_752 : vector<1x16xf32> to vector<16xf32>
      %add3A_754 = arith.addf %add3A_712, %get3A_753 : vector<16xf32>
      %get3A_755 = arith.index_cast %scan3A_719 : i32 to index
      %get3A_756 = arith.constant 112 : index
      %get3A_757 = tpu.vector_load %arg7[%get3A_755, %get3A_756] {strides = array<i32>} : memref<200x128xf32, #tpu.memory_space<vmem>>, vector<1x16xf32>,
      %get3A_758 = vector.shape_cast %get3A_757 : vector<1x16xf32> to vector<16xf32>
      %add3A_759 = arith.addf %add3A_717, %get3A_758 : vector<16xf32>
      scf.yield %add3A_724, %add3A_729, %add3A_734, %add3A_739, %add3A_744, %add3A_749, %add3A_754, %add3A_759 : vector<16xf32>, vector<16xf32>, vector<16xf32>, vector<16xf32>, vector<16xf32>, vector<16xf32>, vector<16xf32>, vector<16xf32>
    }
    %scan3A_513 = arith.constant 200 : i32
    %mul3A_514 = arith.constant 5.000000e-03 : f32
    %mul3A_515 = vector.broadcast %mul3A_514 : f32 to vector<16xf32>
    %mul3A_516 = arith.mulf %scan3A_512#0, %mul3A_515 : vector<16xf32>
    %swap3A_517 = arith.constant 127 : i32
    %swap3A_518 = arith.index_cast %swap3A_517 : i32 to index
    %swap3A_519 = arith.constant 0 : index
    %swap3A_520 = tpu.vector_load %arg9[%swap3A_518, %swap3A_519] {strides = array<i32>} : memref<128x128xf32, #tpu.memory_space<vmem>>, vector<1x16xf32>,
    %swap3A_521 = vector.shape_cast %swap3A_520 : vector<1x16xf32> to vector<16xf32>
    %swap3A_522 = vector.shape_cast %mul3A_516 : vector<16xf32> to vector<1x16xf32>
    tpu.vector_store %arg9[%swap3A_518, %swap3A_519], %swap3A_522 {strides = array<i32>} : memref<128x128xf32, #tpu.memory_space<vmem>>, vector<1x16xf32>,
    %mul3A_523 = arith.constant 5.000000e-03 : f32
    %mul3A_524 = vector.broadcast %mul3A_523 : f32 to vector<16xf32>
    %mul3A_525 = arith.mulf %scan3A_512#1, %mul3A_524 : vector<16xf32>
    %swap3A_526 = arith.constant 127 : i32
    %swap3A_527 = arith.index_cast %swap3A_526 : i32 to index
    %swap3A_528 = arith.constant 16 : index
    %swap3A_529 = tpu.vector_load %arg9[%swap3A_527, %swap3A_528] {strides = array<i32>} : memref<128x128xf32, #tpu.memory_space<vmem>>, vector<1x16xf32>,
    %swap3A_530 = vector.shape_cast %swap3A_529 : vector<1x16xf32> to vector<16xf32>
    %swap3A_531 = vector.shape_cast %mul3A_525 : vector<16xf32> to vector<1x16xf32>
    tpu.vector_store %arg9[%swap3A_527, %swap3A_528], %swap3A_531 {strides = array<i32>} : memref<128x128xf32, #tpu.memory_space<vmem>>, vector<1x16xf32>,
    %mul3A_532 = arith.constant 5.000000e-03 : f32
    %mul3A_533 = vector.broadcast %mul3A_532 : f32 to vector<16xf32>
    %mul3A_534 = arith.mulf %scan3A_512#2, %mul3A_533 : vector<16xf32>
    %swap3A_535 = arith.constant 127 : i32
    %swap3A_536 = arith.index_cast %swap3A_535 : i32 to index
    %swap3A_537 = arith.constant 32 : index
    %swap3A_538 = tpu.vector_load %arg9[%swap3A_536, %swap3A_537] {strides = array<i32>} : memref<128x128xf32, #tpu.memory_space<vmem>>, vector<1x16xf32>,
    %swap3A_539 = vector.shape_cast %swap3A_538 : vector<1x16xf32> to vector<16xf32>
    %swap3A_540 = vector.shape_cast %mul3A_534 : vector<16xf32> to vector<1x16xf32>
    tpu.vector_store %arg9[%swap3A_536, %swap3A_537], %swap3A_540 {strides = array<i32>} : memref<128x128xf32, #tpu.memory_space<vmem>>, vector<1x16xf32>,
    %mul3A_541 = arith.constant 5.000000e-03 : f32
    %mul3A_542 = vector.broadcast %mul3A_541 : f32 to vector<16xf32>
    %mul3A_543 = arith.mulf %scan3A_512#3, %mul3A_542 : vector<16xf32>
    %swap3A_544 = arith.constant 127 : i32
    %swap3A_545 = arith.index_cast %swap3A_544 : i32 to index
    %swap3A_546 = arith.constant 48 : index
    %swap3A_547 = tpu.vector_load %arg9[%swap3A_545, %swap3A_546] {strides = array<i32>} : memref<128x128xf32, #tpu.memory_space<vmem>>, vector<1x16xf32>,
    %swap3A_548 = vector.shape_cast %swap3A_547 : vector<1x16xf32> to vector<16xf32>
    %swap3A_549 = vector.shape_cast %mul3A_543 : vector<16xf32> to vector<1x16xf32>
    tpu.vector_store %arg9[%swap3A_545, %swap3A_546], %swap3A_549 {strides = array<i32>} : memref<128x128xf32, #tpu.memory_space<vmem>>, vector<1x16xf32>,
    %mul3A_550 = arith.constant 5.000000e-03 : f32
    %mul3A_551 = vector.broadcast %mul3A_550 : f32 to vector<16xf32>
    %mul3A_552 = arith.mulf %scan3A_512#4, %mul3A_551 : vector<16xf32>
    %swap3A_553 = arith.constant 127 : i32
    %swap3A_554 = arith.index_cast %swap3A_553 : i32 to index
    %swap3A_555 = arith.constant 64 : index
    %swap3A_556 = tpu.vector_load %arg9[%swap3A_554, %swap3A_555] {strides = array<i32>} : memref<128x128xf32, #tpu.memory_space<vmem>>, vector<1x16xf32>,
    %swap3A_557 = vector.shape_cast %swap3A_556 : vector<1x16xf32> to vector<16xf32>
    %swap3A_558 = vector.shape_cast %mul3A_552 : vector<16xf32> to vector<1x16xf32>
    tpu.vector_store %arg9[%swap3A_554, %swap3A_555], %swap3A_558 {strides = array<i32>} : memref<128x128xf32, #tpu.memory_space<vmem>>, vector<1x16xf32>,
    %mul3A_559 = arith.constant 5.000000e-03 : f32
    %mul3A_560 = vector.broadcast %mul3A_559 : f32 to vector<16xf32>
    %mul3A_561 = arith.mulf %scan3A_512#5, %mul3A_560 : vector<16xf32>
    %swap3A_562 = arith.constant 127 : i32
    %swap3A_563 = arith.index_cast %swap3A_562 : i32 to index
    %swap3A_564 = arith.constant 80 : index
    %swap3A_565 = tpu.vector_load %arg9[%swap3A_563, %swap3A_564] {strides = array<i32>} : memref<128x128xf32, #tpu.memory_space<vmem>>, vector<1x16xf32>,
    %swap3A_566 = vector.shape_cast %swap3A_565 : vector<1x16xf32> to vector<16xf32>
    %swap3A_567 = vector.shape_cast %mul3A_561 : vector<16xf32> to vector<1x16xf32>
    tpu.vector_store %arg9[%swap3A_563, %swap3A_564], %swap3A_567 {strides = array<i32>} : memref<128x128xf32, #tpu.memory_space<vmem>>, vector<1x16xf32>,
    %mul3A_568 = arith.constant 5.000000e-03 : f32
    %mul3A_569 = vector.broadcast %mul3A_568 : f32 to vector<16xf32>
    %mul3A_570 = arith.mulf %scan3A_512#6, %mul3A_569 : vector<16xf32>
    %swap3A_571 = arith.constant 127 : i32
    %swap3A_572 = arith.index_cast %swap3A_571 : i32 to index
    %swap3A_573 = arith.constant 96 : index
    %swap3A_574 = tpu.vector_load %arg9[%swap3A_572, %swap3A_573] {strides = array<i32>} : memref<128x128xf32, #tpu.memory_space<vmem>>, vector<1x16xf32>,
    %swap3A_575 = vector.shape_cast %swap3A_574 : vector<1x16xf32> to vector<16xf32>
    %swap3A_576 = vector.shape_cast %mul3A_570 : vector<16xf32> to vector<1x16xf32>
    tpu.vector_store %arg9[%swap3A_572, %swap3A_573], %swap3A_576 {strides = array<i32>} : memref<128x128xf32, #tpu.memory_space<vmem>>, vector<1x16xf32>,
    %mul3A_577 = arith.constant 5.000000e-03 : f32
    %mul3A_578 = vector.broadcast %mul3A_577 : f32 to vector<16xf32>
    %mul3A_579 = arith.mulf %scan3A_512#7, %mul3A_578 : vector<16xf32>
    %swap3A_580 = arith.constant 127 : i32
    %swap3A_581 = arith.index_cast %swap3A_580 : i32 to index
    %swap3A_582 = arith.constant 112 : index
    %swap3A_583 = tpu.vector_load %arg9[%swap3A_581, %swap3A_582] {strides = array<i32>} : memref<128x128xf32, #tpu.memory_space<vmem>>, vector<1x16xf32>,
    %swap3A_584 = vector.shape_cast %swap3A_583 : vector<1x16xf32> to vector<16xf32>
    %swap3A_585 = vector.shape_cast %mul3A_579 : vector<16xf32> to vector<1x16xf32>
    tpu.vector_store %arg9[%swap3A_581, %swap3A_582], %swap3A_585 {strides = array<i32>} : memref<128x128xf32, #tpu.memory_space<vmem>>, vector<1x16xf32>,
    "tpu.region"() ({
      %run_scoped3A = tpu.sem_alloc : memref<!tpu.dma_semaphore, #tpu.memory_space<semaphore_mem>>
      %dma_start3A_586 = arith.constant 0 : i32
      %dma_start3A_587 = tpu.memref_slice %arg4[%mul3A_2, %dma_start3A_586] : memref<4096x128xf32, #tpu.memory_space<hbm>> -> memref<128x128xf32, #tpu.memory_space<hbm>>
      %dma_start3A_588 = arith.constant 0 : i32
      %dma_start3A_589 = tpu.memref_slice %arg4[%mul3A_2, %dma_start3A_588] : memref<4096x128xf32, #tpu.memory_space<hbm>> -> memref<128x128xf32, #tpu.memory_space<hbm>>
      tpu.enqueue_dma source(%arg9 : memref<128x128xf32, #tpu.memory_space<vmem>>) target(%dma_start3A_589 : memref<128x128xf32, #tpu.memory_space<hbm>>) target_semaphore(%run_scoped3A : memref<!tpu.dma_semaphore, #tpu.memory_space<semaphore_mem>>)
      %dma_wait3A_590 = arith.constant 0 : i32
      %dma_wait3A_591 = tpu.memref_slice %arg4[%mul3A_2, %dma_wait3A_590] : memref<4096x128xf32, #tpu.memory_space<hbm>> -> memref<128x128xf32, #tpu.memory_space<hbm>>
      %dma_wait3A_592 = arith.constant 0 : i32
      %dma_wait3A_593 = tpu.memref_slice %arg4[%mul3A_2, %dma_wait3A_592] : memref<4096x128xf32, #tpu.memory_space<hbm>> -> memref<128x128xf32, #tpu.memory_space<hbm>>
      tpu.wait_dma2 semaphore(%run_scoped3A : memref<!tpu.dma_semaphore, #tpu.memory_space<semaphore_mem>>) src(%arg9 : memref<128x128xf32, #tpu.memory_space<vmem>>) dst(%dma_wait3A_593 : memref<128x128xf32, #tpu.memory_space<hbm>>)
      tpu.yield
    }) : () -> ()
    return
  }
}

</mosaic_0001>

<sc_bundles>
// kernel: kernel.3.cloned.1.call-start
scs
__scs_entry_jumppad:
0x0: {  	(pc) =	sbr.rel $0x88, $3  }
0x1: {  	(tag) =	ssettag $0x0;
	lr =	simm.s32 $0x1  }
0x2: {  	[smem:$0x3F9F] =	sst lr;
	_ =	strace $0xD0000000  }
0x3: {  	_ = 	snop  }
0x4: {  	_ = 	snop  }
0x5: {  	_ = 	snop  }
0x6: {  	_ = 	snop  }
0x7: {  	_ = 	snop  }
__scs_overlays_trampoline_lowered:
0x8: {  	[smem:$0x3FAE] =	sst s0  }
0x9: {  	[smem:$0x3FAF] =	sst s1  }
0xa: {  	[smem:$0x3FB0] =	sst s2  }
0xb: {  	[smem:$0x3FB1] =	sst s3  }
0xc: {  	[smem:$0x3FB2] =	sst s4  }
0xd: {  	[smem:$0x3FB3] =	sst s5  }
0xe: {  	[smem:$0x3FB4] =	sst s6  }
0xf: {  	[smem:$0x3FB5] =	sst s7  }
0x10: {  	[smem:$0x3FB6] =	sst s8  }
0x11: {  	[smem:$0x3FB7] =	sst s9;
	s0 =	simm.s32 @!p0 $0x0  }
0x12: {  	s1 =	sld [smem:$0x3F9D];
	s0 =	simm.s32 @p0 $0x1  }
0x13: {  	[smem:$0x3FB8] =	sst s0;
	s0 =	simm.s32 @!p1 $0x0  }
0x14: {  	s2 =	sld [smem:$0x3F9C];
	s0 =	simm.s32 @p1 $0x1  }
0x15: {  	[smem:$0x3FB9] =	sst s0;
	s0 =	simm.s32 @!p2 $0x0  }
0x16: {  	s3 =	sld [smem:$0x3FDB];
	s0 =	simm.s32 @p2 $0x1  }
0x17: {  	s4 =	simm.s32 $0x1BF5;
	[smem:$0x3FBB] =	sst s0  }
0x18: {  	s0 =	sld [smem:$0x3F9E];
	_ =	swait.ge [sflag:s4], $0x0  }
0x19: {  	s7 =	sld [smem:$0x3F9F]  }
0x1a: {  	s8 =	sadd.s32 $0xFFFFE003, lr  }
0x1b: {  	s9 =	sadd.s32 $0xFFFFFEF7, lr;
	s5 =	simm.s32 $0xFFFFFFFF;
	p2 =	slt.u32 s8, $0xFFFFF086  }
0x1c: {  	p1 =	slt.u32 s9, $0xF7A;
	s5 =	simm.s32 @!p2 $0x0  }
0x1d: {  	s5 =	simm.s32 @p1 $0x1;
	p0 =	seq.s32 s7, s2  }
0x1e: {  	s7 =	smul.u32 @!p0 $0xF7A, s2;
	p2 =	seq.s32 @!p0 s5, $0x0  }
0x1f: {  	s9 =	smul.u32 $0xF7A, s1;
	s8 =	simm.s32 @!p0 $0x1BF5;
	p2 =	por !p2, p0  }
0x20: {  	[sflag:s8] =	ssyncset.s32 @!p0 $0xFFFFF086;
	s6 =	sadd.s32 @!p0 s3, s7;
	s7 =	simm.s32 @!p0 $0x108  }
0x21: {  	s3 =	sadd.s32 s3, s9;
	s6 =	sadd.s32 @!p0 $0x88, s6;
	s7 =	simm.s32 @p2 $0x1082  }
0x22: {  	[simem:s7], [sflag:s8] =	dma.local @!p0 [hbm:s6], $0xF7A  }
0x23: {  	s9 =	sor.u32 $0xD0000000, s2;
	s6 =	simm.s32 $0x108;
	_ =	swait.ge @!p0 [sflag:s8], $0x0  }
0x24: {  	s3 =	sadd.s32 $0x88, s3;
	s6 =	simm.s32 @!p1 $0x1082;
	[sflag:s4] =	ssyncset.s32 $0xFFFFF086  }
0x25: {  	[simem:s6], [sflag:s4] =	dma.local [hbm:s3], $0xF7A  }
0x26: {  	[smem:$0x3F9F] =	sst s1;
	(tag) =	ssettag s2;
	_ =	strace s9  }
0x27: {  	s1 =	sld [smem:$0x3FAF]  }
0x28: {  	s2 =	sld [smem:$0x3FB0]  }
0x29: {  	s4 =	sld [smem:$0x3FB2]  }
0x2a: {  	p0 =	seq.s32 s5, $0x0;
	s5 =	sld [smem:$0x3FB3]  }
0x2b: {  	s6 =	sld [smem:$0x3FB4]  }
0x2c: {  	s7 =	sld [smem:$0x3FB5]  }
0x2d: {  	s3 =	simm.s32 $0x108;
	s8 =	sld [smem:$0x3FB6]  }
0x2e: {  	s3 =	simm.s32 @!p0 $0x1082;
	s9 =	sld [smem:$0x3FB7]  }
0x2f: {  	lr =	sadd.s32 s0, s3;
	s0 =	sld [smem:$0x3FAE]  }
0x30: {  	s3 =	sld [smem:$0x3FB1]  }
0x31: {  	[smem:$0x3FBA] =	sst s10  }
0x32: {  	s10 =	sld [smem:$0x3FB8];
	_ =	sdelay $0x3  }
0x33: {  	p0 =	seq.s32 s10, $0x1;
	s10 =	sld [smem:$0x3FBA];
	_ =	sdelay $0x3  }
0x34: {  	[smem:$0x3FBA] =	sst s10  }
0x35: {  	s10 =	sld [smem:$0x3FB9];
	_ =	sdelay $0x3  }
0x36: {  	p1 =	seq.s32 s10, $0x1;
	s10 =	sld [smem:$0x3FBA];
	_ =	sdelay $0x3  }
0x37: {  	[smem:$0x3FBA] =	sst s10  }
0x38: {  	s10 =	sld [smem:$0x3FBB]  }
0x39: {  	_ = 	snop;
	(pc) =	sbr.ind lr, $3  }
0x3a: {  	_ = 	snop  }
0x3b: {  	_ = 	snop  }
0x3c: {  	p2 =	seq.s32 s10, $0x1;
	s10 =	sld [smem:$0x3FBA]  }
0x3d: {  	_ =	shalt  }
0x3e: {  	_ =	shalt  }
0x3f: {  	_ =	shalt  }
0x40: {  	_ =	shalt  }
0x41: {  	_ =	shalt  }
0x42: {  	_ =	shalt  }
0x43: {  	_ =	shalt  }
0x44: {  	_ =	shalt  }
0x45: {  	_ =	shalt  }
0x46: {  	_ =	shalt  }
0x47: {  	_ =	shalt  }
0x48: {  	_ =	shalt  }
0x49: {  	_ =	shalt  }
0x4a: {  	_ =	shalt  }
0x4b: {  	_ =	shalt  }
0x4c: {  	_ =	shalt  }
0x4d: {  	_ =	shalt  }
0x4e: {  	_ =	shalt  }
0x4f: {  	_ =	shalt  }
0x50: {  	_ =	shalt  }
0x51: {  	_ =	shalt  }
0x52: {  	_ =	shalt  }
0x53: {  	_ =	shalt  }
0x54: {  	_ =	shalt  }
0x55: {  	_ =	shalt  }
0x56: {  	_ =	shalt  }
0x57: {  	_ =	shalt  }
0x58: {  	_ =	shalt  }
0x59: {  	_ =	shalt  }
0x5a: {  	_ =	shalt  }
0x5b: {  	_ =	shalt  }
0x5c: {  	_ =	shalt  }
0x5d: {  	_ =	shalt  }
0x5e: {  	_ =	shalt  }
0x5f: {  	_ =	shalt  }
0x60: {  	_ =	shalt  }
0x61: {  	_ =	shalt  }
0x62: {  	_ =	shalt  }
0x63: {  	_ =	shalt  }
0x64: {  	_ =	shalt  }
0x65: {  	_ =	shalt  }
0x66: {  	_ =	shalt  }
0x67: {  	_ =	shalt  }
0x68: {  	_ =	shalt  }
0x69: {  	_ =	shalt  }
0x6a: {  	_ =	shalt  }
0x6b: {  	_ =	shalt  }
0x6c: {  	_ =	shalt  }
0x6d: {  	_ =	shalt  }
0x6e: {  	_ =	shalt  }
0x6f: {  	_ =	shalt  }
0x70: {  	_ =	shalt  }
0x71: {  	_ =	shalt  }
0x72: {  	_ =	shalt  }
0x73: {  	_ =	shalt  }
0x74: {  	_ =	shalt  }
0x75: {  	_ =	shalt  }
0x76: {  	_ =	shalt  }
0x77: {  	_ =	shalt  }
0x78: {  	_ =	shalt  }
0x79: {  	_ =	shalt  }
0x7a: {  	_ =	shalt  }
0x7b: {  	_ =	shalt  }
0x7c: {  	_ =	shalt  }
0x7d: {  	_ =	shalt  }
0x7e: {  	_ =	shalt  }
0x7f: {  	_ =	shalt  }
0x80: {  	_ =	shalt  }
0x81: {  	_ =	shalt  }
0x82: {  	_ =	shalt  }
0x83: {  	_ =	shalt  }
0x84: {  	_ =	shalt  }
0x85: {  	_ =	shalt  }
0x86: {  	_ =	shalt  }
0x87: {  	_ =	shalt  }
.Lfunc_end0:
.L_simem_size_0:
called_computation_lowered:
.L_overlay_start_0:
0x88: {  	s2 =	sld [smem:$0x3FD9]  }
0x89: {  	s3 =	sld [smem:$0x3FFE];
	_ =	sdelay $0x1  }
0x8a: {  	s1 =	srdreg.scid  }
0x8b: {  	s0 =	sand.u32 $0x1, s1  }
0x8c: {  	s17 =	sshll.u32 s0, $0xA;
	s2 =	sadd.s32 s3, s2  }
0x8d: {  	s2 =	sadd.s32 s2, s17  }
0x8e: {  	[smem:$0x3FC6] =	sst s2  }
0x8f: {  	_ = 	snop  }
0x90: {  	s2 =	sld [smem:$0x3FC8]  }
0x91: {  	s18 =	sld [smem:$0x3FD0];
	(tm) =	ssettm $0x1  }
0x92: {  	s4 =	sld [smem:$0x3FFB];
	_ =	sdelay $0x3  }
0x93: {  	_ =	strace s4  }
0x94: {  	s4 =	sld [smem:$0x3FFC];
	_ =	sdelay $0x3  }
0x95: {  	_ =	strace s4  }
0x96: {  	s4 =	sld [smem:$0x3FFD];
	_ =	sdelay $0x3  }
0x97: {  	_ =	strace s4  }
0x98: {  	_ =	strace $0x8FFFFFFF  }
0x99: {  	s19 =	sld [smem:$0x3FDB];
	_ =	sdelay $0x1  }
0x9a: {  	s5 =	simm.s32 $_scs_section_size  }
0x9b: {  	s6 =	simm.s32 $_size__tile_overlayer_lowered;
	s7 =	simm.s32 $_tile_overlayer_lowered  }
0x9c: {  	s22 =	simm.s32 $0x1BFF;
	s21 =	sshll.u32 s7, $0x1;
	s4 =	sadd.s32 s5, s19  }
0x9d: {  	s8 =	simm.s32 $0x0;
	s20 =	sshll.u32 s6, $0x1;
	s6 =	sadd.s32 s21, s4  }
0x9e: {  	[timem:s8], [sflag:s22] =	dma.local [hbm:s6], s20  }
0x9f: {  	_ =	swait.ge [sflag:s22], s20  }
0xa0: {  	s5 =	ssub.s32 $0x0, s20;
	[sflag:s22] =	ssyncset.done $0x0  }
0xa1: {  	[sflag:s22] =	ssyncadd.s32 s5;
	_ =	sdelay $0x1  }
0xa2: {  	s23 =	simm.s32 $0x1B8B  }
0xa3: {  	_ =	swait.ge [sflag:s23], $0x1  }
0xa4: {  	[sflag:s23] =	ssyncset.done $0x0  }
0xa5: {  	s25 =	simm.s32 $0x1B8E;
	s24 =	sld [smem:$0x3FFE];
	[sflag:s23] =	ssyncadd.s32 $0xFFFFFFFF  }
0xa6: {  	s26 =	simm.s32 $execute0_lowered;
	[smem:$0x3FD2] =	sst s25  }
0xa7: {  	s6 =	sshll.u32 s26, $0x1;
	_ =	strace $0x80000046;
	[dreg:$0x1] =	wrdreg $0xFFFFFFFF  }
0xa8: {  	s28 =	simm.s32 $_size_execute0_lowered;
	s4 =	sadd.s32 s4, s6;
	[dreg:$0x0] =	wrdreg $0x0  }
0xa9: {  	s6 =	sshll.u32 s28, $0x1;
	[dreg:$0x2] =	wrdreg s4  }
0xaa: {  	[dreg:$0x3] =	wrdreg s6  }
0xab: {  	[dreg:$0x4] =	wrdreg $0xC0  }
0xac: {  	_ =	task [dreg:s8], $0x5FFFF  }
0xad: {  	[dreg:$0x1] =	wrdreg $0xFFFFFFFF  }
0xae: {  	[dreg:$0x0] =	wrdreg $0x60  }
0xaf: {  	[dreg:$0x2] =	wrdreg s24  }
0xb0: {  	[dreg:$0x3] =	wrdreg s2  }
0xb1: {  	[dreg:$0x4] =	wrdreg s18  }
0xb2: {  	[dreg:$0x5] =	wrdreg $0x9  }
0xb3: {  	_ =	task.clear_ibuf [dreg:s8], $0x6FFFF;
	_ =	strace $0x90000046  }
0xb4: {  	s29 =	simm.s32 $0x9;
	_ =	strace $0x80000048  }
0xb5: {  	_ =	swait.ge [sflag:s29], $0x1  }
0xb6: {  	[sflag:s29] =	ssyncadd.s32 $0xFFFFFFFF  }
0xb7: {  	_ =	strace $0x90000048  }
0xb8: {  	_ =	sfence  }
0xb9: {  	s30 =	sld [smem:$0x0];
	_ =	sdelay $0x2  }
0xba: {  	s31 =	sshll.u32 s1, $0xD;
	s1 =	sshrl.u32 s1, $0x2  }
0xbb: {  	s3 =	sand.u32 $0x4000, s31;
	s1 =	sadd.s32 s1, s30  }
0xbc: {  	s0 =	sor.u32 s3, s0;
	s1 =	sshll.u32 s1, $0x11  }
0xbd: {  	s0 =	sor.u32 s1, s0  }
0xbe: {  	s0 =	sadd.s32 $0x8F2B, s0  }
0xbf: {  	[sflag:s0] =	ssyncadd.remote.s32 $0x1  }
0xc0: {  	_ =	sfence.sel $0xFFFF  }
0xc1: {  	[dreg:$0x0] =	wrdreg $0xFFFFFFFF;
	(pc) =	sbr.abs _section_cstart, $3  }
0xc2: {  	[dreg:$0x1] =	wrdreg $0xFFFFFFFF  }
0xc3: {  	_ =	task.clear_ibuf [dreg:s8], $0x2FFFF;
	_ =	strace $0x9FFFFFFF  }
0xc4: {  	(tm) =	ssettm $0x7FFFFFFF  }
0xc5: {  	_ =	shalt  }
tec
execute0_lowered:
.L_overlay_start_1:
0x0: {  	(tag) =	ssettag $0x1  }
0x1: {  	s0 =	rddreg [dreg:$0x0]  }
0x2: {  	s1 =	srdreg.scid;
	s2 =	rddreg [dreg:$0x1]  }
0x3: {  	s3 =	stileid.u32;
	s5 =	rddreg [dreg:$0x2]  }
0x4: {  	s7 =	simm.s32 $0x4;
	s8 =	simm.s32 $0x68;
	s9 =	simm.s32 $0x6400  }
0x5: {  	s10 =	simm.s32 $0x60;
	s11 =	simm.s32 $0x9800;
	s13 =	simm.s32 $0xC800  }
0x6: {  	s14 =	simm.s32 $0x130;
	s15 =	simm.s32 $0xFC00;
	s16 =	simm.s32 $0x190  }
0x7: {  	s17 =	simm.s32 $0x12C00;
	s18 =	simm.s32 $0x1F8;
	s19 =	simm.s32 $0x16000  }
0x8: {  	s20 =	simm.s32 $0x1;
	s21 =	simm.s32 $0x2;
	s22 =	simm.s32 $0x3  }
0x9: {  	s23 =	simm.s32 $0x6270;
	s24 =	simm.s32 $0x62D8;
	s25 =	simm.s32 $0x6338  }
0xa: {  	s26 =	simm.s32 $0x63A0;
	s1 =	sand.u32 $0x1, s1;
	s3 =	sshll.u32 s3, $0x1  }
0xb: {  	s28 =	simm.s32 $0x19000;
	s29 =	simm.s32 $0x0;
	s6 =	sor.u32 s1, s3  }
0xc: {  	s3 =	simm.s32 $0x0;
	s1 =	ssub.s32 $0x2, s1;
	s4 =	smul.u32 $0xC80, s6  }
0xd: {  	[smem:$0x7FF] =	sst s3;
	s30 =	sshrl.u32 s1, $0x1;
	s31 =	sshll.u32 s6, $0xB  }
0xe: {  	_ =	strace $0x80000047;
	s1 =	ssub.s32 s1, s30;
	s0 =	sadd.s32 s4, s0  }
0xf: {  	s5 =	sadd.s32 s5, s31;
	s6 =	smax.u32 s1, $0x1;
	s4 =	sadd.s32 $0x400, s0  }
.LBB2_1:
0x10: {  	[tilespmem:s3], [sflag:$0x4] =	stream.linear.gather [hbm4b:s4+s3], $0x6400, $0x38;
	[tilespmem:$0x1D000] =	vst v63  }
0x11: {  	_ =	swait.ge [sflag:s7], $0x6400  }
0x12: {  	[sflag:s7] =	ssyncset.done $0x0  }
0x13: {  	[sflag:s7] =	ssyncadd.s32 $0xFFFF9C00  }
0x14: {  	[tilespmem:s9], [sflag:$0x1] =	stream.indirect.gather [hbm4b:s2+s8], $0x80, s3, s8, $0xb8;
	[tilespmem:$0x1D000] =	vst v63  }
0x15: {  	_ = 	snop  }
0x16: {  	[tilespmem:s11], [sflag:$0x1] =	stream.indirect.gather [hbm4b:s2+s10], $0x80, s8, s10, $0xb8;
	[tilespmem:$0x1D000] =	vst v63  }
0x17: {  	s0 =	simm.s32 $0xC8  }
0x18: {  	[tilespmem:s13], [sflag:$0x2] =	stream.indirect.gather [hbm4b:s2+s8], $0x80, s0, s8, $0xb8;
	[tilespmem:$0x1D000] =	vst v63  }
0x19: {  	_ = 	snop  }
0x1a: {  	[tilespmem:s15], [sflag:$0x2] =	stream.indirect.gather [hbm4b:s2+s10], $0x80, s14, s10, $0xb8;
	[tilespmem:$0x1D000] =	vst v63  }
0x1b: {  	_ = 	snop  }
0x1c: {  	[tilespmem:s17], [sflag:$0x3] =	stream.indirect.gather [hbm4b:s2+s8], $0x80, s16, s8, $0xb8;
	[tilespmem:$0x1D000] =	vst v63  }
0x1d: {  	s30 =	simm.s32 $0x0  }
0x1e: {  	[tilespmem:s19], [sflag:$0x3] =	stream.indirect.gather [hbm4b:s2+s10], $0x80, s18, s10, $0xb8;
	[tilespmem:$0x1D000] =	vst v63  }
.LBB2_2:
0x1f: {  	_ =	swait.ge [sflag:s20], $0x6400  }
0x20: {  	[sflag:s20] =	ssyncset.done $0x0  }
0x21: {  	s0 =	simm.s32 $0x6500;
	[sflag:s20] =	ssyncadd.s32 $0xFFFF9C00  }
0x22: {  	v4 =	vld [tilespmem:s0+$0x80]  }
0x23: {  	v5 =	vld [tilespmem:s0+$0x90]  }
0x24: {  	v10 =	vld [tilespmem:s0+$0xA0]  }
0x25: {  	v12 =	vld [tilespmem:s0+$0xB0]  }
0x26: {  	v0 =	vld [tilespmem:s0+$0xC0]  }
0x27: {  	v1 =	vld [tilespmem:s0+$0xD0]  }
0x28: {  	v6 =	vld [tilespmem:s0+$0x0]  }
0x29: {  	v7 =	vld [tilespmem:s0+$0x10]  }
0x2a: {  	v9 =	vld [tilespmem:s0+$0x20]  }
0x2b: {  	v11 =	vld [tilespmem:s0+$0x30]  }
0x2c: {  	v3 =	vld [tilespmem:s0+$0x40]  }
0x2d: {  	v2 =	vld [tilespmem:s0+$0x50]  }
0x2e: {  	v8 =	vld [tilespmem:s0+$0xFFFFFF80]  }
0x2f: {  	v13 =	vld [tilespmem:s0+$0xFFFFFF90]  }
0x30: {  	v14 =	vld [tilespmem:s0+$0xFFFFFF00]  }
0x31: {  	v15 =	vld [tilespmem:s0+$0xFFFFFF10]  }
0x32: {  	v16 =	vld [tilespmem:s0+$0xFFFFFF20]  }
0x33: {  	v17 =	vld [tilespmem:s0+$0xFFFFFF30]  }
0x34: {  	v18 =	vld [tilespmem:s0+$0xFFFFFFA0]  }
0x35: {  	v19 =	vld [tilespmem:s0+$0xFFFFFFB0]  }
0x36: {  	v20 =	vimm.f32 $0.0e+00;
	v21 =	vld [tilespmem:s0+$0xFFFFFFC0]  }
0x37: {  	v22 =	vld [tilespmem:s0+$0xFFFFFFD0];
	v14 =	vadd.f32 v14, v20;
	v15 =	vadd.f32 v15, v20  }
0x38: {  	v23 =	vld [tilespmem:s0+$0xFFFFFF40];
	v16 =	vadd.f32 v16, v20;
	v17 =	vadd.f32 v17, v20  }
0x39: {  	v24 =	vld [tilespmem:s0+$0xFFFFFF50];
	v8 =	vadd.f32 v8, v14;
	v13 =	vadd.f32 v13, v15  }
0x3a: {  	v14 =	vld [tilespmem:s0+$0xFFFFFF60];
	v15 =	vadd.f32 v18, v16;
	v16 =	vadd.f32 v19, v17  }
0x3b: {  	v17 =	vld [tilespmem:s0+$0xFFFFFF70];
	v6 =	vadd.f32 v6, v8;
	v13 =	vadd.f32 v7, v13  }
0x3c: {  	v8 =	vld [tilespmem:s0+$0xFFFFFFE0];
	v15 =	vadd.f32 v9, v15;
	v16 =	vadd.f32 v11, v16  }
0x3d: {  	v11 =	vld [tilespmem:s0+$0xFFFFFFF0];
	v7 =	vadd.f32 v4, v6;
	v6 =	vadd.f32 v5, v13  }
0x3e: {  	v9 =	vld [tilespmem:s0+$0x60];
	v5 =	vadd.f32 v10, v15;
	v4 =	vadd.f32 v12, v16  }
0x3f: {  	v13 =	vadd.f32 v23, v20;
	v16 =	vadd.f32 v24, v20;
	v12 =	vld [tilespmem:s0+$0x70]  }
0x40: {  	v10 =	vld [tilespmem:s0+$0xE0];
	v15 =	vadd.f32 v14, v20;
	v14 =	vadd.f32 v17, v20  }
0x41: {  	s1 =	simm.s32 $0x0;
	v17 =	vadd.f32 v21, v13;
	v16 =	vadd.f32 v22, v16;
	v13 =	vld [tilespmem:s0+$0xF0];
	s0 =	simm.s32 $0x6700  }
.LBB2_3:
0x42: {  	v18 =	vld [tilespmem:s0+$0x80];
	v8 =	vadd.f32 v8, v15;
	v11 =	vadd.f32 v11, v14  }
0x43: {  	v14 =	vld [tilespmem:s0+$0x90];
	v3 =	vadd.f32 v3, v17;
	v2 =	vadd.f32 v2, v16  }
0x44: {  	v15 =	vld [tilespmem:s0+$0xA0];
	v8 =	vadd.f32 v9, v8;
	v9 =	vadd.f32 v12, v11  }
0x45: {  	v12 =	vld [tilespmem:s0+$0xB0];
	v16 =	vadd.f32 v0, v3;
	v17 =	vadd.f32 v1, v2  }
0x46: {  	v0 =	vld [tilespmem:s0+$0xC0];
	v10 =	vadd.f32 v10, v8;
	v13 =	vadd.f32 v13, v9  }
0x47: {  	v1 =	vld [tilespmem:s0+$0xD0]  }
0x48: {  	v8 =	vld [tilespmem:s0+$0x0]  }
0x49: {  	v9 =	vld [tilespmem:s0+$0x10]  }
0x4a: {  	v11 =	vld [tilespmem:s0+$0x20]  }
0x4b: {  	v19 =	vld [tilespmem:s0+$0x30]  }
0x4c: {  	v3 =	vld [tilespmem:s0+$0x40]  }
0x4d: {  	v2 =	vld [tilespmem:s0+$0x50]  }
0x4e: {  	v20 =	vld [tilespmem:s0+$0xFFFFFF80]  }
0x4f: {  	v21 =	vld [tilespmem:s0+$0xFFFFFF90]  }
0x50: {  	v22 =	vld [tilespmem:s0+$0xFFFFFF00]  }
0x51: {  	v23 =	vld [tilespmem:s0+$0xFFFFFF10]  }
0x52: {  	v24 =	vld [tilespmem:s0+$0xFFFFFF20]  }
0x53: {  	v25 =	vld [tilespmem:s0+$0xFFFFFF30]  }
0x54: {  	v26 =	vld [tilespmem:s0+$0xFFFFFFA0]  }
0x55: {  	v27 =	vld [tilespmem:s0+$0xFFFFFFB0]  }
0x56: {  	v28 =	vld [tilespmem:s0+$0xFFFFFFC0]  }
0x57: {  	v7 =	vadd.f32 v22, v7;
	v6 =	vadd.f32 v23, v6;
	v22 =	vld [tilespmem:s0+$0xFFFFFFD0]  }
0x58: {  	v5 =	vadd.f32 v24, v5;
	v4 =	vadd.f32 v25, v4;
	v23 =	vld [tilespmem:s0+$0xFFFFFF40]  }
0x59: {  	v7 =	vadd.f32 v20, v7;
	v6 =	vadd.f32 v21, v6;
	v24 =	vld [tilespmem:s0+$0xFFFFFF50]  }
0x5a: {  	v5 =	vadd.f32 v26, v5;
	v20 =	vld [tilespmem:s0+$0xFFFFFF60];
	v4 =	vadd.f32 v27, v4  }
0x5b: {  	s1 =	sadd.s32 $0x4, s1;
	v7 =	vadd.f32 v8, v7;
	v6 =	vadd.f32 v9, v6;
	v21 =	vld [tilespmem:s0+$0xFFFFFF70]  }
0x5c: {  	p0 =	slt.u32 s1, $0xC4;
	v5 =	vadd.f32 v11, v5;
	v8 =	vld [tilespmem:s0+$0xFFFFFFE0];
	v4 =	vadd.f32 v19, v4  }
.Ltmp0:
0x5d: {  	v7 =	vadd.f32 v18, v7;
	v6 =	vadd.f32 v14, v6;
	v11 =	vld [tilespmem:s0+$0xFFFFFFF0];
	(pc) =	sbr.rel @p0 .LBB2_3-.Ltmp0, $4  }
0x5e: {  	v5 =	vadd.f32 v15, v5;
	v9 =	vld [tilespmem:s0+$0x60];
	v4 =	vadd.f32 v12, v4  }
0x5f: {  	v16 =	vadd.f32 v23, v16;
	v18 =	vadd.f32 v24, v17;
	v12 =	vld [tilespmem:s0+$0x70]  }
0x60: {  	v15 =	vadd.f32 v20, v10;
	v14 =	vadd.f32 v21, v13;
	v10 =	vld [tilespmem:s0+$0xE0]  }
0x61: {  	v17 =	vadd.f32 v28, v16;
	v16 =	vadd.f32 v22, v18;
	v13 =	vld [tilespmem:s0+$0xF0];
	s0 =	sadd.s32 $0x200, s0  }
0x62: {  	s0 =	smul.u32 $0x600, s30  }
0x63: {  	v8 =	vadd.f32 v8, v15;
	v7 =	vmul.f32 $4.999999890e-03, v7;
	v3 =	vadd.f32 v3, v17  }
0x64: {  	v11 =	vadd.f32 v11, v14;
	v6 =	vmul.f32 $4.999999890e-03, v6;
	v2 =	vadd.f32 v2, v16;
	s31 =	sshra.s32 s0, $0x2  }
0x65: {  	v8 =	vadd.f32 v9, v8;
	v0 =	vadd.f32 v0, v3;
	[tilespmem:s31+$0x19000] =	vst v7;
	v3 =	vmul.f32 $4.999999890e-03, v5  }
0x66: {  	v5 =	vadd.f32 v12, v11;
	v1 =	vadd.f32 v1, v2;
	[tilespmem:s31+$0x19010] =	vst v6;
	v2 =	vmul.f32 $4.999999890e-03, v4  }
0x67: {  	v4 =	vadd.f32 v10, v8;
	[tilespmem:s31+$0x19020] =	vst v3;
	v0 =	vmul.f32 $4.999999890e-03, v0  }
0x68: {  	v3 =	vadd.f32 v13, v5;
	[tilespmem:s31+$0x19030] =	vst v2;
	v1 =	vmul.f32 $4.999999890e-03, v1  }
0x69: {  	s1 =	smul.u32 $0x960, s30;
	[tilespmem:s31+$0x19040] =	vst v0;
	v0 =	vmul.f32 $4.999999890e-03, v4  }
0x6a: {  	[tilespmem:s31+$0x19050] =	vst v1;
	v1 =	vmul.f32 $4.999999890e-03, v3  }
0x6b: {  	s1 =	sshra.s32 s1, $0x2;
	[tilespmem:s31+$0x19060] =	vst v0  }
0x6c: {  	s0 =	sadd.s32 $0x258, s1;
	[tilespmem:s31+$0x19070] =	vst v1  }
0x6d: {  	[tilespmem:s9], [sflag:$0x1] =	stream.indirect.gather [hbm4b:s2+s8], $0x80, s0, s8, $0xb8;
	[tilespmem:$0x1D000] =	vst v63  }
0x6e: {  	s12 =	sadd.s32 $0x2C0, s1  }
0x6f: {  	[tilespmem:s11], [sflag:$0x1] =	stream.indirect.gather [hbm4b:s2+s10], $0x80, s12, s10, $0xb8;
	[tilespmem:$0x1D000] =	vst v63  }
0x70: {  	_ =	swait.ge [sflag:s21], $0x6400  }
0x71: {  	[sflag:s21] =	ssyncset.done $0x0  }
0x72: {  	s12 =	simm.s32 $0xC900;
	[sflag:s21] =	ssyncadd.s32 $0xFFFF9C00  }
0x73: {  	v4 =	vld [tilespmem:s12+$0x80]  }
0x74: {  	v5 =	vld [tilespmem:s12+$0x90]  }
0x75: {  	v10 =	vld [tilespmem:s12+$0xA0]  }
0x76: {  	v12 =	vld [tilespmem:s12+$0xB0]  }
0x77: {  	v0 =	vld [tilespmem:s12+$0xC0]  }
0x78: {  	v1 =	vld [tilespmem:s12+$0xD0]  }
0x79: {  	v6 =	vld [tilespmem:s12+$0x0]  }
0x7a: {  	v7 =	vld [tilespmem:s12+$0x10]  }
0x7b: {  	v9 =	vld [tilespmem:s12+$0x20]  }
0x7c: {  	v11 =	vld [tilespmem:s12+$0x30]  }
0x7d: {  	v3 =	vld [tilespmem:s12+$0x40]  }
0x7e: {  	v2 =	vld [tilespmem:s12+$0x50]  }
0x7f: {  	v8 =	vld [tilespmem:s12+$0xFFFFFF80]  }
0x80: {  	v13 =	vld [tilespmem:s12+$0xFFFFFF90]  }
0x81: {  	v14 =	vld [tilespmem:s12+$0xFFFFFF00]  }
0x82: {  	v15 =	vld [tilespmem:s12+$0xFFFFFF10]  }
0x83: {  	v16 =	vld [tilespmem:s12+$0xFFFFFF20]  }
0x84: {  	v17 =	vld [tilespmem:s12+$0xFFFFFF30]  }
0x85: {  	v18 =	vld [tilespmem:s12+$0xFFFFFFA0]  }
0x86: {  	v19 =	vld [tilespmem:s12+$0xFFFFFFB0]  }
0x87: {  	v20 =	vimm.f32 $0.0e+00;
	v21 =	vld [tilespmem:s12+$0xFFFFFFC0]  }
0x88: {  	v22 =	vld [tilespmem:s12+$0xFFFFFFD0];
	v14 =	vadd.f32 v14, v20;
	v15 =	vadd.f32 v15, v20  }
0x89: {  	v23 =	vld [tilespmem:s12+$0xFFFFFF40];
	v16 =	vadd.f32 v16, v20;
	v17 =	vadd.f32 v17, v20  }
0x8a: {  	v24 =	vld [tilespmem:s12+$0xFFFFFF50];
	v8 =	vadd.f32 v8, v14;
	v13 =	vadd.f32 v13, v15  }
0x8b: {  	v14 =	vld [tilespmem:s12+$0xFFFFFF60];
	v15 =	vadd.f32 v18, v16;
	v16 =	vadd.f32 v19, v17  }
0x8c: {  	v17 =	vld [tilespmem:s12+$0xFFFFFF70];
	v6 =	vadd.f32 v6, v8;
	v13 =	vadd.f32 v7, v13  }
0x8d: {  	v8 =	vld [tilespmem:s12+$0xFFFFFFE0];
	v15 =	vadd.f32 v9, v15;
	v16 =	vadd.f32 v11, v16  }
0x8e: {  	v11 =	vld [tilespmem:s12+$0xFFFFFFF0];
	v7 =	vadd.f32 v4, v6;
	v6 =	vadd.f32 v5, v13  }
0x8f: {  	v9 =	vld [tilespmem:s12+$0x60];
	v5 =	vadd.f32 v10, v15;
	v4 =	vadd.f32 v12, v16  }
0x90: {  	v13 =	vadd.f32 v23, v20;
	v16 =	vadd.f32 v24, v20;
	v12 =	vld [tilespmem:s12+$0x70]  }
0x91: {  	v10 =	vld [tilespmem:s12+$0xE0];
	v15 =	vadd.f32 v14, v20;
	v14 =	vadd.f32 v17, v20  }
0x92: {  	s0 =	simm.s32 $0x0;
	v17 =	vadd.f32 v21, v13;
	v16 =	vadd.f32 v22, v16;
	v13 =	vld [tilespmem:s12+$0xF0];
	s12 =	simm.s32 $0xCB00  }
.LBB2_5:
0x93: {  	v18 =	vld [tilespmem:s12+$0x80];
	v8 =	vadd.f32 v8, v15;
	v11 =	vadd.f32 v11, v14  }
0x94: {  	v14 =	vld [tilespmem:s12+$0x90];
	v3 =	vadd.f32 v3, v17;
	v2 =	vadd.f32 v2, v16  }
0x95: {  	v15 =	vld [tilespmem:s12+$0xA0];
	v8 =	vadd.f32 v9, v8;
	v9 =	vadd.f32 v12, v11  }
0x96: {  	v12 =	vld [tilespmem:s12+$0xB0];
	v16 =	vadd.f32 v0, v3;
	v17 =	vadd.f32 v1, v2  }
0x97: {  	v0 =	vld [tilespmem:s12+$0xC0];
	v10 =	vadd.f32 v10, v8;
	v13 =	vadd.f32 v13, v9  }
0x98: {  	v1 =	vld [tilespmem:s12+$0xD0]  }
0x99: {  	v8 =	vld [tilespmem:s12+$0x0]  }
0x9a: {  	v9 =	vld [tilespmem:s12+$0x10]  }
0x9b: {  	v11 =	vld [tilespmem:s12+$0x20]  }
0x9c: {  	v19 =	vld [tilespmem:s12+$0x30]  }
0x9d: {  	v3 =	vld [tilespmem:s12+$0x40]  }
0x9e: {  	v2 =	vld [tilespmem:s12+$0x50]  }
0x9f: {  	v20 =	vld [tilespmem:s12+$0xFFFFFF80]  }
0xa0: {  	v21 =	vld [tilespmem:s12+$0xFFFFFF90]  }
0xa1: {  	v22 =	vld [tilespmem:s12+$0xFFFFFF00]  }
0xa2: {  	v23 =	vld [tilespmem:s12+$0xFFFFFF10]  }
0xa3: {  	v24 =	vld [tilespmem:s12+$0xFFFFFF20]  }
0xa4: {  	v25 =	vld [tilespmem:s12+$0xFFFFFF30]  }
0xa5: {  	v26 =	vld [tilespmem:s12+$0xFFFFFFA0]  }
0xa6: {  	v27 =	vld [tilespmem:s12+$0xFFFFFFB0]  }
0xa7: {  	v28 =	vld [tilespmem:s12+$0xFFFFFFC0]  }
0xa8: {  	v7 =	vadd.f32 v22, v7;
	v6 =	vadd.f32 v23, v6;
	v22 =	vld [tilespmem:s12+$0xFFFFFFD0]  }
0xa9: {  	v5 =	vadd.f32 v24, v5;
	v4 =	vadd.f32 v25, v4;
	v23 =	vld [tilespmem:s12+$0xFFFFFF40]  }
0xaa: {  	v7 =	vadd.f32 v20, v7;
	v6 =	vadd.f32 v21, v6;
	v24 =	vld [tilespmem:s12+$0xFFFFFF50]  }
0xab: {  	v5 =	vadd.f32 v26, v5;
	v20 =	vld [tilespmem:s12+$0xFFFFFF60];
	v4 =	vadd.f32 v27, v4  }
0xac: {  	s0 =	sadd.s32 $0x4, s0;
	v7 =	vadd.f32 v8, v7;
	v6 =	vadd.f32 v9, v6;
	v21 =	vld [tilespmem:s12+$0xFFFFFF70]  }
0xad: {  	p0 =	slt.u32 s0, $0xC4;
	v5 =	vadd.f32 v11, v5;
	v8 =	vld [tilespmem:s12+$0xFFFFFFE0];
	v4 =	vadd.f32 v19, v4  }
.Ltmp1:
0xae: {  	v7 =	vadd.f32 v18, v7;
	v6 =	vadd.f32 v14, v6;
	v11 =	vld [tilespmem:s12+$0xFFFFFFF0];
	(pc) =	sbr.rel @p0 .LBB2_5-.Ltmp1, $4  }
0xaf: {  	v5 =	vadd.f32 v15, v5;
	v9 =	vld [tilespmem:s12+$0x60];
	v4 =	vadd.f32 v12, v4  }
0xb0: {  	v16 =	vadd.f32 v23, v16;
	v18 =	vadd.f32 v24, v17;
	v12 =	vld [tilespmem:s12+$0x70]  }
0xb1: {  	v15 =	vadd.f32 v20, v10;
	v14 =	vadd.f32 v21, v13;
	v10 =	vld [tilespmem:s12+$0xE0]  }
0xb2: {  	v17 =	vadd.f32 v28, v16;
	v16 =	vadd.f32 v22, v18;
	v13 =	vld [tilespmem:s12+$0xF0];
	s12 =	sadd.s32 $0x200, s12  }
0xb3: {  	_ = 	snop  }
0xb4: {  	v8 =	vadd.f32 v8, v15;
	v7 =	vmul.f32 $4.999999890e-03, v7;
	v3 =	vadd.f32 v3, v17  }
0xb5: {  	v11 =	vadd.f32 v11, v14;
	v6 =	vmul.f32 $4.999999890e-03, v6;
	v2 =	vadd.f32 v2, v16  }
0xb6: {  	v8 =	vadd.f32 v9, v8;
	[tilespmem:s31+$0x19080] =	vst v7;
	v0 =	vadd.f32 v0, v3;
	v3 =	vmul.f32 $4.999999890e-03, v5  }
0xb7: {  	[tilespmem:s31+$0x19090] =	vst v6;
	v5 =	vadd.f32 v12, v11;
	v1 =	vadd.f32 v1, v2;
	v2 =	vmul.f32 $4.999999890e-03, v4  }
0xb8: {  	v4 =	vadd.f32 v10, v8;
	[tilespmem:s31+$0x190A0] =	vst v3;
	v0 =	vmul.f32 $4.999999890e-03, v0  }
0xb9: {  	v3 =	vadd.f32 v13, v5;
	[tilespmem:s31+$0x190B0] =	vst v2;
	v1 =	vmul.f32 $4.999999890e-03, v1  }
0xba: {  	[tilespmem:s31+$0x190C0] =	vst v0;
	v0 =	vmul.f32 $4.999999890e-03, v4  }
0xbb: {  	[tilespmem:s31+$0x190D0] =	vst v1;
	v1 =	vmul.f32 $4.999999890e-03, v3  }
0xbc: {  	[tilespmem:s31+$0x190E0] =	vst v0  }
0xbd: {  	s0 =	sadd.s32 $0x320, s1;
	[tilespmem:s31+$0x190F0] =	vst v1  }
0xbe: {  	[tilespmem:s13], [sflag:$0x2] =	stream.indirect.gather [hbm4b:s2+s8], $0x80, s0, s8, $0xb8;
	[tilespmem:$0x1D000] =	vst v63  }
0xbf: {  	s12 =	sadd.s32 $0x388, s1  }
0xc0: {  	[tilespmem:s15], [sflag:$0x2] =	stream.indirect.gather [hbm4b:s2+s10], $0x80, s12, s10, $0xb8;
	[tilespmem:$0x1D000] =	vst v63  }
0xc1: {  	_ =	swait.ge [sflag:s22], $0x6400  }
0xc2: {  	[sflag:s22] =	ssyncset.done $0x0  }
0xc3: {  	s12 =	simm.s32 $0x12D00;
	[sflag:s22] =	ssyncadd.s32 $0xFFFF9C00  }
0xc4: {  	v4 =	vld [tilespmem:s12+$0x80]  }
0xc5: {  	v5 =	vld [tilespmem:s12+$0x90]  }
0xc6: {  	v10 =	vld [tilespmem:s12+$0xA0]  }
0xc7: {  	v12 =	vld [tilespmem:s12+$0xB0]  }
0xc8: {  	v0 =	vld [tilespmem:s12+$0xC0]  }
0xc9: {  	v1 =	vld [tilespmem:s12+$0xD0]  }
0xca: {  	v6 =	vld [tilespmem:s12+$0x0]  }
0xcb: {  	v7 =	vld [tilespmem:s12+$0x10]  }
0xcc: {  	v9 =	vld [tilespmem:s12+$0x20]  }
0xcd: {  	v11 =	vld [tilespmem:s12+$0x30]  }
0xce: {  	v3 =	vld [tilespmem:s12+$0x40]  }
0xcf: {  	v2 =	vld [tilespmem:s12+$0x50]  }
0xd0: {  	v8 =	vld [tilespmem:s12+$0xFFFFFF80]  }
0xd1: {  	v13 =	vld [tilespmem:s12+$0xFFFFFF90]  }
0xd2: {  	v14 =	vld [tilespmem:s12+$0xFFFFFF00]  }
0xd3: {  	v15 =	vld [tilespmem:s12+$0xFFFFFF10]  }
0xd4: {  	v16 =	vld [tilespmem:s12+$0xFFFFFF20]  }
0xd5: {  	v17 =	vld [tilespmem:s12+$0xFFFFFF30]  }
0xd6: {  	v18 =	vld [tilespmem:s12+$0xFFFFFFA0]  }
0xd7: {  	v19 =	vld [tilespmem:s12+$0xFFFFFFB0]  }
0xd8: {  	v20 =	vimm.f32 $0.0e+00;
	v21 =	vld [tilespmem:s12+$0xFFFFFFC0]  }
0xd9: {  	v22 =	vld [tilespmem:s12+$0xFFFFFFD0];
	v14 =	vadd.f32 v14, v20;
	v15 =	vadd.f32 v15, v20  }
0xda: {  	v23 =	vld [tilespmem:s12+$0xFFFFFF40];
	v16 =	vadd.f32 v16, v20;
	v17 =	vadd.f32 v17, v20  }
0xdb: {  	v24 =	vld [tilespmem:s12+$0xFFFFFF50];
	v8 =	vadd.f32 v8, v14;
	v13 =	vadd.f32 v13, v15  }
0xdc: {  	v14 =	vld [tilespmem:s12+$0xFFFFFF60];
	v15 =	vadd.f32 v18, v16;
	v16 =	vadd.f32 v19, v17  }
0xdd: {  	v17 =	vld [tilespmem:s12+$0xFFFFFF70];
	v6 =	vadd.f32 v6, v8;
	v13 =	vadd.f32 v7, v13  }
0xde: {  	v8 =	vld [tilespmem:s12+$0xFFFFFFE0];
	v15 =	vadd.f32 v9, v15;
	v16 =	vadd.f32 v11, v16  }
0xdf: {  	v11 =	vld [tilespmem:s12+$0xFFFFFFF0];
	v7 =	vadd.f32 v4, v6;
	v6 =	vadd.f32 v5, v13  }
0xe0: {  	v9 =	vld [tilespmem:s12+$0x60];
	v5 =	vadd.f32 v10, v15;
	v4 =	vadd.f32 v12, v16  }
0xe1: {  	v13 =	vadd.f32 v23, v20;
	v16 =	vadd.f32 v24, v20;
	v12 =	vld [tilespmem:s12+$0x70]  }
0xe2: {  	v10 =	vld [tilespmem:s12+$0xE0];
	v15 =	vadd.f32 v14, v20;
	v14 =	vadd.f32 v17, v20  }
0xe3: {  	s0 =	simm.s32 $0x0;
	v17 =	vadd.f32 v21, v13;
	v16 =	vadd.f32 v22, v16;
	v13 =	vld [tilespmem:s12+$0xF0];
	s12 =	simm.s32 $0x12F00  }
.LBB2_7:
0xe4: {  	v18 =	vld [tilespmem:s12+$0x80];
	v8 =	vadd.f32 v8, v15;
	v11 =	vadd.f32 v11, v14  }
0xe5: {  	v14 =	vld [tilespmem:s12+$0x90];
	v3 =	vadd.f32 v3, v17;
	v2 =	vadd.f32 v2, v16  }
0xe6: {  	v15 =	vld [tilespmem:s12+$0xA0];
	v8 =	vadd.f32 v9, v8;
	v9 =	vadd.f32 v12, v11  }
0xe7: {  	v12 =	vld [tilespmem:s12+$0xB0];
	v16 =	vadd.f32 v0, v3;
	v17 =	vadd.f32 v1, v2  }
0xe8: {  	v0 =	vld [tilespmem:s12+$0xC0];
	v10 =	vadd.f32 v10, v8;
	v13 =	vadd.f32 v13, v9  }
0xe9: {  	v1 =	vld [tilespmem:s12+$0xD0]  }
0xea: {  	v8 =	vld [tilespmem:s12+$0x0]  }
0xeb: {  	v9 =	vld [tilespmem:s12+$0x10]  }
0xec: {  	v11 =	vld [tilespmem:s12+$0x20]  }
0xed: {  	v19 =	vld [tilespmem:s12+$0x30]  }
0xee: {  	v3 =	vld [tilespmem:s12+$0x40]  }
0xef: {  	v2 =	vld [tilespmem:s12+$0x50]  }
0xf0: {  	v20 =	vld [tilespmem:s12+$0xFFFFFF80]  }
0xf1: {  	v21 =	vld [tilespmem:s12+$0xFFFFFF90]  }
0xf2: {  	v22 =	vld [tilespmem:s12+$0xFFFFFF00]  }
0xf3: {  	v23 =	vld [tilespmem:s12+$0xFFFFFF10]  }
0xf4: {  	v24 =	vld [tilespmem:s12+$0xFFFFFF20]  }
0xf5: {  	v25 =	vld [tilespmem:s12+$0xFFFFFF30]  }
0xf6: {  	v26 =	vld [tilespmem:s12+$0xFFFFFFA0]  }
0xf7: {  	v27 =	vld [tilespmem:s12+$0xFFFFFFB0]  }
0xf8: {  	v28 =	vld [tilespmem:s12+$0xFFFFFFC0]  }
0xf9: {  	v7 =	vadd.f32 v22, v7;
	v6 =	vadd.f32 v23, v6;
	v22 =	vld [tilespmem:s12+$0xFFFFFFD0]  }
0xfa: {  	v5 =	vadd.f32 v24, v5;
	v4 =	vadd.f32 v25, v4;
	v23 =	vld [tilespmem:s12+$0xFFFFFF40]  }
0xfb: {  	v7 =	vadd.f32 v20, v7;
	v6 =	vadd.f32 v21, v6;
	v24 =	vld [tilespmem:s12+$0xFFFFFF50]  }
0xfc: {  	v5 =	vadd.f32 v26, v5;
	v20 =	vld [tilespmem:s12+$0xFFFFFF60];
	v4 =	vadd.f32 v27, v4  }
0xfd: {  	s0 =	sadd.s32 $0x4, s0;
	v7 =	vadd.f32 v8, v7;
	v6 =	vadd.f32 v9, v6;
	v21 =	vld [tilespmem:s12+$0xFFFFFF70]  }
0xfe: {  	p0 =	slt.u32 s0, $0xC4;
	v5 =	vadd.f32 v11, v5;
	v8 =	vld [tilespmem:s12+$0xFFFFFFE0];
	v4 =	vadd.f32 v19, v4  }
.Ltmp2:
0xff: {  	v7 =	vadd.f32 v18, v7;
	v6 =	vadd.f32 v14, v6;
	v11 =	vld [tilespmem:s12+$0xFFFFFFF0];
	(pc) =	sbr.rel @p0 .LBB2_7-.Ltmp2, $4  }
0x100: {  	v5 =	vadd.f32 v15, v5;
	v9 =	vld [tilespmem:s12+$0x60];
	v4 =	vadd.f32 v12, v4  }
0x101: {  	v16 =	vadd.f32 v23, v16;
	v18 =	vadd.f32 v24, v17;
	v12 =	vld [tilespmem:s12+$0x70]  }
0x102: {  	v15 =	vadd.f32 v20, v10;
	v14 =	vadd.f32 v21, v13;
	v10 =	vld [tilespmem:s12+$0xE0]  }
0x103: {  	v17 =	vadd.f32 v28, v16;
	v16 =	vadd.f32 v22, v18;
	v13 =	vld [tilespmem:s12+$0xF0];
	s12 =	sadd.s32 $0x200, s12  }
0x104: {  	_ = 	snop  }
0x105: {  	v8 =	vadd.f32 v8, v15;
	v7 =	vmul.f32 $4.999999890e-03, v7;
	v3 =	vadd.f32 v3, v17  }
0x106: {  	v11 =	vadd.f32 v11, v14;
	v6 =	vmul.f32 $4.999999890e-03, v6;
	v2 =	vadd.f32 v2, v16  }
0x107: {  	v57 =	vmul.f32 $4.999999890e-03, v5;
	v8 =	vadd.f32 v9, v8;
	[tilespmem:s31+$0x19100] =	vst v7;
	v0 =	vadd.f32 v0, v3  }
0x108: {  	v59 =	vmul.f32 $4.999999890e-03, v4;
	v58 =	vadd.f32 v12, v11;
	[tilespmem:s31+$0x19110] =	vst v6;
	v1 =	vadd.f32 v1, v2  }
0x109: {  	[tilespmem:s31+$0x19120] =	vst v57;
	v60 =	vadd.f32 v10, v8;
	v0 =	vmul.f32 $4.999999890e-03, v0  }
0x10a: {  	[tilespmem:s31+$0x19130] =	vst v59;
	v61 =	vadd.f32 v13, v58;
	v1 =	vmul.f32 $4.999999890e-03, v1  }
0x10b: {  	s30 =	sadd.s32 $0x1, s30;
	v62 =	vmul.f32 $4.999999890e-03, v60;
	[tilespmem:s31+$0x19140] =	vst v0  }
0x10c: {  	p0 =	sne.s32 s30, $0x29;
	v63 =	vmul.f32 $4.999999890e-03, v61;
	[tilespmem:s31+$0x19150] =	vst v1  }
.Ltmp3:
0x10d: {  	[tilespmem:s31+$0x19160] =	vst v62;
	(pc) =	sbr.rel @p0 .LBB2_2-.Ltmp3, $4  }
0x10e: {  	s0 =	sadd.s32 $0x3E8, s1;
	[tilespmem:s31+$0x19170] =	vst v63  }
0x10f: {  	[tilespmem:s17], [sflag:$0x3] =	stream.indirect.gather [hbm4b:s2+s8], $0x80, s0, s8, $0xb8;
	[tilespmem:$0x1D000] =	vst v63  }
0x110: {  	s31 =	sadd.s32 $0x450, s1  }
0x111: {  	[tilespmem:s19], [sflag:$0x3] =	stream.indirect.gather [hbm4b:s2+s10], $0x80, s31, s10, $0xb8;
	[tilespmem:$0x1D000] =	vst v63  }
0x112: {  	_ =	swait.ge [sflag:s20], $0x6400  }
0x113: {  	[sflag:s20] =	ssyncset.done $0x0  }
0x114: {  	s1 =	simm.s32 $0x6500;
	[sflag:s20] =	ssyncadd.s32 $0xFFFF9C00  }
0x115: {  	v4 =	vld [tilespmem:s1+$0x80]  }
0x116: {  	v5 =	vld [tilespmem:s1+$0x90]  }
0x117: {  	v10 =	vld [tilespmem:s1+$0xA0]  }
0x118: {  	v12 =	vld [tilespmem:s1+$0xB0]  }
0x119: {  	v0 =	vld [tilespmem:s1+$0xC0]  }
0x11a: {  	v1 =	vld [tilespmem:s1+$0xD0]  }
0x11b: {  	v6 =	vld [tilespmem:s1+$0x0]  }
0x11c: {  	v7 =	vld [tilespmem:s1+$0x10]  }
0x11d: {  	v9 =	vld [tilespmem:s1+$0x20]  }
0x11e: {  	v11 =	vld [tilespmem:s1+$0x30]  }
0x11f: {  	v3 =	vld [tilespmem:s1+$0x40]  }
0x120: {  	v2 =	vld [tilespmem:s1+$0x50]  }
0x121: {  	v8 =	vld [tilespmem:s1+$0xFFFFFF80]  }
0x122: {  	v13 =	vld [tilespmem:s1+$0xFFFFFF90]  }
0x123: {  	v14 =	vld [tilespmem:s1+$0xFFFFFF00]  }
0x124: {  	v15 =	vld [tilespmem:s1+$0xFFFFFF10]  }
0x125: {  	v16 =	vld [tilespmem:s1+$0xFFFFFF20]  }
0x126: {  	v17 =	vld [tilespmem:s1+$0xFFFFFF30]  }
0x127: {  	v18 =	vld [tilespmem:s1+$0xFFFFFFA0]  }
0x128: {  	v19 =	vld [tilespmem:s1+$0xFFFFFFB0]  }
0x129: {  	v20 =	vimm.f32 $0.0e+00;
	v21 =	vld [tilespmem:s1+$0xFFFFFFC0]  }
0x12a: {  	v22 =	vld [tilespmem:s1+$0xFFFFFFD0];
	v14 =	vadd.f32 v14, v20;
	v15 =	vadd.f32 v15, v20  }
0x12b: {  	v23 =	vld [tilespmem:s1+$0xFFFFFF40];
	v16 =	vadd.f32 v16, v20;
	v17 =	vadd.f32 v17, v20  }
0x12c: {  	v24 =	vld [tilespmem:s1+$0xFFFFFF50];
	v8 =	vadd.f32 v8, v14;
	v13 =	vadd.f32 v13, v15  }
0x12d: {  	v14 =	vld [tilespmem:s1+$0xFFFFFF60];
	v15 =	vadd.f32 v18, v16;
	v16 =	vadd.f32 v19, v17  }
0x12e: {  	v17 =	vld [tilespmem:s1+$0xFFFFFF70];
	v6 =	vadd.f32 v6, v8;
	v13 =	vadd.f32 v7, v13  }
0x12f: {  	v8 =	vld [tilespmem:s1+$0xFFFFFFE0];
	v15 =	vadd.f32 v9, v15;
	v16 =	vadd.f32 v11, v16  }
0x130: {  	v11 =	vld [tilespmem:s1+$0xFFFFFFF0];
	v7 =	vadd.f32 v4, v6;
	v6 =	vadd.f32 v5, v13  }
0x131: {  	v9 =	vld [tilespmem:s1+$0x60];
	v5 =	vadd.f32 v10, v15;
	v4 =	vadd.f32 v12, v16  }
0x132: {  	v13 =	vadd.f32 v23, v20;
	v16 =	vadd.f32 v24, v20;
	v12 =	vld [tilespmem:s1+$0x70]  }
0x133: {  	v10 =	vld [tilespmem:s1+$0xE0];
	v15 =	vadd.f32 v14, v20;
	v14 =	vadd.f32 v17, v20  }
0x134: {  	s0 =	simm.s32 $0x0;
	v17 =	vadd.f32 v21, v13;
	v16 =	vadd.f32 v22, v16;
	v13 =	vld [tilespmem:s1+$0xF0];
	s1 =	simm.s32 $0x6700  }
.LBB2_10:
0x135: {  	v18 =	vld [tilespmem:s1+$0x80];
	v8 =	vadd.f32 v8, v15;
	v11 =	vadd.f32 v11, v14  }
0x136: {  	v14 =	vld [tilespmem:s1+$0x90];
	v3 =	vadd.f32 v3, v17;
	v2 =	vadd.f32 v2, v16  }
0x137: {  	v15 =	vld [tilespmem:s1+$0xA0];
	v8 =	vadd.f32 v9, v8;
	v9 =	vadd.f32 v12, v11  }
0x138: {  	v12 =	vld [tilespmem:s1+$0xB0];
	v16 =	vadd.f32 v0, v3;
	v17 =	vadd.f32 v1, v2  }
0x139: {  	v0 =	vld [tilespmem:s1+$0xC0];
	v10 =	vadd.f32 v10, v8;
	v13 =	vadd.f32 v13, v9  }
0x13a: {  	v1 =	vld [tilespmem:s1+$0xD0]  }
0x13b: {  	v8 =	vld [tilespmem:s1+$0x0]  }
0x13c: {  	v9 =	vld [tilespmem:s1+$0x10]  }
0x13d: {  	v11 =	vld [tilespmem:s1+$0x20]  }
0x13e: {  	v19 =	vld [tilespmem:s1+$0x30]  }
0x13f: {  	v3 =	vld [tilespmem:s1+$0x40]  }
0x140: {  	v2 =	vld [tilespmem:s1+$0x50]  }
0x141: {  	v20 =	vld [tilespmem:s1+$0xFFFFFF80]  }
0x142: {  	v21 =	vld [tilespmem:s1+$0xFFFFFF90]  }
0x143: {  	v22 =	vld [tilespmem:s1+$0xFFFFFF00]  }
0x144: {  	v23 =	vld [tilespmem:s1+$0xFFFFFF10]  }
0x145: {  	v24 =	vld [tilespmem:s1+$0xFFFFFF20]  }
0x146: {  	v25 =	vld [tilespmem:s1+$0xFFFFFF30]  }
0x147: {  	v26 =	vld [tilespmem:s1+$0xFFFFFFA0]  }
0x148: {  	v27 =	vld [tilespmem:s1+$0xFFFFFFB0]  }
0x149: {  	v28 =	vld [tilespmem:s1+$0xFFFFFFC0]  }
0x14a: {  	v7 =	vadd.f32 v22, v7;
	v6 =	vadd.f32 v23, v6;
	v22 =	vld [tilespmem:s1+$0xFFFFFFD0]  }
0x14b: {  	v5 =	vadd.f32 v24, v5;
	v4 =	vadd.f32 v25, v4;
	v23 =	vld [tilespmem:s1+$0xFFFFFF40]  }
0x14c: {  	v7 =	vadd.f32 v20, v7;
	v6 =	vadd.f32 v21, v6;
	v24 =	vld [tilespmem:s1+$0xFFFFFF50]  }
0x14d: {  	v5 =	vadd.f32 v26, v5;
	v20 =	vld [tilespmem:s1+$0xFFFFFF60];
	v4 =	vadd.f32 v27, v4  }
0x14e: {  	s0 =	sadd.s32 $0x4, s0;
	v7 =	vadd.f32 v8, v7;
	v6 =	vadd.f32 v9, v6;
	v21 =	vld [tilespmem:s1+$0xFFFFFF70]  }
0x14f: {  	p0 =	slt.u32 s0, $0xC4;
	v5 =	vadd.f32 v11, v5;
	v8 =	vld [tilespmem:s1+$0xFFFFFFE0];
	v4 =	vadd.f32 v19, v4  }
.Ltmp4:
0x150: {  	v7 =	vadd.f32 v18, v7;
	v6 =	vadd.f32 v14, v6;
	v11 =	vld [tilespmem:s1+$0xFFFFFFF0];
	(pc) =	sbr.rel @p0 .LBB2_10-.Ltmp4, $4  }
0x151: {  	v5 =	vadd.f32 v15, v5;
	v9 =	vld [tilespmem:s1+$0x60];
	v4 =	vadd.f32 v12, v4  }
0x152: {  	v16 =	vadd.f32 v23, v16;
	v18 =	vadd.f32 v24, v17;
	v12 =	vld [tilespmem:s1+$0x70]  }
0x153: {  	v15 =	vadd.f32 v20, v10;
	v14 =	vadd.f32 v21, v13;
	v10 =	vld [tilespmem:s1+$0xE0]  }
0x154: {  	v17 =	vadd.f32 v28, v16;
	v16 =	vadd.f32 v22, v18;
	v13 =	vld [tilespmem:s1+$0xF0];
	s1 =	sadd.s32 $0x200, s1  }
0x155: {  	_ = 	snop  }
0x156: {  	v8 =	vadd.f32 v8, v15;
	v7 =	vmul.f32 $4.999999890e-03, v7;
	v3 =	vadd.f32 v3, v17  }
0x157: {  	v11 =	vadd.f32 v11, v14;
	v6 =	vmul.f32 $4.999999890e-03, v6;
	v2 =	vadd.f32 v2, v16  }
0x158: {  	v8 =	vadd.f32 v9, v8;
	[tilespmem:$0x1CD80] =	vst v7;
	v0 =	vadd.f32 v0, v3;
	v3 =	vmul.f32 $4.999999890e-03, v5  }
0x159: {  	[tilespmem:$0x1CD90] =	vst v6;
	v5 =	vadd.f32 v12, v11;
	v1 =	vadd.f32 v1, v2;
	v2 =	vmul.f32 $4.999999890e-03, v4  }
0x15a: {  	v4 =	vadd.f32 v10, v8;
	[tilespmem:$0x1CDA0] =	vst v3;
	v0 =	vmul.f32 $4.999999890e-03, v0  }
0x15b: {  	v3 =	vadd.f32 v13, v5;
	[tilespmem:$0x1CDB0] =	vst v2;
	v1 =	vmul.f32 $4.999999890e-03, v1  }
0x15c: {  	[tilespmem:$0x1CDC0] =	vst v0;
	v0 =	vmul.f32 $4.999999890e-03, v4  }
0x15d: {  	[tilespmem:$0x1CDD0] =	vst v1;
	v1 =	vmul.f32 $4.999999890e-03, v3  }
0x15e: {  	[tilespmem:$0x1CDE0] =	vst v0  }
0x15f: {  	[tilespmem:$0x1CDF0] =	vst v1  }
0x160: {  	[tilespmem:s9], [sflag:$0x1] =	stream.indirect.gather [hbm4b:s2+s8], $0x80, s23, s8, $0xb8;
	[tilespmem:$0x1D000] =	vst v63  }
0x161: {  	_ = 	snop  }
0x162: {  	[tilespmem:s11], [sflag:$0x1] =	stream.indirect.gather [hbm4b:s2+s10], $0x80, s24, s10, $0xb8;
	[tilespmem:$0x1D000] =	vst v63  }
0x163: {  	_ =	swait.ge [sflag:s21], $0x6400  }
0x164: {  	[sflag:s21] =	ssyncset.done $0x0  }
0x165: {  	s1 =	simm.s32 $0xC900;
	[sflag:s21] =	ssyncadd.s32 $0xFFFF9C00  }
0x166: {  	v4 =	vld [tilespmem:s1+$0x80]  }
0x167: {  	v5 =	vld [tilespmem:s1+$0x90]  }
0x168: {  	v10 =	vld [tilespmem:s1+$0xA0]  }
0x169: {  	v12 =	vld [tilespmem:s1+$0xB0]  }
0x16a: {  	v0 =	vld [tilespmem:s1+$0xC0]  }
0x16b: {  	v1 =	vld [tilespmem:s1+$0xD0]  }
0x16c: {  	v6 =	vld [tilespmem:s1+$0x0]  }
0x16d: {  	v7 =	vld [tilespmem:s1+$0x10]  }
0x16e: {  	v9 =	vld [tilespmem:s1+$0x20]  }
0x16f: {  	v11 =	vld [tilespmem:s1+$0x30]  }
0x170: {  	v3 =	vld [tilespmem:s1+$0x40]  }
0x171: {  	v2 =	vld [tilespmem:s1+$0x50]  }
0x172: {  	v8 =	vld [tilespmem:s1+$0xFFFFFF80]  }
0x173: {  	v13 =	vld [tilespmem:s1+$0xFFFFFF90]  }
0x174: {  	v14 =	vld [tilespmem:s1+$0xFFFFFF00]  }
0x175: {  	v15 =	vld [tilespmem:s1+$0xFFFFFF10]  }
0x176: {  	v16 =	vld [tilespmem:s1+$0xFFFFFF20]  }
0x177: {  	v17 =	vld [tilespmem:s1+$0xFFFFFF30]  }
0x178: {  	v18 =	vld [tilespmem:s1+$0xFFFFFFA0]  }
0x179: {  	v19 =	vld [tilespmem:s1+$0xFFFFFFB0]  }
0x17a: {  	v20 =	vimm.f32 $0.0e+00;
	v21 =	vld [tilespmem:s1+$0xFFFFFFC0]  }
0x17b: {  	v22 =	vld [tilespmem:s1+$0xFFFFFFD0];
	v14 =	vadd.f32 v14, v20;
	v15 =	vadd.f32 v15, v20  }
0x17c: {  	v23 =	vld [tilespmem:s1+$0xFFFFFF40];
	v16 =	vadd.f32 v16, v20;
	v17 =	vadd.f32 v17, v20  }
0x17d: {  	v24 =	vld [tilespmem:s1+$0xFFFFFF50];
	v8 =	vadd.f32 v8, v14;
	v13 =	vadd.f32 v13, v15  }
0x17e: {  	v14 =	vld [tilespmem:s1+$0xFFFFFF60];
	v15 =	vadd.f32 v18, v16;
	v16 =	vadd.f32 v19, v17  }
0x17f: {  	v17 =	vld [tilespmem:s1+$0xFFFFFF70];
	v6 =	vadd.f32 v6, v8;
	v13 =	vadd.f32 v7, v13  }
0x180: {  	v8 =	vld [tilespmem:s1+$0xFFFFFFE0];
	v15 =	vadd.f32 v9, v15;
	v16 =	vadd.f32 v11, v16  }
0x181: {  	v11 =	vld [tilespmem:s1+$0xFFFFFFF0];
	v7 =	vadd.f32 v4, v6;
	v6 =	vadd.f32 v5, v13  }
0x182: {  	v9 =	vld [tilespmem:s1+$0x60];
	v5 =	vadd.f32 v10, v15;
	v4 =	vadd.f32 v12, v16  }
0x183: {  	v13 =	vadd.f32 v23, v20;
	v16 =	vadd.f32 v24, v20;
	v12 =	vld [tilespmem:s1+$0x70]  }
0x184: {  	v10 =	vld [tilespmem:s1+$0xE0];
	v15 =	vadd.f32 v14, v20;
	v14 =	vadd.f32 v17, v20  }
0x185: {  	s0 =	simm.s32 $0x0;
	v17 =	vadd.f32 v21, v13;
	v16 =	vadd.f32 v22, v16;
	v13 =	vld [tilespmem:s1+$0xF0];
	s1 =	simm.s32 $0xCB00  }
.LBB2_12:
0x186: {  	v18 =	vld [tilespmem:s1+$0x80];
	v8 =	vadd.f32 v8, v15;
	v11 =	vadd.f32 v11, v14  }
0x187: {  	v14 =	vld [tilespmem:s1+$0x90];
	v3 =	vadd.f32 v3, v17;
	v2 =	vadd.f32 v2, v16  }
0x188: {  	v15 =	vld [tilespmem:s1+$0xA0];
	v8 =	vadd.f32 v9, v8;
	v9 =	vadd.f32 v12, v11  }
0x189: {  	v12 =	vld [tilespmem:s1+$0xB0];
	v16 =	vadd.f32 v0, v3;
	v17 =	vadd.f32 v1, v2  }
0x18a: {  	v0 =	vld [tilespmem:s1+$0xC0];
	v10 =	vadd.f32 v10, v8;
	v13 =	vadd.f32 v13, v9  }
0x18b: {  	v1 =	vld [tilespmem:s1+$0xD0]  }
0x18c: {  	v8 =	vld [tilespmem:s1+$0x0]  }
0x18d: {  	v9 =	vld [tilespmem:s1+$0x10]  }
0x18e: {  	v11 =	vld [tilespmem:s1+$0x20]  }
0x18f: {  	v19 =	vld [tilespmem:s1+$0x30]  }
0x190: {  	v3 =	vld [tilespmem:s1+$0x40]  }
0x191: {  	v2 =	vld [tilespmem:s1+$0x50]  }
0x192: {  	v20 =	vld [tilespmem:s1+$0xFFFFFF80]  }
0x193: {  	v21 =	vld [tilespmem:s1+$0xFFFFFF90]  }
0x194: {  	v22 =	vld [tilespmem:s1+$0xFFFFFF00]  }
0x195: {  	v23 =	vld [tilespmem:s1+$0xFFFFFF10]  }
0x196: {  	v24 =	vld [tilespmem:s1+$0xFFFFFF20]  }
0x197: {  	v25 =	vld [tilespmem:s1+$0xFFFFFF30]  }
0x198: {  	v26 =	vld [tilespmem:s1+$0xFFFFFFA0]  }
0x199: {  	v27 =	vld [tilespmem:s1+$0xFFFFFFB0]  }
0x19a: {  	v28 =	vld [tilespmem:s1+$0xFFFFFFC0]  }
0x19b: {  	v7 =	vadd.f32 v22, v7;
	v6 =	vadd.f32 v23, v6;
	v22 =	vld [tilespmem:s1+$0xFFFFFFD0]  }
0x19c: {  	v5 =	vadd.f32 v24, v5;
	v4 =	vadd.f32 v25, v4;
	v23 =	vld [tilespmem:s1+$0xFFFFFF40]  }
0x19d: {  	v7 =	vadd.f32 v20, v7;
	v6 =	vadd.f32 v21, v6;
	v24 =	vld [tilespmem:s1+$0xFFFFFF50]  }
0x19e: {  	v5 =	vadd.f32 v26, v5;
	v20 =	vld [tilespmem:s1+$0xFFFFFF60];
	v4 =	vadd.f32 v27, v4  }
0x19f: {  	s0 =	sadd.s32 $0x4, s0;
	v7 =	vadd.f32 v8, v7;
	v6 =	vadd.f32 v9, v6;
	v21 =	vld [tilespmem:s1+$0xFFFFFF70]  }
0x1a0: {  	p0 =	slt.u32 s0, $0xC4;
	v5 =	vadd.f32 v11, v5;
	v8 =	vld [tilespmem:s1+$0xFFFFFFE0];
	v4 =	vadd.f32 v19, v4  }
.Ltmp5:
0x1a1: {  	v7 =	vadd.f32 v18, v7;
	v6 =	vadd.f32 v14, v6;
	v11 =	vld [tilespmem:s1+$0xFFFFFFF0];
	(pc) =	sbr.rel @p0 .LBB2_12-.Ltmp5, $4  }
0x1a2: {  	v5 =	vadd.f32 v15, v5;
	v9 =	vld [tilespmem:s1+$0x60];
	v4 =	vadd.f32 v12, v4  }
0x1a3: {  	v16 =	vadd.f32 v23, v16;
	v18 =	vadd.f32 v24, v17;
	v12 =	vld [tilespmem:s1+$0x70]  }
0x1a4: {  	v15 =	vadd.f32 v20, v10;
	v14 =	vadd.f32 v21, v13;
	v10 =	vld [tilespmem:s1+$0xE0]  }
0x1a5: {  	v17 =	vadd.f32 v28, v16;
	v16 =	vadd.f32 v22, v18;
	v13 =	vld [tilespmem:s1+$0xF0];
	s1 =	sadd.s32 $0x200, s1  }
0x1a6: {  	_ = 	snop  }
0x1a7: {  	v8 =	vadd.f32 v8, v15;
	v7 =	vmul.f32 $4.999999890e-03, v7;
	v3 =	vadd.f32 v3, v17  }
0x1a8: {  	v11 =	vadd.f32 v11, v14;
	v6 =	vmul.f32 $4.999999890e-03, v6;
	v2 =	vadd.f32 v2, v16  }
0x1a9: {  	v8 =	vadd.f32 v9, v8;
	[tilespmem:$0x1CE00] =	vst v7;
	v0 =	vadd.f32 v0, v3;
	v3 =	vmul.f32 $4.999999890e-03, v5  }
0x1aa: {  	[tilespmem:$0x1CE10] =	vst v6;
	v5 =	vadd.f32 v12, v11;
	v1 =	vadd.f32 v1, v2;
	v2 =	vmul.f32 $4.999999890e-03, v4  }
0x1ab: {  	v4 =	vadd.f32 v10, v8;
	[tilespmem:$0x1CE20] =	vst v3;
	v0 =	vmul.f32 $4.999999890e-03, v0  }
0x1ac: {  	v3 =	vadd.f32 v13, v5;
	[tilespmem:$0x1CE30] =	vst v2;
	v1 =	vmul.f32 $4.999999890e-03, v1  }
0x1ad: {  	[tilespmem:$0x1CE40] =	vst v0;
	v0 =	vmul.f32 $4.999999890e-03, v4  }
0x1ae: {  	[tilespmem:$0x1CE50] =	vst v1;
	v1 =	vmul.f32 $4.999999890e-03, v3  }
0x1af: {  	[tilespmem:$0x1CE60] =	vst v0  }
0x1b0: {  	[tilespmem:$0x1CE70] =	vst v1  }
0x1b1: {  	[tilespmem:s13], [sflag:$0x2] =	stream.indirect.gather [hbm4b:s2+s8], $0x80, s25, s8, $0xb8;
	[tilespmem:$0x1D000] =	vst v63  }
0x1b2: {  	_ = 	snop  }
0x1b3: {  	[tilespmem:s15], [sflag:$0x2] =	stream.indirect.gather [hbm4b:s2+s10], $0x80, s26, s10, $0xb8;
	[tilespmem:$0x1D000] =	vst v63  }
0x1b4: {  	_ =	swait.ge [sflag:s22], $0x6400  }
0x1b5: {  	[sflag:s22] =	ssyncset.done $0x0  }
0x1b6: {  	s1 =	simm.s32 $0x12D00;
	[sflag:s22] =	ssyncadd.s32 $0xFFFF9C00  }
0x1b7: {  	v4 =	vld [tilespmem:s1+$0x80]  }
0x1b8: {  	v5 =	vld [tilespmem:s1+$0x90]  }
0x1b9: {  	v10 =	vld [tilespmem:s1+$0xA0]  }
0x1ba: {  	v12 =	vld [tilespmem:s1+$0xB0]  }
0x1bb: {  	v0 =	vld [tilespmem:s1+$0xC0]  }
0x1bc: {  	v1 =	vld [tilespmem:s1+$0xD0]  }
0x1bd: {  	v6 =	vld [tilespmem:s1+$0x0]  }
0x1be: {  	v7 =	vld [tilespmem:s1+$0x10]  }
0x1bf: {  	v9 =	vld [tilespmem:s1+$0x20]  }
0x1c0: {  	v11 =	vld [tilespmem:s1+$0x30]  }
0x1c1: {  	v3 =	vld [tilespmem:s1+$0x40]  }
0x1c2: {  	v2 =	vld [tilespmem:s1+$0x50]  }
0x1c3: {  	v8 =	vld [tilespmem:s1+$0xFFFFFF80]  }
0x1c4: {  	v13 =	vld [tilespmem:s1+$0xFFFFFF90]  }
0x1c5: {  	v14 =	vld [tilespmem:s1+$0xFFFFFF00]  }
0x1c6: {  	v15 =	vld [tilespmem:s1+$0xFFFFFF10]  }
0x1c7: {  	v16 =	vld [tilespmem:s1+$0xFFFFFF20]  }
0x1c8: {  	v17 =	vld [tilespmem:s1+$0xFFFFFF30]  }
0x1c9: {  	v18 =	vld [tilespmem:s1+$0xFFFFFFA0]  }
0x1ca: {  	v19 =	vld [tilespmem:s1+$0xFFFFFFB0]  }
0x1cb: {  	v20 =	vimm.f32 $0.0e+00;
	v21 =	vld [tilespmem:s1+$0xFFFFFFC0]  }
0x1cc: {  	v22 =	vld [tilespmem:s1+$0xFFFFFFD0];
	v14 =	vadd.f32 v14, v20;
	v15 =	vadd.f32 v15, v20  }
0x1cd: {  	v23 =	vld [tilespmem:s1+$0xFFFFFF40];
	v16 =	vadd.f32 v16, v20;
	v17 =	vadd.f32 v17, v20  }
0x1ce: {  	v24 =	vld [tilespmem:s1+$0xFFFFFF50];
	v8 =	vadd.f32 v8, v14;
	v13 =	vadd.f32 v13, v15  }
0x1cf: {  	v14 =	vld [tilespmem:s1+$0xFFFFFF60];
	v15 =	vadd.f32 v18, v16;
	v16 =	vadd.f32 v19, v17  }
0x1d0: {  	v17 =	vld [tilespmem:s1+$0xFFFFFF70];
	v6 =	vadd.f32 v6, v8;
	v13 =	vadd.f32 v7, v13  }
0x1d1: {  	v8 =	vld [tilespmem:s1+$0xFFFFFFE0];
	v15 =	vadd.f32 v9, v15;
	v16 =	vadd.f32 v11, v16  }
0x1d2: {  	v11 =	vld [tilespmem:s1+$0xFFFFFFF0];
	v7 =	vadd.f32 v4, v6;
	v6 =	vadd.f32 v5, v13  }
0x1d3: {  	v9 =	vld [tilespmem:s1+$0x60];
	v5 =	vadd.f32 v10, v15;
	v4 =	vadd.f32 v12, v16  }
0x1d4: {  	v13 =	vadd.f32 v23, v20;
	v16 =	vadd.f32 v24, v20;
	v12 =	vld [tilespmem:s1+$0x70]  }
0x1d5: {  	v10 =	vld [tilespmem:s1+$0xE0];
	v15 =	vadd.f32 v14, v20;
	v14 =	vadd.f32 v17, v20  }
0x1d6: {  	s0 =	simm.s32 $0x0;
	v17 =	vadd.f32 v21, v13;
	v16 =	vadd.f32 v22, v16;
	v13 =	vld [tilespmem:s1+$0xF0];
	s1 =	simm.s32 $0x12F00  }
.LBB2_14:
0x1d7: {  	v18 =	vld [tilespmem:s1+$0x80];
	v8 =	vadd.f32 v8, v15;
	v11 =	vadd.f32 v11, v14  }
0x1d8: {  	v14 =	vld [tilespmem:s1+$0x90];
	v3 =	vadd.f32 v3, v17;
	v2 =	vadd.f32 v2, v16  }
0x1d9: {  	v15 =	vld [tilespmem:s1+$0xA0];
	v8 =	vadd.f32 v9, v8;
	v9 =	vadd.f32 v12, v11  }
0x1da: {  	v12 =	vld [tilespmem:s1+$0xB0];
	v16 =	vadd.f32 v0, v3;
	v17 =	vadd.f32 v1, v2  }
0x1db: {  	v0 =	vld [tilespmem:s1+$0xC0];
	v10 =	vadd.f32 v10, v8;
	v13 =	vadd.f32 v13, v9  }
0x1dc: {  	v1 =	vld [tilespmem:s1+$0xD0]  }
0x1dd: {  	v8 =	vld [tilespmem:s1+$0x0]  }
0x1de: {  	v9 =	vld [tilespmem:s1+$0x10]  }
0x1df: {  	v11 =	vld [tilespmem:s1+$0x20]  }
0x1e0: {  	v19 =	vld [tilespmem:s1+$0x30]  }
0x1e1: {  	v3 =	vld [tilespmem:s1+$0x40]  }
0x1e2: {  	v2 =	vld [tilespmem:s1+$0x50]  }
0x1e3: {  	v20 =	vld [tilespmem:s1+$0xFFFFFF80]  }
0x1e4: {  	v21 =	vld [tilespmem:s1+$0xFFFFFF90]  }
0x1e5: {  	v22 =	vld [tilespmem:s1+$0xFFFFFF00]  }
0x1e6: {  	v23 =	vld [tilespmem:s1+$0xFFFFFF10]  }
0x1e7: {  	v24 =	vld [tilespmem:s1+$0xFFFFFF20]  }
0x1e8: {  	v25 =	vld [tilespmem:s1+$0xFFFFFF30]  }
0x1e9: {  	v26 =	vld [tilespmem:s1+$0xFFFFFFA0]  }
0x1ea: {  	v27 =	vld [tilespmem:s1+$0xFFFFFFB0]  }
0x1eb: {  	v28 =	vld [tilespmem:s1+$0xFFFFFFC0]  }
0x1ec: {  	v7 =	vadd.f32 v22, v7;
	v6 =	vadd.f32 v23, v6;
	v22 =	vld [tilespmem:s1+$0xFFFFFFD0]  }
0x1ed: {  	v5 =	vadd.f32 v24, v5;
	v4 =	vadd.f32 v25, v4;
	v23 =	vld [tilespmem:s1+$0xFFFFFF40]  }
0x1ee: {  	v7 =	vadd.f32 v20, v7;
	v6 =	vadd.f32 v21, v6;
	v24 =	vld [tilespmem:s1+$0xFFFFFF50]  }
0x1ef: {  	v5 =	vadd.f32 v26, v5;
	v20 =	vld [tilespmem:s1+$0xFFFFFF60];
	v4 =	vadd.f32 v27, v4  }
0x1f0: {  	s0 =	sadd.s32 $0x4, s0;
	v7 =	vadd.f32 v8, v7;
	v6 =	vadd.f32 v9, v6;
	v21 =	vld [tilespmem:s1+$0xFFFFFF70]  }
0x1f1: {  	p0 =	slt.u32 s0, $0xC4;
	v5 =	vadd.f32 v11, v5;
	v8 =	vld [tilespmem:s1+$0xFFFFFFE0];
	v4 =	vadd.f32 v19, v4  }
.Ltmp6:
0x1f2: {  	v7 =	vadd.f32 v18, v7;
	v6 =	vadd.f32 v14, v6;
	v11 =	vld [tilespmem:s1+$0xFFFFFFF0];
	(pc) =	sbr.rel @p0 .LBB2_14-.Ltmp6, $4  }
0x1f3: {  	v5 =	vadd.f32 v15, v5;
	v9 =	vld [tilespmem:s1+$0x60];
	v4 =	vadd.f32 v12, v4  }
0x1f4: {  	v16 =	vadd.f32 v23, v16;
	v18 =	vadd.f32 v24, v17;
	v12 =	vld [tilespmem:s1+$0x70]  }
0x1f5: {  	v15 =	vadd.f32 v20, v10;
	v14 =	vadd.f32 v21, v13;
	v10 =	vld [tilespmem:s1+$0xE0]  }
0x1f6: {  	v17 =	vadd.f32 v28, v16;
	v16 =	vadd.f32 v22, v18;
	v13 =	vld [tilespmem:s1+$0xF0];
	s1 =	sadd.s32 $0x200, s1  }
0x1f7: {  	_ = 	snop  }
0x1f8: {  	v8 =	vadd.f32 v8, v15;
	v7 =	vmul.f32 $4.999999890e-03, v7;
	v3 =	vadd.f32 v3, v17  }
0x1f9: {  	v11 =	vadd.f32 v11, v14;
	v6 =	vmul.f32 $4.999999890e-03, v6;
	v2 =	vadd.f32 v2, v16  }
0x1fa: {  	v8 =	vadd.f32 v9, v8;
	[tilespmem:$0x1CE80] =	vst v7;
	v0 =	vadd.f32 v0, v3;
	v3 =	vmul.f32 $4.999999890e-03, v5  }
0x1fb: {  	[tilespmem:$0x1CE90] =	vst v6;
	v5 =	vadd.f32 v12, v11;
	v1 =	vadd.f32 v1, v2;
	v2 =	vmul.f32 $4.999999890e-03, v4  }
0x1fc: {  	v4 =	vadd.f32 v10, v8;
	[tilespmem:$0x1CEA0] =	vst v3;
	v0 =	vmul.f32 $4.999999890e-03, v0  }
0x1fd: {  	v3 =	vadd.f32 v13, v5;
	[tilespmem:$0x1CEB0] =	vst v2;
	v1 =	vmul.f32 $4.999999890e-03, v1  }
0x1fe: {  	[tilespmem:$0x1CEC0] =	vst v0;
	v0 =	vmul.f32 $4.999999890e-03, v4  }
0x1ff: {  	[tilespmem:$0x1CED0] =	vst v1;
	v1 =	vmul.f32 $4.999999890e-03, v3  }
0x200: {  	[tilespmem:$0x1CEE0] =	vst v0  }
0x201: {  	[tilespmem:$0x1CEF0] =	vst v1  }
0x202: {  	_ =	swait.ge [sflag:s20], $0x6400  }
0x203: {  	[sflag:s20] =	ssyncset.done $0x0  }
0x204: {  	s1 =	simm.s32 $0x6500;
	[sflag:s20] =	ssyncadd.s32 $0xFFFF9C00  }
0x205: {  	v4 =	vld [tilespmem:s1+$0x80]  }
0x206: {  	v5 =	vld [tilespmem:s1+$0x90]  }
0x207: {  	v10 =	vld [tilespmem:s1+$0xA0]  }
0x208: {  	v12 =	vld [tilespmem:s1+$0xB0]  }
0x209: {  	v0 =	vld [tilespmem:s1+$0xC0]  }
0x20a: {  	v1 =	vld [tilespmem:s1+$0xD0]  }
0x20b: {  	v6 =	vld [tilespmem:s1+$0x0]  }
0x20c: {  	v7 =	vld [tilespmem:s1+$0x10]  }
0x20d: {  	v9 =	vld [tilespmem:s1+$0x20]  }
0x20e: {  	v11 =	vld [tilespmem:s1+$0x30]  }
0x20f: {  	v3 =	vld [tilespmem:s1+$0x40]  }
0x210: {  	v2 =	vld [tilespmem:s1+$0x50]  }
0x211: {  	v8 =	vld [tilespmem:s1+$0xFFFFFF80]  }
0x212: {  	v13 =	vld [tilespmem:s1+$0xFFFFFF90]  }
0x213: {  	v14 =	vld [tilespmem:s1+$0xFFFFFF00]  }
0x214: {  	v15 =	vld [tilespmem:s1+$0xFFFFFF10]  }
0x215: {  	v16 =	vld [tilespmem:s1+$0xFFFFFF20]  }
0x216: {  	v17 =	vld [tilespmem:s1+$0xFFFFFF30]  }
0x217: {  	v18 =	vld [tilespmem:s1+$0xFFFFFFA0]  }
0x218: {  	v19 =	vld [tilespmem:s1+$0xFFFFFFB0]  }
0x219: {  	v20 =	vimm.f32 $0.0e+00;
	v21 =	vld [tilespmem:s1+$0xFFFFFFC0]  }
0x21a: {  	v22 =	vld [tilespmem:s1+$0xFFFFFFD0];
	v14 =	vadd.f32 v14, v20;
	v15 =	vadd.f32 v15, v20  }
0x21b: {  	v23 =	vld [tilespmem:s1+$0xFFFFFF40];
	v16 =	vadd.f32 v16, v20;
	v17 =	vadd.f32 v17, v20  }
0x21c: {  	v24 =	vld [tilespmem:s1+$0xFFFFFF50];
	v8 =	vadd.f32 v8, v14;
	v13 =	vadd.f32 v13, v15  }
0x21d: {  	v14 =	vld [tilespmem:s1+$0xFFFFFF60];
	v15 =	vadd.f32 v18, v16;
	v16 =	vadd.f32 v19, v17  }
0x21e: {  	v17 =	vld [tilespmem:s1+$0xFFFFFF70];
	v6 =	vadd.f32 v6, v8;
	v13 =	vadd.f32 v7, v13  }
0x21f: {  	v8 =	vld [tilespmem:s1+$0xFFFFFFE0];
	v15 =	vadd.f32 v9, v15;
	v16 =	vadd.f32 v11, v16  }
0x220: {  	v11 =	vld [tilespmem:s1+$0xFFFFFFF0];
	v7 =	vadd.f32 v4, v6;
	v6 =	vadd.f32 v5, v13  }
0x221: {  	v9 =	vld [tilespmem:s1+$0x60];
	v5 =	vadd.f32 v10, v15;
	v4 =	vadd.f32 v12, v16  }
0x222: {  	v13 =	vadd.f32 v23, v20;
	v16 =	vadd.f32 v24, v20;
	v12 =	vld [tilespmem:s1+$0x70]  }
0x223: {  	v10 =	vld [tilespmem:s1+$0xE0];
	v15 =	vadd.f32 v14, v20;
	v14 =	vadd.f32 v17, v20  }
0x224: {  	s0 =	simm.s32 $0x0;
	v17 =	vadd.f32 v21, v13;
	v16 =	vadd.f32 v22, v16;
	v13 =	vld [tilespmem:s1+$0xF0];
	s1 =	simm.s32 $0x6700  }
.LBB2_16:
0x225: {  	v18 =	vld [tilespmem:s1+$0x80];
	v8 =	vadd.f32 v8, v15;
	v11 =	vadd.f32 v11, v14  }
0x226: {  	v14 =	vld [tilespmem:s1+$0x90];
	v3 =	vadd.f32 v3, v17;
	v2 =	vadd.f32 v2, v16  }
0x227: {  	v15 =	vld [tilespmem:s1+$0xA0];
	v8 =	vadd.f32 v9, v8;
	v9 =	vadd.f32 v12, v11  }
0x228: {  	v12 =	vld [tilespmem:s1+$0xB0];
	v16 =	vadd.f32 v0, v3;
	v17 =	vadd.f32 v1, v2  }
0x229: {  	v0 =	vld [tilespmem:s1+$0xC0];
	v10 =	vadd.f32 v10, v8;
	v13 =	vadd.f32 v13, v9  }
0x22a: {  	v1 =	vld [tilespmem:s1+$0xD0]  }
0x22b: {  	v8 =	vld [tilespmem:s1+$0x0]  }
0x22c: {  	v9 =	vld [tilespmem:s1+$0x10]  }
0x22d: {  	v11 =	vld [tilespmem:s1+$0x20]  }
0x22e: {  	v19 =	vld [tilespmem:s1+$0x30]  }
0x22f: {  	v3 =	vld [tilespmem:s1+$0x40]  }
0x230: {  	v2 =	vld [tilespmem:s1+$0x50]  }
0x231: {  	v20 =	vld [tilespmem:s1+$0xFFFFFF80]  }
0x232: {  	v21 =	vld [tilespmem:s1+$0xFFFFFF90]  }
0x233: {  	v22 =	vld [tilespmem:s1+$0xFFFFFF00]  }
0x234: {  	v23 =	vld [tilespmem:s1+$0xFFFFFF10]  }
0x235: {  	v24 =	vld [tilespmem:s1+$0xFFFFFF20]  }
0x236: {  	v25 =	vld [tilespmem:s1+$0xFFFFFF30]  }
0x237: {  	v26 =	vld [tilespmem:s1+$0xFFFFFFA0]  }
0x238: {  	v27 =	vld [tilespmem:s1+$0xFFFFFFB0]  }
0x239: {  	v28 =	vld [tilespmem:s1+$0xFFFFFFC0]  }
0x23a: {  	v7 =	vadd.f32 v22, v7;
	v6 =	vadd.f32 v23, v6;
	v22 =	vld [tilespmem:s1+$0xFFFFFFD0]  }
0x23b: {  	v5 =	vadd.f32 v24, v5;
	v4 =	vadd.f32 v25, v4;
	v23 =	vld [tilespmem:s1+$0xFFFFFF40]  }
0x23c: {  	v7 =	vadd.f32 v20, v7;
	v6 =	vadd.f32 v21, v6;
	v24 =	vld [tilespmem:s1+$0xFFFFFF50]  }
0x23d: {  	v5 =	vadd.f32 v26, v5;
	v20 =	vld [tilespmem:s1+$0xFFFFFF60];
	v4 =	vadd.f32 v27, v4  }
0x23e: {  	s0 =	sadd.s32 $0x4, s0;
	v7 =	vadd.f32 v8, v7;
	v6 =	vadd.f32 v9, v6;
	v21 =	vld [tilespmem:s1+$0xFFFFFF70]  }
0x23f: {  	p0 =	slt.u32 s0, $0xC4;
	v5 =	vadd.f32 v11, v5;
	v8 =	vld [tilespmem:s1+$0xFFFFFFE0];
	v4 =	vadd.f32 v19, v4  }
.Ltmp7:
0x240: {  	v7 =	vadd.f32 v18, v7;
	v6 =	vadd.f32 v14, v6;
	v11 =	vld [tilespmem:s1+$0xFFFFFFF0];
	(pc) =	sbr.rel @p0 .LBB2_16-.Ltmp7, $4  }
0x241: {  	v5 =	vadd.f32 v15, v5;
	v9 =	vld [tilespmem:s1+$0x60];
	v4 =	vadd.f32 v12, v4  }
0x242: {  	v16 =	vadd.f32 v23, v16;
	v18 =	vadd.f32 v24, v17;
	v12 =	vld [tilespmem:s1+$0x70]  }
0x243: {  	v15 =	vadd.f32 v20, v10;
	v14 =	vadd.f32 v21, v13;
	v10 =	vld [tilespmem:s1+$0xE0]  }
0x244: {  	v17 =	vadd.f32 v28, v16;
	v16 =	vadd.f32 v22, v18;
	v13 =	vld [tilespmem:s1+$0xF0];
	s1 =	sadd.s32 $0x200, s1  }
0x245: {  	_ = 	snop  }
0x246: {  	v8 =	vadd.f32 v8, v15;
	v7 =	vmul.f32 $4.999999890e-03, v7;
	v3 =	vadd.f32 v3, v17  }
0x247: {  	v11 =	vadd.f32 v11, v14;
	v6 =	vmul.f32 $4.999999890e-03, v6;
	v2 =	vadd.f32 v2, v16  }
0x248: {  	v8 =	vadd.f32 v9, v8;
	[tilespmem:$0x1CF00] =	vst v7;
	v0 =	vadd.f32 v0, v3;
	v3 =	vmul.f32 $4.999999890e-03, v5  }
0x249: {  	[tilespmem:$0x1CF10] =	vst v6;
	v5 =	vadd.f32 v12, v11;
	v1 =	vadd.f32 v1, v2;
	v2 =	vmul.f32 $4.999999890e-03, v4  }
0x24a: {  	v4 =	vadd.f32 v10, v8;
	[tilespmem:$0x1CF20] =	vst v3;
	v0 =	vmul.f32 $4.999999890e-03, v0  }
0x24b: {  	v3 =	vadd.f32 v13, v5;
	[tilespmem:$0x1CF30] =	vst v2;
	v1 =	vmul.f32 $4.999999890e-03, v1  }
0x24c: {  	[tilespmem:$0x1CF40] =	vst v0;
	v0 =	vmul.f32 $4.999999890e-03, v4  }
0x24d: {  	[tilespmem:$0x1CF50] =	vst v1;
	v1 =	vmul.f32 $4.999999890e-03, v3  }
0x24e: {  	[tilespmem:$0x1CF60] =	vst v0  }
0x24f: {  	[tilespmem:$0x1CF70] =	vst v1  }
0x250: {  	_ =	swait.ge [sflag:s21], $0x6400  }
0x251: {  	[sflag:s21] =	ssyncset.done $0x0  }
0x252: {  	s1 =	simm.s32 $0xC900;
	[sflag:s21] =	ssyncadd.s32 $0xFFFF9C00  }
0x253: {  	v4 =	vld [tilespmem:s1+$0x80]  }
0x254: {  	v5 =	vld [tilespmem:s1+$0x90]  }
0x255: {  	v10 =	vld [tilespmem:s1+$0xA0]  }
0x256: {  	v12 =	vld [tilespmem:s1+$0xB0]  }
0x257: {  	v0 =	vld [tilespmem:s1+$0xC0]  }
0x258: {  	v1 =	vld [tilespmem:s1+$0xD0]  }
0x259: {  	v6 =	vld [tilespmem:s1+$0x0]  }
0x25a: {  	v7 =	vld [tilespmem:s1+$0x10]  }
0x25b: {  	v9 =	vld [tilespmem:s1+$0x20]  }
0x25c: {  	v11 =	vld [tilespmem:s1+$0x30]  }
0x25d: {  	v3 =	vld [tilespmem:s1+$0x40]  }
0x25e: {  	v2 =	vld [tilespmem:s1+$0x50]  }
0x25f: {  	v8 =	vld [tilespmem:s1+$0xFFFFFF80]  }
0x260: {  	v13 =	vld [tilespmem:s1+$0xFFFFFF90]  }
0x261: {  	v14 =	vld [tilespmem:s1+$0xFFFFFF00]  }
0x262: {  	v15 =	vld [tilespmem:s1+$0xFFFFFF10]  }
0x263: {  	v16 =	vld [tilespmem:s1+$0xFFFFFF20]  }
0x264: {  	v17 =	vld [tilespmem:s1+$0xFFFFFF30]  }
0x265: {  	v18 =	vld [tilespmem:s1+$0xFFFFFFA0]  }
0x266: {  	v19 =	vld [tilespmem:s1+$0xFFFFFFB0]  }
0x267: {  	v20 =	vimm.f32 $0.0e+00;
	v21 =	vld [tilespmem:s1+$0xFFFFFFC0]  }
0x268: {  	v22 =	vld [tilespmem:s1+$0xFFFFFFD0];
	v14 =	vadd.f32 v14, v20;
	v15 =	vadd.f32 v15, v20  }
0x269: {  	v23 =	vld [tilespmem:s1+$0xFFFFFF40];
	v16 =	vadd.f32 v16, v20;
	v17 =	vadd.f32 v17, v20  }
0x26a: {  	v24 =	vld [tilespmem:s1+$0xFFFFFF50];
	v8 =	vadd.f32 v8, v14;
	v13 =	vadd.f32 v13, v15  }
0x26b: {  	v14 =	vld [tilespmem:s1+$0xFFFFFF60];
	v15 =	vadd.f32 v18, v16;
	v16 =	vadd.f32 v19, v17  }
0x26c: {  	v17 =	vld [tilespmem:s1+$0xFFFFFF70];
	v6 =	vadd.f32 v6, v8;
	v13 =	vadd.f32 v7, v13  }
0x26d: {  	v8 =	vld [tilespmem:s1+$0xFFFFFFE0];
	v15 =	vadd.f32 v9, v15;
	v16 =	vadd.f32 v11, v16  }
0x26e: {  	v11 =	vld [tilespmem:s1+$0xFFFFFFF0];
	v7 =	vadd.f32 v4, v6;
	v6 =	vadd.f32 v5, v13  }
0x26f: {  	v9 =	vld [tilespmem:s1+$0x60];
	v5 =	vadd.f32 v10, v15;
	v4 =	vadd.f32 v12, v16  }
0x270: {  	v13 =	vadd.f32 v23, v20;
	v16 =	vadd.f32 v24, v20;
	v12 =	vld [tilespmem:s1+$0x70]  }
0x271: {  	v10 =	vld [tilespmem:s1+$0xE0];
	v15 =	vadd.f32 v14, v20;
	v14 =	vadd.f32 v17, v20  }
0x272: {  	s0 =	simm.s32 $0x0;
	v17 =	vadd.f32 v21, v13;
	v16 =	vadd.f32 v22, v16;
	v13 =	vld [tilespmem:s1+$0xF0];
	s1 =	simm.s32 $0xCB00  }
.LBB2_18:
0x273: {  	v18 =	vld [tilespmem:s1+$0x80];
	v8 =	vadd.f32 v8, v15;
	v11 =	vadd.f32 v11, v14  }
0x274: {  	v14 =	vld [tilespmem:s1+$0x90];
	v3 =	vadd.f32 v3, v17;
	v2 =	vadd.f32 v2, v16  }
0x275: {  	v15 =	vld [tilespmem:s1+$0xA0];
	v8 =	vadd.f32 v9, v8;
	v9 =	vadd.f32 v12, v11  }
0x276: {  	v12 =	vld [tilespmem:s1+$0xB0];
	v16 =	vadd.f32 v0, v3;
	v17 =	vadd.f32 v1, v2  }
0x277: {  	v0 =	vld [tilespmem:s1+$0xC0];
	v10 =	vadd.f32 v10, v8;
	v13 =	vadd.f32 v13, v9  }
0x278: {  	v1 =	vld [tilespmem:s1+$0xD0]  }
0x279: {  	v8 =	vld [tilespmem:s1+$0x0]  }
0x27a: {  	v9 =	vld [tilespmem:s1+$0x10]  }
0x27b: {  	v11 =	vld [tilespmem:s1+$0x20]  }
0x27c: {  	v19 =	vld [tilespmem:s1+$0x30]  }
0x27d: {  	v3 =	vld [tilespmem:s1+$0x40]  }
0x27e: {  	v2 =	vld [tilespmem:s1+$0x50]  }
0x27f: {  	v20 =	vld [tilespmem:s1+$0xFFFFFF80]  }
0x280: {  	v21 =	vld [tilespmem:s1+$0xFFFFFF90]  }
0x281: {  	v22 =	vld [tilespmem:s1+$0xFFFFFF00]  }
0x282: {  	v23 =	vld [tilespmem:s1+$0xFFFFFF10]  }
0x283: {  	v24 =	vld [tilespmem:s1+$0xFFFFFF20]  }
0x284: {  	v25 =	vld [tilespmem:s1+$0xFFFFFF30]  }
0x285: {  	v26 =	vld [tilespmem:s1+$0xFFFFFFA0]  }
0x286: {  	v27 =	vld [tilespmem:s1+$0xFFFFFFB0]  }
0x287: {  	v28 =	vld [tilespmem:s1+$0xFFFFFFC0]  }
0x288: {  	v7 =	vadd.f32 v22, v7;
	v6 =	vadd.f32 v23, v6;
	v22 =	vld [tilespmem:s1+$0xFFFFFFD0]  }
0x289: {  	v5 =	vadd.f32 v24, v5;
	v4 =	vadd.f32 v25, v4;
	v23 =	vld [tilespmem:s1+$0xFFFFFF40]  }
0x28a: {  	v7 =	vadd.f32 v20, v7;
	v6 =	vadd.f32 v21, v6;
	v24 =	vld [tilespmem:s1+$0xFFFFFF50]  }
0x28b: {  	v5 =	vadd.f32 v26, v5;
	v20 =	vld [tilespmem:s1+$0xFFFFFF60];
	v4 =	vadd.f32 v27, v4  }
0x28c: {  	s0 =	sadd.s32 $0x4, s0;
	v7 =	vadd.f32 v8, v7;
	v6 =	vadd.f32 v9, v6;
	v21 =	vld [tilespmem:s1+$0xFFFFFF70]  }
0x28d: {  	p0 =	slt.u32 s0, $0xC4;
	v5 =	vadd.f32 v11, v5;
	v8 =	vld [tilespmem:s1+$0xFFFFFFE0];
	v4 =	vadd.f32 v19, v4  }
.Ltmp8:
0x28e: {  	v7 =	vadd.f32 v18, v7;
	v6 =	vadd.f32 v14, v6;
	v11 =	vld [tilespmem:s1+$0xFFFFFFF0];
	(pc) =	sbr.rel @p0 .LBB2_18-.Ltmp8, $4  }
0x28f: {  	v5 =	vadd.f32 v15, v5;
	v9 =	vld [tilespmem:s1+$0x60];
	v4 =	vadd.f32 v12, v4  }
0x290: {  	v16 =	vadd.f32 v23, v16;
	v18 =	vadd.f32 v24, v17;
	v12 =	vld [tilespmem:s1+$0x70]  }
0x291: {  	v15 =	vadd.f32 v20, v10;
	v14 =	vadd.f32 v21, v13;
	v10 =	vld [tilespmem:s1+$0xE0]  }
0x292: {  	v17 =	vadd.f32 v28, v16;
	v16 =	vadd.f32 v22, v18;
	v13 =	vld [tilespmem:s1+$0xF0];
	s1 =	sadd.s32 $0x200, s1  }
0x293: {  	_ = 	snop  }
0x294: {  	v8 =	vadd.f32 v8, v15;
	v7 =	vmul.f32 $4.999999890e-03, v7;
	v3 =	vadd.f32 v3, v17  }
0x295: {  	v11 =	vadd.f32 v11, v14;
	v6 =	vmul.f32 $4.999999890e-03, v6;
	v2 =	vadd.f32 v2, v16  }
0x296: {  	v57 =	vmul.f32 $4.999999890e-03, v5;
	v8 =	vadd.f32 v9, v8;
	[tilespmem:$0x1CF80] =	vst v7;
	v0 =	vadd.f32 v0, v3  }
0x297: {  	v59 =	vmul.f32 $4.999999890e-03, v4;
	v58 =	vadd.f32 v12, v11;
	[tilespmem:$0x1CF90] =	vst v6;
	v1 =	vadd.f32 v1, v2  }
0x298: {  	[tilespmem:$0x1CFA0] =	vst v57;
	v60 =	vadd.f32 v10, v8;
	v0 =	vmul.f32 $4.999999890e-03, v0  }
0x299: {  	[tilespmem:$0x1CFB0] =	vst v59;
	v61 =	vadd.f32 v13, v58;
	v1 =	vmul.f32 $4.999999890e-03, v1  }
0x29a: {  	v62 =	vmul.f32 $4.999999890e-03, v60;
	[tilespmem:$0x1CFC0] =	vst v0  }
0x29b: {  	s29 =	sadd.s32 $0x1, s29;
	v63 =	vmul.f32 $4.999999890e-03, v61;
	[tilespmem:$0x1CFD0] =	vst v1  }
0x29c: {  	p0 =	sne.s32 s29, s6;
	[tilespmem:$0x1CFE0] =	vst v62  }
.Ltmp9:
0x29d: {  	[tilespmem:$0x1CFF0] =	vst v63;
	(pc) =	sbr.rel @p0 .LBB2_1-.Ltmp9, $4  }
0x29e: {  	[hbm4b:s5+s3] =	stream.linear.scatter [tilespmem:s28], [sflag:$0x4], $0x4000, $0x38;
	[tilespmem:$0x1D000] =	vst v63  }
0x29f: {  	_ =	swait.ge [sflag:s7], $0x4000  }
0x2a0: {  	[sflag:s7] =	ssyncset.done $0x0  }
0x2a1: {  	[sflag:s7] =	ssyncadd.s32 $0xFFFFC000  }
0x2a2: {  	_ =	sfence.sel $0x180000  }
0x2a3: {  	[bflag:$0x0] =	sbarrier.arrive $0xFFFF  }
0x2a4: {  	_ =	strace $0x90000047  }
0x2a5: {  	s0 =	stileid.u32;
	[bflag:$0x2] =	sbarrier.arrive $0xFFFF  }
0x2a6: {  	p0 =	sne.s32 s0, $0x0;
	s0 =	rddreg [dreg:$0x3]  }
0x2a7: {  	s0 =	sadd.s32 @!p0 $0x100000, s0  }
0x2a8: {  	[sflag:s0] =	ssyncadd.tile.s32 @!p0 $0x1;
	_ =	shalt  }
.Lfunc_end2:
_tile_overlayer_lowered:
.L_overlay_start_2:
0x2a9: {  	(tag) =	ssettag $0x2  }
0x2aa: {  	s0 =	rddreg [dreg:$0x0];
	s2 =	stileid.u32  }
0x2ab: {  	s1 =	rddreg [dreg:$0x1];
	p0 =	sne.s32 s2, $0x0  }
0x2ac: {  	s3 =	rddreg [dreg:$0x2];
	[bflag:$0x3] =	sbarrier.arrive $0xFFFF;
	s2 =	simm.s32 @!p0 $0x1C04  }
0x2ad: {  	[timem:s3], [sflag:s2] =	dma.local @!p0 [hbm:s0], s1  }
0x2ae: {  	s0 =	simm.s32 @!p0 $0x4  }
0x2af: {  	_ =	swait.ge @!p0 [sflag:s0], s1  }
0x2b0: {  	s1 =	ssub.s32 @!p0 $0x0, s1;
	[sflag:s0] =	ssyncset.done @!p0 $0x0  }
0x2b1: {  	[sflag:s0] =	ssyncadd.s32 @!p0 s1  }
0x2b2: {  	[bflag:$0x3] =	sbarrier.arrive $0xFFFF  }
0x2b3: {  	_ =	shalt  }

</sc_bundles>
